<compile_context>
chip_gen: v7x
topology: tpu7x:2x2x1
jax: 0.10.2.dev20260603
libtpu: 0.0.44.dev20260713+nightly
codegen_flags: <defaults>
</compile_context>

<pallas_src>
import functools
import math

import jax
import jax.numpy as jnp
from jax import lax
from jax.experimental import pallas as pl
from jax.experimental.pallas import tpu as pltpu
from jax.experimental.pallas import tpu_sc as plsc

N = 10000
E = 320000
F = 128
H = 256
K = 16

NPAD = 10240
PADIDX = N
EB = 128
NBLK = 2528
EPAD = NBLK * EB
ROWS_PER_TILE = NPAD // 16

_mesh = plsc.VectorSubcoreMesh(core_axis_name="c", subcore_axis_name="s")


def _deg_body(rowi_hbm, coli_hbm, onesa_hbm, onesb_hbm, deg_hbm,
              acc, onesa_v, onesb_v, zbuf):
    c = lax.axis_index("c")
    s = lax.axis_index("s")
    pltpu.sync_copy(onesa_hbm, onesa_v)
    pltpu.sync_copy(onesb_hbm, onesb_v)
    z = s * ROWS_PER_TILE
    _zero_acc(acc, zbuf, z)
    plsc.subcore_barrier()

    def body(ri_v, ci_v):
        pltpu.sync_copy(onesa_v, acc.at[ci_v.at[0]], add=True)
        pltpu.sync_copy(onesb_v, acc.at[ri_v.at[0]], add=True)

    pltpu.emit_pipeline(
        body,
        grid=(NBLK,),
        in_specs=[
            pl.BlockSpec((1, EB), lambda i: (i, 0)),
            pl.BlockSpec((1, EB), lambda i: (i, 0)),
        ],
        out_specs=[],
        core_axis_name=("c", "s"),
        dimension_semantics=(pltpu.PARALLEL,),
    )(rowi_hbm, coli_hbm)

    plsc.subcore_barrier()
    pltpu.sync_copy(acc.at[pl.ds(z, ROWS_PER_TILE)],
                    deg_hbm.at[c].at[pl.ds(z, ROWS_PER_TILE)])


def _zero_acc(acc, zsrc_v, base):
    nz, cw = zsrc_v.shape

    @pl.loop(0, nz)
    def _(i):
        @pl.loop(0, cw, step=16)
        def _(j):
            zsrc_v[i, pl.ds(j, 16)] = jnp.zeros((16,), jnp.float32)

    @pl.loop(0, ROWS_PER_TILE, step=nz)
    def _(r):
        pltpu.sync_copy(zsrc_v, acc.at[pl.ds(base + r, nz)])


def _spmm_body(x_hbm, rowi_hbm, coli_hbm, out_hbm, acc, gbuf, zbuf):
    c = lax.axis_index("c")
    s = lax.axis_index("s")
    z = s * ROWS_PER_TILE
    _zero_acc(acc, zbuf, z)
    plsc.subcore_barrier()
    xc = x_hbm.at[c]

    def body(ri_v, ci_v):
        pltpu.sync_copy(xc.at[ci_v.at[0]], gbuf)
        pltpu.sync_copy(gbuf, acc.at[ri_v.at[0]], add=True)
        pltpu.sync_copy(xc.at[ci_v.at[1]], gbuf)
        pltpu.sync_copy(gbuf, acc.at[ri_v.at[1]], add=True)

    pltpu.emit_pipeline(
        body,
        grid=(NBLK // 2,),
        in_specs=[
            pl.BlockSpec((2, EB), lambda i: (i, 0)),
            pl.BlockSpec((2, EB), lambda i: (i, 0)),
        ],
        out_specs=[],
        core_axis_name="s",
        dimension_semantics=(pltpu.PARALLEL,),
    )(rowi_hbm, coli_hbm)

    plsc.subcore_barrier()
    pltpu.sync_copy(acc.at[pl.ds(z, ROWS_PER_TILE)],
                    out_hbm.at[c].at[pl.ds(z, ROWS_PER_TILE)])


def _spmm_b_body(s_hbm, rowi_hbm, coli_hbm, out_hbm, acc, gbuf, zbuf):
    c = lax.axis_index("c")
    s = lax.axis_index("s")
    z = s * ROWS_PER_TILE
    _zero_acc(acc, zbuf, z)
    plsc.subcore_barrier()

    def body(ri_v, ci_v):
        pltpu.sync_copy(s_hbm.at[ci_v.at[0]], gbuf)
        pltpu.sync_copy(gbuf, acc.at[ri_v.at[0]], add=True)

    pltpu.emit_pipeline(
        body,
        grid=(NBLK,),
        in_specs=[
            pl.BlockSpec((1, EB), lambda i: (i, 0)),
            pl.BlockSpec((1, EB), lambda i: (i, 0)),
        ],
        out_specs=[],
        core_axis_name=("c", "s"),
        dimension_semantics=(pltpu.PARALLEL,),
    )(rowi_hbm, coli_hbm)

    plsc.subcore_barrier()
    pltpu.sync_copy(acc.at[pl.ds(z, ROWS_PER_TILE)],
                    out_hbm.at[c].at[pl.ds(z, ROWS_PER_TILE)])


RB = 512
NRB = NPAD // RB


def _prescale_kernel(f_ref, a_ref, deg_ref, x_ref):
    i = pl.program_id(0)
    deg_in = deg_ref[0, :, 0:1] + deg_ref[1, :, 0:1]
    dc = 1.0 / jnp.sqrt(jnp.maximum(deg_in, 1.0))
    rows = i * RB + lax.broadcasted_iota(jnp.int32, (RB, 1), 0)
    valid = rows < N
    x0 = jnp.where(valid, dc * f_ref[...], 0.0)
    x1 = jnp.where(valid, dc * a_ref[...], 0.0)
    x_ref[0] = x0
    x_ref[1] = x1


def _selu(x):
    alpha = 1.6732632423543772848170429916717
    scale = 1.0507009873554804934193349852946
    return scale * jnp.where(x > 0, x, alpha * (jnp.exp(x) - 1.0))


def _dense_kernel(y_ref, deg_ref, w1_ref, b1_ref, wt_ref, bt_ref,
                  s_ref, con_ref, cs_ref):
    i = pl.program_id(0)
    deg_out = deg_ref[0, :, 64:65] + deg_ref[1, :, 64:65]
    dr = 1.0 / jnp.sqrt(jnp.maximum(deg_out, 1.0))
    y0 = y_ref[0] * dr
    y1 = y_ref[1] * dr
    w1 = w1_ref[...]
    g = _selu(jnp.dot(y0, w1, preferred_element_type=jnp.float32) + b1_ref[...])
    a = _selu(jnp.dot(y1, w1, preferred_element_type=jnp.float32) + b1_ref[...])
    logits = jnp.dot(g, wt_ref[...], preferred_element_type=jnp.float32) + bt_ref[...]
    m = jnp.max(logits, axis=1, keepdims=True)
    ex = jnp.exp(logits - m)
    sm = ex / jnp.sum(ex, axis=1, keepdims=True)
    rows = i * RB + lax.broadcasted_iota(jnp.int32, (RB, 1), 0)
    valid = rows < N
    sm = jnp.where(valid, sm, 0.0)
    s_ref[...] = jnp.concatenate([sm, jnp.zeros((RB, F - K), jnp.float32)], axis=1)
    gm = jnp.max(g, axis=1, keepdims=True)
    lse = gm + jnp.log(jnp.sum(jnp.exp(g - gm), axis=1, keepdims=True))
    rcon = -jnp.sum(a * g, axis=1, keepdims=True) + lse * jnp.sum(a, axis=1, keepdims=True)
    rcon = jnp.where(valid, rcon, 0.0)

    @pl.when(i == 0)
    def _():
        con_ref[...] = jnp.zeros_like(con_ref)
        cs_ref[...] = jnp.zeros_like(cs_ref)

    con_ref[...] += jnp.sum(rcon, axis=(0, 1), keepdims=True)
    cs_ref[...] += jnp.sum(sm, axis=0, keepdims=True)


def _final_kernel(asp_ref, s_ref, deg_ref, con_ref, cs_ref,
                  loss_ref, t1_ref, nl_ref):
    i = pl.program_id(0)
    asum = asp_ref[0] + asp_ref[1]
    sm = s_ref[...]
    rows = i * RB + lax.broadcasted_iota(jnp.int32, (RB, 1), 0)
    valid = rows < N
    prod = jnp.where(valid, asum * sm, 0.0)
    deg_in = deg_ref[0, :, 0:1] + deg_ref[1, :, 0:1]
    dvec = jnp.where(valid, deg_in, 0.0)

    @pl.when(i == 0)
    def _():
        t1_ref[...] = jnp.zeros_like(t1_ref)
        nl_ref[...] = jnp.zeros_like(nl_ref)

    t1_ref[...] += jnp.sum(prod, axis=(0, 1), keepdims=True)
    nl_ref[...] += jnp.sum(dvec * sm, axis=0, keepdims=True)

    @pl.when(i == pl.num_programs(0) - 1)
    def _():
        ne = float(E)
        t1 = t1_ref[...]
        nl2 = jnp.sum(nl_ref[...] ** 2)
        spectral = -(t1 - nl2 / (2.0 * ne)) / (2.0 * ne)
        cl = jnp.sqrt(jnp.sum(cs_ref[...] ** 2)) / float(N) * math.sqrt(float(K)) - 1.0
        con = con_ref[...] / float(N)
        loss_ref[...] = spectral + cl + con


def kernel(features, aug_features, edge_index, graph_norm_vals, W1, b1, Wt, bt,
           lbl, dense_graph):
    row = edge_index[0].astype(jnp.int32)
    col = edge_index[1].astype(jnp.int32)
    pad = jnp.full((EPAD - E,), PADIDX, dtype=jnp.int32)
    rowp = jnp.concatenate([row, pad]).reshape(NBLK, EB)
    colp = jnp.concatenate([col, pad]).reshape(NBLK, EB)
    onesa = jnp.concatenate(
        [jnp.ones((EB, 64), jnp.float32), jnp.zeros((EB, 64), jnp.float32)], axis=1)
    onesb = jnp.concatenate(
        [jnp.zeros((EB, 64), jnp.float32), jnp.ones((EB, 64), jnp.float32)], axis=1)

    deg_call = pl.kernel(
        _deg_body,
        out_type=jax.ShapeDtypeStruct((2, NPAD, F), jnp.float32),
        mesh=_mesh,
        scratch_types=[
            pltpu.VMEM_SHARED((NPAD, F), jnp.float32),
            pltpu.VMEM((EB, F), jnp.float32),
            pltpu.VMEM((EB, F), jnp.float32),
            pltpu.VMEM((64, F), jnp.float32),
        ],
    )
    deg2 = deg_call(rowp, colp, onesa, onesb)

    fpad = jnp.pad(features, ((0, NPAD - N), (0, 0)))
    apad = jnp.pad(aug_features, ((0, NPAD - N), (0, 0)))
    xs = pl.pallas_call(
        _prescale_kernel,
        grid=(NRB,),
        in_specs=[
            pl.BlockSpec((RB, F), lambda i: (i, 0)),
            pl.BlockSpec((RB, F), lambda i: (i, 0)),
            pl.BlockSpec((2, RB, F), lambda i: (0, i, 0)),
        ],
        out_specs=pl.BlockSpec((2, RB, F), lambda i: (0, i, 0)),
        out_shape=jax.ShapeDtypeStruct((2, NPAD, F), jnp.float32),
    )(fpad, apad, deg2)

    spmm_call = pl.kernel(
        _spmm_body,
        out_type=jax.ShapeDtypeStruct((2, NPAD, F), jnp.float32),
        mesh=_mesh,
        scratch_types=[
            pltpu.VMEM_SHARED((NPAD, F), jnp.float32),
            pltpu.VMEM((EB, F), jnp.float32),
            pltpu.VMEM((64, F), jnp.float32),
        ],
    )
    y = spmm_call(xs, rowp, colp)

    s, con, cs = pl.pallas_call(
        _dense_kernel,
        grid=(NRB,),
        in_specs=[
            pl.BlockSpec((2, RB, F), lambda i: (0, i, 0)),
            pl.BlockSpec((2, RB, F), lambda i: (0, i, 0)),
            pl.BlockSpec((F, H), lambda i: (0, 0)),
            pl.BlockSpec((1, H), lambda i: (0, 0)),
            pl.BlockSpec((H, K), lambda i: (0, 0)),
            pl.BlockSpec((1, K), lambda i: (0, 0)),
        ],
        out_specs=[
            pl.BlockSpec((RB, F), lambda i: (i, 0)),
            pl.BlockSpec((1, 1), lambda i: (0, 0)),
            pl.BlockSpec((1, K), lambda i: (0, 0)),
        ],
        out_shape=[
            jax.ShapeDtypeStruct((NPAD, F), jnp.float32),
            jax.ShapeDtypeStruct((1, 1), jnp.float32),
            jax.ShapeDtypeStruct((1, K), jnp.float32),
        ],
    )(y, deg2, W1, b1.reshape(1, H), Wt, bt.reshape(1, K))

    spmm_b_call = pl.kernel(
        _spmm_b_body,
        out_type=jax.ShapeDtypeStruct((2, NPAD, F), jnp.float32),
        mesh=_mesh,
        scratch_types=[
            pltpu.VMEM_SHARED((NPAD, F), jnp.float32),
            pltpu.VMEM((EB, F), jnp.float32),
            pltpu.VMEM((64, F), jnp.float32),
        ],
    )
    asp = spmm_b_call(s, rowp, colp)

    loss, _t1, _nl = pl.pallas_call(
        _final_kernel,
        grid=(NRB,),
        in_specs=[
            pl.BlockSpec((2, RB, F), lambda i: (0, i, 0)),
            pl.BlockSpec((RB, F), lambda i: (i, 0)),
            pl.BlockSpec((2, RB, F), lambda i: (0, i, 0)),
            pl.BlockSpec((1, 1), lambda i: (0, 0)),
            pl.BlockSpec((1, K), lambda i: (0, 0)),
        ],
        out_specs=[
            pl.BlockSpec((1, 1), lambda i: (0, 0)),
            pl.BlockSpec((1, 1), lambda i: (0, 0)),
            pl.BlockSpec((1, F), lambda i: (0, 0)),
        ],
        out_shape=[
            jax.ShapeDtypeStruct((1, 1), jnp.float32),
            jax.ShapeDtypeStruct((1, 1), jnp.float32),
            jax.ShapeDtypeStruct((1, F), jnp.float32),
        ],
    )(asp, s, deg2, con, cs)

    return loss[0, 0]

# --- scband reference (transcript-rebuilt; emitter-appended) ---
"""Pipeline reference for scband-cat-81269371175150 (READ-ONLY COPY).

The authoritative reference and input builder live on the scoring server;
editing this copy changes nothing except your own understanding.
"""

import jax, jax.numpy as jnp
import numpy as np
import math

N = 10000
E = 320000
F = 128
H = 256
K = 16
CSR = 1.0
CON = 1.0


def setup_inputs(seed: int = 0) -> dict:
    key = jax.random.key(seed)
    ks = jax.random.split(key, 8)
    features = jax.random.normal(ks[0], (N, F), dtype=jnp.float32)
    aug_features = features + 0.1 * jax.random.normal(ks[1], (N, F), dtype=jnp.float32)
    edge_index = jax.random.randint(ks[2], (2, E), 0, N)
    row, col = edge_index[0], edge_index[1]
    deg_out = jnp.zeros((N,), jnp.float32).at[row].add(1.0)
    deg_in = jnp.zeros((N,), jnp.float32).at[col].add(1.0)
    dinv_r = 1.0 / jnp.sqrt(jnp.maximum(deg_out, 1.0))
    dinv_c = 1.0 / jnp.sqrt(jnp.maximum(deg_in, 1.0))
    graph_norm_vals = dinv_r[row] * dinv_c[col]
    W1 = jax.random.normal(ks[3], (F, H), dtype=jnp.float32) * (1.0 / math.sqrt(F))
    b1 = jnp.zeros((H,), jnp.float32)
    Wt = jax.random.normal(ks[4], (H, K), dtype=jnp.float32) * (1.0 / math.sqrt(H))
    bt = jnp.zeros((K,), jnp.float32)
    lbl = jnp.zeros((1, 2 * N), jnp.float32)
    dense_graph = jnp.zeros((1,), jnp.float32)
    return {"features": features, "aug_features": aug_features, "edge_index": edge_index,
            "graph_norm_vals": graph_norm_vals, "W1": W1, "b1": b1, "Wt": Wt, "bt": bt,
            "lbl": lbl, "dense_graph": dense_graph}


def _spmm(row, col, vals, x):
    # out[i] = sum_{e: row[e]==i} vals[e] * x[col[e]]  (== torch.spmm(sparse_A, x))
    return jax.ops.segment_sum(vals[:, None] * x[col], row, num_segments=N)


def reference(features, aug_features, edge_index, graph_norm_vals, W1, b1, Wt, bt, lbl, dense_graph):
    row, col = edge_index[0], edge_index[1]
    # GCN encoder: act(A_norm @ (X W) + b), act = selu
    gcn_out = jax.nn.selu(_spmm(row, col, graph_norm_vals, features @ W1) + b1)
    # transform -> soft cluster assignments (dropout_rate=0.0 -> identity at inference)
    logits = gcn_out @ Wt + bt
    assignments = jax.nn.softmax(logits, axis=1)
    n_edges = float(E)
    # degrees = torch.sparse.sum(graph, dim=0) with unit edge values
    degrees = jax.ops.segment_sum(jnp.ones((E,), jnp.float32), col, num_segments=N)[:, None]
    # graph_pooled = (A S)^T S
    AS = jax.ops.segment_sum(assignments[col], row, num_segments=N)
    graph_pooled = AS.T @ assignments
    normalizer_left = assignments.T @ degrees  # [K,1]
    normalizer = (normalizer_left @ normalizer_left.T) / 2.0 / n_edges
    spectral_loss = -jnp.trace(graph_pooled - normalizer) / 2.0 / n_edges
    loss = spectral_loss
    cluster_sizes = jnp.sum(assignments, axis=0)
    cluster_loss = (jnp.linalg.norm(cluster_sizes) / N * math.sqrt(float(K)) - 1.0) * CSR
    loss = loss + cluster_loss
    # contrastive term: CrossEntropyLoss(gcn_out, aug_out) with soft targets
    aug_out = jax.nn.selu(_spmm(row, col, graph_norm_vals, aug_features @ W1) + b1)
    logp = jax.nn.log_softmax(gcn_out, axis=1)
    con = jnp.mean(-jnp.sum(aug_out * logp, axis=1))
    loss = loss + CON * con
    return loss


if False:  # reference __main__ guard neutralized (emitter)
    inp = setup_inputs()
    out = reference(**inp)
    print(out)

if __name__ == "__main__":
    import jax
    _d = setup_inputs()
    print(jax.jit(kernel)(*tuple(_d.values())))

</pallas_src>

<mosaic_0001>
#map = affine_map<(d0, d1) -> (0, 0)>
#map1 = affine_map<(d0, d1) -> (0, 0, 0)>
module attributes {stable_mosaic.version = 14 : i64} {
  func.func @_deg_body(%arg0: i32, %arg1: i32, %arg2: memref<2528x128xi32, #tpu.memory_space<hbm>>, %arg3: memref<2528x128xi32, #tpu.memory_space<hbm>>, %arg4: memref<128x128xf32, #tpu.memory_space<hbm>>, %arg5: memref<128x128xf32, #tpu.memory_space<hbm>>, %arg6: memref<2x10240x128xf32, #tpu.memory_space<hbm>>, %arg7: memref<10240x128xf32, #tpu.memory_space<vmem_shared>>, %arg8: memref<128x128xf32, #tpu.memory_space<vmem>>, %arg9: memref<128x128xf32, #tpu.memory_space<vmem>>, %arg10: memref<64x128xf32, #tpu.memory_space<vmem>>) attributes {dimension_semantics = [#tpu.dimension_semantics<core_parallel>, #tpu.dimension_semantics<subcore_parallel>], iteration_bounds = array<i64: 2, 16>, scalar_prefetch = 0 : i64, scratch_operands = 4 : i64, tpu.core_type = #tpu.core_type<sc_vector_subcore>, window_params = [{transform_indices = #map}, {transform_indices = #map}, {transform_indices = #map}, {transform_indices = #map}, {transform_indices = #map1}]} {
    "tpu.region"() ({
      %run_scoped3A = tpu.sem_alloc : memref<!tpu.dma_semaphore, #tpu.memory_space<semaphore_mem>>
      tpu.enqueue_dma source(%arg4 : memref<128x128xf32, #tpu.memory_space<hbm>>) target(%arg8 : memref<128x128xf32, #tpu.memory_space<vmem>>) target_semaphore(%run_scoped3A : memref<!tpu.dma_semaphore, #tpu.memory_space<semaphore_mem>>)
      tpu.wait_dma2 semaphore(%run_scoped3A : memref<!tpu.dma_semaphore, #tpu.memory_space<semaphore_mem>>) src(%arg4 : memref<128x128xf32, #tpu.memory_space<hbm>>) dst(%arg8 : memref<128x128xf32, #tpu.memory_space<vmem>>)
      tpu.yield
    }) : () -> ()
    "tpu.region"() ({
      %run_scoped3A = tpu.sem_alloc : memref<!tpu.dma_semaphore, #tpu.memory_space<semaphore_mem>>
      tpu.enqueue_dma source(%arg5 : memref<128x128xf32, #tpu.memory_space<hbm>>) target(%arg9 : memref<128x128xf32, #tpu.memory_space<vmem>>) target_semaphore(%run_scoped3A : memref<!tpu.dma_semaphore, #tpu.memory_space<semaphore_mem>>)
      tpu.wait_dma2 semaphore(%run_scoped3A : memref<!tpu.dma_semaphore, #tpu.memory_space<semaphore_mem>>) src(%arg5 : memref<128x128xf32, #tpu.memory_space<hbm>>) dst(%arg9 : memref<128x128xf32, #tpu.memory_space<vmem>>)
      tpu.yield
    }) : () -> ()
    %mul3A = arith.constant 640 : i32
    %mul3A_0 = arith.muli %arg1, %mul3A : i32
    %scan3A = arith.constant 0 : i32
    %scan3A_1 = arith.constant 64 : i32
    %scan3A_2 = arith.addi %scan3A, %scan3A_1 : i32
    %scan3A_3 = arith.constant 1 : i32
    scf.for %scan3A_19 = %scan3A to %scan3A_2 step %scan3A_3  : i32 {
      %mul3A_20 = arith.constant 1 : i32
      %mul3A_21 = arith.muli %scan3A_19, %mul3A_20 : i32
      %add3A_22 = arith.constant 0 : i32
      %add3A_23 = arith.addi %add3A_22, %mul3A_21 : i32
      %scan3A_24 = arith.constant 0 : i32
      %scan3A_25 = arith.constant 8 : i32
      %scan3A_26 = arith.addi %scan3A_24, %scan3A_25 : i32
      %scan3A_27 = arith.constant 1 : i32
      scf.for %scan3A_29 = %scan3A_24 to %scan3A_26 step %scan3A_27  : i32 {
        %mul3A_30 = arith.constant 16 : i32
        %mul3A_31 = arith.muli %scan3A_29, %mul3A_30 : i32
        %add3A_32 = arith.constant 0 : i32
        %add3A_33 = arith.addi %add3A_32, %mul3A_31 : i32
        %broadcast_in_dim3A = arith.constant 0.000000e+00 : f32
        %broadcast_in_dim3A_34 = vector.broadcast %broadcast_in_dim3A : f32 to vector<16xf32>
        %swap3A = arith.index_cast %add3A_23 : i32 to index
        %swap3A_35 = arith.index_cast %add3A_33 : i32 to index
        %swap3A_36 = tpu.vector_load %arg10[%swap3A, %swap3A_35] {strides = array<i32>} : memref<64x128xf32, #tpu.memory_space<vmem>>, vector<1x16xf32>,
        %swap3A_37 = vector.shape_cast %swap3A_36 : vector<1x16xf32> to vector<16xf32>
        %swap3A_38 = vector.shape_cast %broadcast_in_dim3A_34 : vector<16xf32> to vector<1x16xf32>
        tpu.vector_store %arg10[%swap3A, %swap3A_35], %swap3A_38 {strides = array<i32>} : memref<64x128xf32, #tpu.memory_space<vmem>>, vector<1x16xf32>,
      }
      %scan3A_28 = arith.constant 8 : i32
    }
    %scan3A_4 = arith.constant 64 : i32
    %scan3A_5 = arith.constant 0 : i32
    %scan3A_6 = arith.constant 10 : i32
    %scan3A_7 = arith.addi %scan3A_5, %scan3A_6 : i32
    %scan3A_8 = arith.constant 1 : i32
    scf.for %scan3A_19 = %scan3A_5 to %scan3A_7 step %scan3A_8  : i32 {
      %mul3A_20 = arith.constant 64 : i32
      %mul3A_21 = arith.muli %scan3A_19, %mul3A_20 : i32
      %add3A_22 = arith.constant 0 : i32
      %add3A_23 = arith.addi %add3A_22, %mul3A_21 : i32
      %add3A_24 = arith.addi %mul3A_0, %add3A_23 : i32
      "tpu.region"() ({
        %run_scoped3A = tpu.sem_alloc : memref<!tpu.dma_semaphore, #tpu.memory_space<semaphore_mem>>
        %dma_start3A = arith.constant 0 : i32
        %dma_start3A_25 = tpu.memref_slice %arg7[%add3A_24, %dma_start3A] : memref<10240x128xf32, #tpu.memory_space<vmem_shared>> -> memref<64x128xf32, #tpu.memory_space<vmem_shared>>
        %dma_start3A_26 = arith.constant 0 : i32
        %dma_start3A_27 = tpu.memref_slice %arg7[%add3A_24, %dma_start3A_26] : memref<10240x128xf32, #tpu.memory_space<vmem_shared>> -> memref<64x128xf32, #tpu.memory_space<vmem_shared>>
        tpu.enqueue_dma source(%arg10 : memref<64x128xf32, #tpu.memory_space<vmem>>) target(%dma_start3A_27 : memref<64x128xf32, #tpu.memory_space<vmem_shared>>) target_semaphore(%run_scoped3A : memref<!tpu.dma_semaphore, #tpu.memory_space<semaphore_mem>>)
        %dma_wait3A = arith.constant 0 : i32
        %dma_wait3A_28 = tpu.memref_slice %arg7[%add3A_24, %dma_wait3A] : memref<10240x128xf32, #tpu.memory_space<vmem_shared>> -> memref<64x128xf32, #tpu.memory_space<vmem_shared>>
        %dma_wait3A_29 = arith.constant 0 : i32
        %dma_wait3A_30 = tpu.memref_slice %arg7[%add3A_24, %dma_wait3A_29] : memref<10240x128xf32, #tpu.memory_space<vmem_shared>> -> memref<64x128xf32, #tpu.memory_space<vmem_shared>>
        tpu.wait_dma2 semaphore(%run_scoped3A : memref<!tpu.dma_semaphore, #tpu.memory_space<semaphore_mem>>) src(%arg10 : memref<64x128xf32, #tpu.memory_space<vmem>>) dst(%dma_wait3A_30 : memref<64x128xf32, #tpu.memory_space<vmem_shared>>)
        tpu.yield
      }) : () -> ()
    }
    %scan3A_9 = arith.constant 10 : i32
    %barrier3A = arith.constant 0 : index
    tpu.barrier barrier_id(%barrier3A)
    %mul3A_10 = arith.constant 1 : i32
    %mul3A_11 = arith.muli %arg1, %mul3A_10 : i32
    %add3A = arith.constant 0 : i32
    %add3A_12 = arith.addi %add3A, %mul3A_11 : i32
    %mul3A_13 = arith.constant 16 : i32
    %mul3A_14 = arith.muli %arg0, %mul3A_13 : i32
    %add3A_15 = arith.addi %add3A_12, %mul3A_14 : i32
    %mul3A_16 = arith.constant 79 : i32
    %mul3A_17 = arith.muli %add3A_15, %mul3A_16 : i32
    "tpu.region"() ({
      %run_scoped3A = memref.alloca() : memref<2x1x128xi32, #tpu.memory_space<vmem>>
      %run_scoped3A_19 = tpu.sem_alloc : memref<2x!tpu.dma_semaphore, #tpu.memory_space<semaphore_mem>>
      %run_scoped3A_20 = memref.alloca() : memref<2x1x128xi32, #tpu.memory_space<vmem>>
      %run_scoped3A_21 = tpu.sem_alloc : memref<2x!tpu.dma_semaphore, #tpu.memory_space<semaphore_mem>>
      %add3A_22 = arith.constant 0 : i32
      %add3A_23 = arith.addi %add3A_22, %mul3A_17 : i32
      %select_n3A = arith.constant true
      %select_n3A_24 = arith.constant 0 : i32
      %select_n3A_25 = arith.constant -1 : i32
      %select_n3A_26 = arith.select %select_n3A, %select_n3A_25, %select_n3A_24 : i32
      %eq3A = arith.constant -1 : i32
      %eq3A_27 = arith.cmpi eq, %select_n3A_26, %eq3A : i32
      %select_n3A_28 = arith.constant 78 : i32
      %select_n3A_29 = arith.select %eq3A_27, %select_n3A_28, %select_n3A_26 : i32
      %add3A_30 = arith.addi %select_n3A_29, %mul3A_17 : i32
      %select_n3A_31 = arith.constant true
      %select_n3A_32 = arith.constant 0 : i32
      %select_n3A_33 = arith.constant 1 : i32
      %select_n3A_34 = arith.select %select_n3A_31, %select_n3A_33, %select_n3A_32 : i32
      %eq3A_35 = arith.constant 79 : i32
      %eq3A_36 = arith.cmpi eq, %select_n3A_34, %eq3A_35 : i32
      %select_n3A_37 = arith.constant 0 : i32
      %select_n3A_38 = arith.select %eq3A_36, %select_n3A_37, %select_n3A_34 : i32
      %add3A_39 = arith.addi %select_n3A_38, %mul3A_17 : i32
      %add3A_40 = arith.constant 1 : i32
      %add3A_41 = arith.addi %select_n3A_38, %add3A_40 : i32
      %select_n3A_42 = arith.constant true
      %select_n3A_43 = arith.select %select_n3A_42, %add3A_41, %select_n3A_38 : i32
      %eq3A_44 = arith.constant 79 : i32
      %eq3A_45 = arith.cmpi eq, %select_n3A_43, %eq3A_44 : i32
      %select_n3A_46 = arith.constant 0 : i32
      %select_n3A_47 = arith.select %eq3A_45, %select_n3A_46, %select_n3A_43 : i32
      %add3A_48 = arith.addi %select_n3A_47, %mul3A_17 : i32
      "tpu.trace_start"() <{level = 10 : i32, message = "ep_initialize_0"}> : () -> ()
      %rem3A = arith.constant 0 : i32
      %rem3A_49 = arith.constant 2 : i32
      %rem3A_50 = arith.remui %rem3A, %rem3A_49 : i32
      %mul3A_51 = arith.constant 1 : i32
      %mul3A_52 = arith.muli %mul3A_51, %add3A_23 : i32
      %dma_start3A = arith.constant 0 : i32
      %dma_start3A_53 = arith.constant 0 : i32
      %dma_start3A_54 = tpu.memref_slice %run_scoped3A[%rem3A_50, %dma_start3A, %dma_start3A_53] : memref<2x1x128xi32, #tpu.memory_space<vmem>> -> memref<1x1x128xi32, #tpu.memory_space<vmem>>
      %dma_start3A_55 = tpu.memref_squeeze %dma_start3A_54 : memref<1x1x128xi32, #tpu.memory_space<vmem>> -> memref<1x128xi32, #tpu.memory_space<vmem>>
      %dma_start3A_56 = arith.constant 0 : i32
      %dma_start3A_57 = tpu.memref_slice %arg2[%mul3A_52, %dma_start3A_56] : memref<2528x128xi32, #tpu.memory_space<hbm>> -> memref<1x128xi32, #tpu.memory_space<hbm>>
      %dma_start3A_58 = tpu.memref_slice %run_scoped3A_19[%rem3A_50] : memref<2x!tpu.dma_semaphore, #tpu.memory_space<semaphore_mem>> -> memref<1x!tpu.dma_semaphore, #tpu.memory_space<semaphore_mem>>
      %dma_start3A_59 = tpu.memref_squeeze %dma_start3A_58 : memref<1x!tpu.dma_semaphore, #tpu.memory_space<semaphore_mem>> -> memref<!tpu.dma_semaphore, #tpu.memory_space<semaphore_mem>>
      %dma_start3A_60 = arith.constant 0 : i32
      %dma_start3A_61 = arith.constant 0 : i32
      %dma_start3A_62 = tpu.memref_slice %run_scoped3A[%rem3A_50, %dma_start3A_60, %dma_start3A_61] : memref<2x1x128xi32, #tpu.memory_space<vmem>> -> memref<1x1x128xi32, #tpu.memory_space<vmem>>
      %dma_start3A_63 = tpu.memref_squeeze %dma_start3A_62 : memref<1x1x128xi32, #tpu.memory_space<vmem>> -> memref<1x128xi32, #tpu.memory_space<vmem>>
      %dma_start3A_64 = arith.constant 0 : i32
      %dma_start3A_65 = tpu.memref_slice %arg2[%mul3A_52, %dma_start3A_64] : memref<2528x128xi32, #tpu.memory_space<hbm>> -> memref<1x128xi32, #tpu.memory_space<hbm>>
      tpu.enqueue_dma source(%dma_start3A_65 : memref<1x128xi32, #tpu.memory_space<hbm>>) target(%dma_start3A_63 : memref<1x128xi32, #tpu.memory_space<vmem>>) target_semaphore(%dma_start3A_59 : memref<!tpu.dma_semaphore, #tpu.memory_space<semaphore_mem>>)
      %add3A_66 = arith.constant 0 : i32
      %add3A_67 = arith.constant 1 : i32
      %add3A_68 = arith.addi %add3A_66, %add3A_67 : i32
      %select_n3A_69 = arith.constant true
      %select_n3A_70 = arith.constant 0 : i32
      %select_n3A_71 = arith.select %select_n3A_69, %add3A_68, %select_n3A_70 : i32
      %rem3A_72 = arith.constant 0 : i32
      %rem3A_73 = arith.constant 2 : i32
      %rem3A_74 = arith.remui %rem3A_72, %rem3A_73 : i32
      %mul3A_75 = arith.constant 1 : i32
      %mul3A_76 = arith.muli %mul3A_75, %add3A_23 : i32
      %dma_start3A_77 = arith.constant 0 : i32
      %dma_start3A_78 = arith.constant 0 : i32
      %dma_start3A_79 = tpu.memref_slice %run_scoped3A_20[%rem3A_74, %dma_start3A_77, %dma_start3A_78] : memref<2x1x128xi32, #tpu.memory_space<vmem>> -> memref<1x1x128xi32, #tpu.memory_space<vmem>>
      %dma_start3A_80 = tpu.memref_squeeze %dma_start3A_79 : memref<1x1x128xi32, #tpu.memory_space<vmem>> -> memref<1x128xi32, #tpu.memory_space<vmem>>
      %dma_start3A_81 = arith.constant 0 : i32
      %dma_start3A_82 = tpu.memref_slice %arg3[%mul3A_76, %dma_start3A_81] : memref<2528x128xi32, #tpu.memory_space<hbm>> -> memref<1x128xi32, #tpu.memory_space<hbm>>
      %dma_start3A_83 = tpu.memref_slice %run_scoped3A_21[%rem3A_74] : memref<2x!tpu.dma_semaphore, #tpu.memory_space<semaphore_mem>> -> memref<1x!tpu.dma_semaphore, #tpu.memory_space<semaphore_mem>>
      %dma_start3A_84 = tpu.memref_squeeze %dma_start3A_83 : memref<1x!tpu.dma_semaphore, #tpu.memory_space<semaphore_mem>> -> memref<!tpu.dma_semaphore, #tpu.memory_space<semaphore_mem>>
      %dma_start3A_85 = arith.constant 0 : i32
      %dma_start3A_86 = arith.constant 0 : i32
      %dma_start3A_87 = tpu.memref_slice %run_scoped3A_20[%rem3A_74, %dma_start3A_85, %dma_start3A_86] : memref<2x1x128xi32, #tpu.memory_space<vmem>> -> memref<1x1x128xi32, #tpu.memory_space<vmem>>
      %dma_start3A_88 = tpu.memref_squeeze %dma_start3A_87 : memref<1x1x128xi32, #tpu.memory_space<vmem>> -> memref<1x128xi32, #tpu.memory_space<vmem>>
      %dma_start3A_89 = arith.constant 0 : i32
      %dma_start3A_90 = tpu.memref_slice %arg3[%mul3A_76, %dma_start3A_89] : memref<2528x128xi32, #tpu.memory_space<hbm>> -> memref<1x128xi32, #tpu.memory_space<hbm>>
      tpu.enqueue_dma source(%dma_start3A_90 : memref<1x128xi32, #tpu.memory_space<hbm>>) target(%dma_start3A_88 : memref<1x128xi32, #tpu.memory_space<vmem>>) target_semaphore(%dma_start3A_84 : memref<!tpu.dma_semaphore, #tpu.memory_space<semaphore_mem>>)
      %add3A_91 = arith.constant 0 : i32
      %add3A_92 = arith.constant 1 : i32
      %add3A_93 = arith.addi %add3A_91, %add3A_92 : i32
      %select_n3A_94 = arith.constant true
      %select_n3A_95 = arith.constant 0 : i32
      %select_n3A_96 = arith.select %select_n3A_94, %add3A_93, %select_n3A_95 : i32
      "tpu.trace_stop"() : () -> ()
      %scan3A_97 = arith.constant 0 : i32
      %scan3A_98 = arith.constant 0 : i32
      %scan3A_99 = arith.constant 0 : i32
      %scan3A_100 = arith.constant 0 : i32
      %scan3A_101 = arith.constant 79 : i32
      %scan3A_102 = arith.addi %scan3A_100, %scan3A_101 : i32
      %scan3A_103 = arith.constant 1 : i32
      %scan3A_104:5 = scf.for %scan3A_141 = %scan3A_100 to %scan3A_102 step %scan3A_103 iter_args(%scan3A_142 = %select_n3A_71, %scan3A_143 = %scan3A_97, %scan3A_144 = %select_n3A_96, %scan3A_145 = %scan3A_98, %scan3A_146 = %scan3A_99) -> (i32, i32, i32, i32, i32)  : i32 {
        %eq3A_147 = arith.constant 0 : i32
        %eq3A_148 = arith.cmpi eq, %scan3A_141, %eq3A_147 : i32
        %eq3A_149 = arith.constant 78 : i32
        %eq3A_150 = arith.cmpi eq, %scan3A_141, %eq3A_149 : i32
        %add3A_151 = arith.addi %scan3A_146, %mul3A_17 : i32
        %sub3A_152 = arith.constant 1 : i32
        %sub3A_153 = arith.subi %scan3A_146, %sub3A_152 : i32
        %select_n3A_154 = arith.constant true
        %select_n3A_155 = arith.select %select_n3A_154, %sub3A_153, %scan3A_146 : i32
        %eq3A_156 = arith.constant -1 : i32
        %eq3A_157 = arith.cmpi eq, %select_n3A_155, %eq3A_156 : i32
        %select_n3A_158 = arith.constant 78 : i32
        %select_n3A_159 = arith.select %eq3A_157, %select_n3A_158, %select_n3A_155 : i32
        %add3A_160 = arith.addi %select_n3A_159, %mul3A_17 : i32
        %add3A_161 = arith.constant 1 : i32
        %add3A_162 = arith.addi %scan3A_146, %add3A_161 : i32
        %select_n3A_163 = arith.constant true
        %select_n3A_164 = arith.select %select_n3A_163, %add3A_162, %scan3A_146 : i32
        %eq3A_165 = arith.constant 79 : i32
        %eq3A_166 = arith.cmpi eq, %select_n3A_164, %eq3A_165 : i32
        %select_n3A_167 = arith.constant 0 : i32
        %select_n3A_168 = arith.select %eq3A_166, %select_n3A_167, %select_n3A_164 : i32
        %add3A_169 = arith.addi %select_n3A_168, %mul3A_17 : i32
        %add3A_170 = arith.constant 1 : i32
        %add3A_171 = arith.addi %select_n3A_168, %add3A_170 : i32
        %select_n3A_172 = arith.constant true
        %select_n3A_173 = arith.select %select_n3A_172, %add3A_171, %select_n3A_168 : i32
        %eq3A_174 = arith.constant 79 : i32
        %eq3A_175 = arith.cmpi eq, %select_n3A_173, %eq3A_174 : i32
        %select_n3A_176 = arith.constant 0 : i32
        %select_n3A_177 = arith.select %eq3A_175, %select_n3A_176, %select_n3A_173 : i32
        %add3A_178 = arith.addi %select_n3A_177, %mul3A_17 : i32
        %ne3A = arith.cmpi ne, %add3A_151, %add3A_169 : i32
        %or3A = arith.constant false
        %or3A_179 = arith.ori %or3A, %ne3A : i1
        %or3A_180 = arith.constant false
        %or3A_181 = arith.ori %or3A_179, %or3A_180 : i1
        %ge3A = arith.constant 78 : i32
        %ge3A_182 = arith.cmpi sge, %scan3A_141, %ge3A : i32
        %not3A = arith.constant true
        %not3A_183 = arith.xori %ge3A_182, %not3A : i1
        %and3A = arith.andi %or3A_181, %not3A_183 : i1
        %convert_element_type3A = arith.extui %and3A : i1 to i32
        %cond3A = arith.constant 0 : i32
        %cond3A_184 = arith.cmpi ne, %convert_element_type3A, %cond3A : i32
        scf.if %cond3A_184 {
          "tpu.trace_start"() <{level = 10 : i32, message = "ep_copy_in"}> : () -> ()
          %rem3A_306 = arith.constant 2 : i32
          %rem3A_307 = arith.remui %scan3A_142, %rem3A_306 : i32
          %mul3A_308 = arith.constant 1 : i32
          %mul3A_309 = arith.muli %mul3A_308, %add3A_169 : i32
          %dma_start3A_310 = arith.constant 0 : i32
          %dma_start3A_311 = arith.constant 0 : i32
          %dma_start3A_312 = tpu.memref_slice %run_scoped3A[%rem3A_307, %dma_start3A_310, %dma_start3A_311] : memref<2x1x128xi32, #tpu.memory_space<vmem>> -> memref<1x1x128xi32, #tpu.memory_space<vmem>>
          %dma_start3A_313 = tpu.memref_squeeze %dma_start3A_312 : memref<1x1x128xi32, #tpu.memory_space<vmem>> -> memref<1x128xi32, #tpu.memory_space<vmem>>
          %dma_start3A_314 = arith.constant 0 : i32
          %dma_start3A_315 = tpu.memref_slice %arg2[%mul3A_309, %dma_start3A_314] : memref<2528x128xi32, #tpu.memory_space<hbm>> -> memref<1x128xi32, #tpu.memory_space<hbm>>
          %dma_start3A_316 = tpu.memref_slice %run_scoped3A_19[%rem3A_307] : memref<2x!tpu.dma_semaphore, #tpu.memory_space<semaphore_mem>> -> memref<1x!tpu.dma_semaphore, #tpu.memory_space<semaphore_mem>>
          %dma_start3A_317 = tpu.memref_squeeze %dma_start3A_316 : memref<1x!tpu.dma_semaphore, #tpu.memory_space<semaphore_mem>> -> memref<!tpu.dma_semaphore, #tpu.memory_space<semaphore_mem>>
          %dma_start3A_318 = arith.constant 0 : i32
          %dma_start3A_319 = arith.constant 0 : i32
          %dma_start3A_320 = tpu.memref_slice %run_scoped3A[%rem3A_307, %dma_start3A_318, %dma_start3A_319] : memref<2x1x128xi32, #tpu.memory_space<vmem>> -> memref<1x1x128xi32, #tpu.memory_space<vmem>>
          %dma_start3A_321 = tpu.memref_squeeze %dma_start3A_320 : memref<1x1x128xi32, #tpu.memory_space<vmem>> -> memref<1x128xi32, #tpu.memory_space<vmem>>
          %dma_start3A_322 = arith.constant 0 : i32
          %dma_start3A_323 = tpu.memref_slice %arg2[%mul3A_309, %dma_start3A_322] : memref<2528x128xi32, #tpu.memory_space<hbm>> -> memref<1x128xi32, #tpu.memory_space<hbm>>
          tpu.enqueue_dma source(%dma_start3A_323 : memref<1x128xi32, #tpu.memory_space<hbm>>) target(%dma_start3A_321 : memref<1x128xi32, #tpu.memory_space<vmem>>) target_semaphore(%dma_start3A_317 : memref<!tpu.dma_semaphore, #tpu.memory_space<semaphore_mem>>)
          "tpu.trace_stop"() : () -> ()
        } else {
        }
        %and3A_185 = arith.constant true
        %and3A_186 = arith.andi %and3A, %and3A_185 : i1
        %add3A_187 = arith.constant 1 : i32
        %add3A_188 = arith.addi %scan3A_142, %add3A_187 : i32
        %select_n3A_189 = arith.select %and3A_186, %add3A_188, %scan3A_142 : i32
        %ne3A_190 = arith.cmpi ne, %add3A_151, %add3A_169 : i32
        %or3A_191 = arith.constant false
        %or3A_192 = arith.ori %or3A_191, %ne3A_190 : i1
        %or3A_193 = arith.constant false
        %or3A_194 = arith.ori %or3A_192, %or3A_193 : i1
        %ge3A_195 = arith.constant 78 : i32
        %ge3A_196 = arith.cmpi sge, %scan3A_141, %ge3A_195 : i32
        %not3A_197 = arith.constant true
        %not3A_198 = arith.xori %ge3A_196, %not3A_197 : i1
        %and3A_199 = arith.andi %or3A_194, %not3A_198 : i1
        %convert_element_type3A_200 = arith.extui %and3A_199 : i1 to i32
        %cond3A_201 = arith.constant 0 : i32
        %cond3A_202 = arith.cmpi ne, %convert_element_type3A_200, %cond3A_201 : i32
        scf.if %cond3A_202 {
          "tpu.trace_start"() <{level = 10 : i32, message = "ep_copy_in"}> : () -> ()
          %rem3A_306 = arith.constant 2 : i32
          %rem3A_307 = arith.remui %scan3A_144, %rem3A_306 : i32
          %mul3A_308 = arith.constant 1 : i32
          %mul3A_309 = arith.muli %mul3A_308, %add3A_169 : i32
          %dma_start3A_310 = arith.constant 0 : i32
          %dma_start3A_311 = arith.constant 0 : i32
          %dma_start3A_312 = tpu.memref_slice %run_scoped3A_20[%rem3A_307, %dma_start3A_310, %dma_start3A_311] : memref<2x1x128xi32, #tpu.memory_space<vmem>> -> memref<1x1x128xi32, #tpu.memory_space<vmem>>
          %dma_start3A_313 = tpu.memref_squeeze %dma_start3A_312 : memref<1x1x128xi32, #tpu.memory_space<vmem>> -> memref<1x128xi32, #tpu.memory_space<vmem>>
          %dma_start3A_314 = arith.constant 0 : i32
          %dma_start3A_315 = tpu.memref_slice %arg3[%mul3A_309, %dma_start3A_314] : memref<2528x128xi32, #tpu.memory_space<hbm>> -> memref<1x128xi32, #tpu.memory_space<hbm>>
          %dma_start3A_316 = tpu.memref_slice %run_scoped3A_21[%rem3A_307] : memref<2x!tpu.dma_semaphore, #tpu.memory_space<semaphore_mem>> -> memref<1x!tpu.dma_semaphore, #tpu.memory_space<semaphore_mem>>
          %dma_start3A_317 = tpu.memref_squeeze %dma_start3A_316 : memref<1x!tpu.dma_semaphore, #tpu.memory_space<semaphore_mem>> -> memref<!tpu.dma_semaphore, #tpu.memory_space<semaphore_mem>>
          %dma_start3A_318 = arith.constant 0 : i32
          %dma_start3A_319 = arith.constant 0 : i32
          %dma_start3A_320 = tpu.memref_slice %run_scoped3A_20[%rem3A_307, %dma_start3A_318, %dma_start3A_319] : memref<2x1x128xi32, #tpu.memory_space<vmem>> -> memref<1x1x128xi32, #tpu.memory_space<vmem>>
          %dma_start3A_321 = tpu.memref_squeeze %dma_start3A_320 : memref<1x1x128xi32, #tpu.memory_space<vmem>> -> memref<1x128xi32, #tpu.memory_space<vmem>>
          %dma_start3A_322 = arith.constant 0 : i32
          %dma_start3A_323 = tpu.memref_slice %arg3[%mul3A_309, %dma_start3A_322] : memref<2528x128xi32, #tpu.memory_space<hbm>> -> memref<1x128xi32, #tpu.memory_space<hbm>>
          tpu.enqueue_dma source(%dma_start3A_323 : memref<1x128xi32, #tpu.memory_space<hbm>>) target(%dma_start3A_321 : memref<1x128xi32, #tpu.memory_space<vmem>>) target_semaphore(%dma_start3A_317 : memref<!tpu.dma_semaphore, #tpu.memory_space<semaphore_mem>>)
          "tpu.trace_stop"() : () -> ()
        } else {
        }
        %and3A_203 = arith.constant true
        %and3A_204 = arith.andi %and3A_199, %and3A_203 : i1
        %add3A_205 = arith.constant 1 : i32
        %add3A_206 = arith.addi %scan3A_144, %add3A_205 : i32
        %select_n3A_207 = arith.select %and3A_204, %add3A_206, %scan3A_144 : i32
        %ne3A_208 = arith.cmpi ne, %add3A_151, %add3A_160 : i32
        %or3A_209 = arith.constant false
        %or3A_210 = arith.ori %or3A_209, %ne3A_208 : i1
        %or3A_211 = arith.constant false
        %or3A_212 = arith.ori %or3A_210, %or3A_211 : i1
        %or3A_213 = arith.ori %or3A_212, %eq3A_148 : i1
        %convert_element_type3A_214 = arith.extui %or3A_213 : i1 to i32
        %cond3A_215 = arith.constant 0 : i32
        %cond3A_216 = arith.cmpi ne, %convert_element_type3A_214, %cond3A_215 : i32
        scf.if %cond3A_216 {
          "tpu.trace_start"() <{level = 10 : i32, message = "ep_wait_in"}> : () -> ()
          %mul3A_306 = arith.constant 1 : i32
          %mul3A_307 = arith.muli %mul3A_306, %add3A_151 : i32
          %rem3A_308 = arith.constant 2 : i32
          %rem3A_309 = arith.remui %scan3A_143, %rem3A_308 : i32
          %dma_wait3A = arith.constant 0 : i32
          %dma_wait3A_310 = arith.constant 0 : i32
          %dma_wait3A_311 = tpu.memref_slice %run_scoped3A[%rem3A_309, %dma_wait3A, %dma_wait3A_310] : memref<2x1x128xi32, #tpu.memory_space<vmem>> -> memref<1x1x128xi32, #tpu.memory_space<vmem>>
          %dma_wait3A_312 = tpu.memref_squeeze %dma_wait3A_311 : memref<1x1x128xi32, #tpu.memory_space<vmem>> -> memref<1x128xi32, #tpu.memory_space<vmem>>
          %dma_wait3A_313 = arith.constant 0 : i32
          %dma_wait3A_314 = tpu.memref_slice %arg2[%mul3A_307, %dma_wait3A_313] : memref<2528x128xi32, #tpu.memory_space<hbm>> -> memref<1x128xi32, #tpu.memory_space<hbm>>
          %dma_wait3A_315 = tpu.memref_slice %run_scoped3A_19[%rem3A_309] : memref<2x!tpu.dma_semaphore, #tpu.memory_space<semaphore_mem>> -> memref<1x!tpu.dma_semaphore, #tpu.memory_space<semaphore_mem>>
          %dma_wait3A_316 = tpu.memref_squeeze %dma_wait3A_315 : memref<1x!tpu.dma_semaphore, #tpu.memory_space<semaphore_mem>> -> memref<!tpu.dma_semaphore, #tpu.memory_space<semaphore_mem>>
          %dma_wait3A_317 = arith.constant 0 : i32
          %dma_wait3A_318 = arith.constant 0 : i32
          %dma_wait3A_319 = tpu.memref_slice %run_scoped3A[%rem3A_309, %dma_wait3A_317, %dma_wait3A_318] : memref<2x1x128xi32, #tpu.memory_space<vmem>> -> memref<1x1x128xi32, #tpu.memory_space<vmem>>
          %dma_wait3A_320 = tpu.memref_squeeze %dma_wait3A_319 : memref<1x1x128xi32, #tpu.memory_space<vmem>> -> memref<1x128xi32, #tpu.memory_space<vmem>>
          %dma_wait3A_321 = arith.constant 0 : i32
          %dma_wait3A_322 = tpu.memref_slice %arg2[%mul3A_307, %dma_wait3A_321] : memref<2528x128xi32, #tpu.memory_space<hbm>> -> memref<1x128xi32, #tpu.memory_space<hbm>>
          tpu.wait_dma2 semaphore(%dma_wait3A_316 : memref<!tpu.dma_semaphore, #tpu.memory_space<semaphore_mem>>) src(%dma_wait3A_322 : memref<1x128xi32, #tpu.memory_space<hbm>>) dst(%dma_wait3A_320 : memref<1x128xi32, #tpu.memory_space<vmem>>)
          "tpu.trace_stop"() : () -> ()
        } else {
        }
        %ne3A_217 = arith.cmpi ne, %add3A_151, %add3A_160 : i32
        %or3A_218 = arith.constant false
        %or3A_219 = arith.ori %or3A_218, %ne3A_217 : i1
        %or3A_220 = arith.constant false
        %or3A_221 = arith.ori %or3A_219, %or3A_220 : i1
        %or3A_222 = arith.ori %or3A_221, %eq3A_148 : i1
        %convert_element_type3A_223 = arith.extui %or3A_222 : i1 to i32
        %cond3A_224 = arith.constant 0 : i32
        %cond3A_225 = arith.cmpi ne, %convert_element_type3A_223, %cond3A_224 : i32
        scf.if %cond3A_225 {
          "tpu.trace_start"() <{level = 10 : i32, message = "ep_wait_in"}> : () -> ()
          %mul3A_306 = arith.constant 1 : i32
          %mul3A_307 = arith.muli %mul3A_306, %add3A_151 : i32
          %rem3A_308 = arith.constant 2 : i32
          %rem3A_309 = arith.remui %scan3A_145, %rem3A_308 : i32
          %dma_wait3A = arith.constant 0 : i32
          %dma_wait3A_310 = arith.constant 0 : i32
          %dma_wait3A_311 = tpu.memref_slice %run_scoped3A_20[%rem3A_309, %dma_wait3A, %dma_wait3A_310] : memref<2x1x128xi32, #tpu.memory_space<vmem>> -> memref<1x1x128xi32, #tpu.memory_space<vmem>>
          %dma_wait3A_312 = tpu.memref_squeeze %dma_wait3A_311 : memref<1x1x128xi32, #tpu.memory_space<vmem>> -> memref<1x128xi32, #tpu.memory_space<vmem>>
          %dma_wait3A_313 = arith.constant 0 : i32
          %dma_wait3A_314 = tpu.memref_slice %arg3[%mul3A_307, %dma_wait3A_313] : memref<2528x128xi32, #tpu.memory_space<hbm>> -> memref<1x128xi32, #tpu.memory_space<hbm>>
          %dma_wait3A_315 = tpu.memref_slice %run_scoped3A_21[%rem3A_309] : memref<2x!tpu.dma_semaphore, #tpu.memory_space<semaphore_mem>> -> memref<1x!tpu.dma_semaphore, #tpu.memory_space<semaphore_mem>>
          %dma_wait3A_316 = tpu.memref_squeeze %dma_wait3A_315 : memref<1x!tpu.dma_semaphore, #tpu.memory_space<semaphore_mem>> -> memref<!tpu.dma_semaphore, #tpu.memory_space<semaphore_mem>>
          %dma_wait3A_317 = arith.constant 0 : i32
          %dma_wait3A_318 = arith.constant 0 : i32
          %dma_wait3A_319 = tpu.memref_slice %run_scoped3A_20[%rem3A_309, %dma_wait3A_317, %dma_wait3A_318] : memref<2x1x128xi32, #tpu.memory_space<vmem>> -> memref<1x1x128xi32, #tpu.memory_space<vmem>>
          %dma_wait3A_320 = tpu.memref_squeeze %dma_wait3A_319 : memref<1x1x128xi32, #tpu.memory_space<vmem>> -> memref<1x128xi32, #tpu.memory_space<vmem>>
          %dma_wait3A_321 = arith.constant 0 : i32
          %dma_wait3A_322 = tpu.memref_slice %arg3[%mul3A_307, %dma_wait3A_321] : memref<2528x128xi32, #tpu.memory_space<hbm>> -> memref<1x128xi32, #tpu.memory_space<hbm>>
          tpu.wait_dma2 semaphore(%dma_wait3A_316 : memref<!tpu.dma_semaphore, #tpu.memory_space<semaphore_mem>>) src(%dma_wait3A_322 : memref<1x128xi32, #tpu.memory_space<hbm>>) dst(%dma_wait3A_320 : memref<1x128xi32, #tpu.memory_space<vmem>>)
          "tpu.trace_stop"() : () -> ()
        } else {
        }
        %rem3A_226 = arith.constant 2 : i32
        %rem3A_227 = arith.remui %scan3A_143, %rem3A_226 : i32
        %rem3A_228 = arith.constant 2 : i32
        %rem3A_229 = arith.remui %scan3A_145, %rem3A_228 : i32
        %run_scoped3A_230 = arith.constant 0 : i32
        "tpu.trace_start"() <{level = 10 : i32, message = "ep_run_kernel"}> : () -> ()
        "tpu.region"() ({
          %run_scoped3A_306 = tpu.sem_alloc : memref<!tpu.dma_semaphore, #tpu.memory_space<semaphore_mem>>
          %dma_start3A_307 = arith.constant 0 : i32
          %dma_start3A_308 = arith.constant 0 : i32
          %dma_start3A_309 = tpu.memref_slice %run_scoped3A_20[%rem3A_229, %dma_start3A_307, %dma_start3A_308] : memref<2x1x128xi32, #tpu.memory_space<vmem>> -> memref<1x1x128xi32, #tpu.memory_space<vmem>>
          %dma_start3A_310 = tpu.memref_squeeze %dma_start3A_309 : memref<1x1x128xi32, #tpu.memory_space<vmem>> -> memref<1x128xi32, #tpu.memory_space<vmem>>
          %dma_start3A_311 = arith.constant 0 : i32
          %dma_start3A_312 = tpu.memref_slice %dma_start3A_310[%run_scoped3A_230, %dma_start3A_311] : memref<1x128xi32, #tpu.memory_space<vmem>> -> memref<1x128xi32, #tpu.memory_space<vmem>>
          %dma_start3A_313 = tpu.memref_squeeze %dma_start3A_312 : memref<1x128xi32, #tpu.memory_space<vmem>> -> memref<128xi32, #tpu.memory_space<vmem>>
          %dma_start3A_314 = arith.constant 0 : i32
          %dma_start3A_315 = arith.constant 0 : i32
          %dma_start3A_316 = tpu.memref_slice %arg7[%dma_start3A_314, %dma_start3A_315] : memref<10240x128xf32, #tpu.memory_space<vmem_shared>> -> memref<10240x128xf32, #tpu.memory_space<vmem_shared>>
          tpu.enqueue_indirect_dma source(%arg8 : memref<128x128xf32, #tpu.memory_space<vmem>>) target(%dma_start3A_316 : memref<10240x128xf32, #tpu.memory_space<vmem_shared>>) offsets(%dma_start3A_313 : memref<128xi32, #tpu.memory_space<vmem>>) semaphore(%run_scoped3A_306 : memref<!tpu.dma_semaphore, #tpu.memory_space<semaphore_mem>>) {add = true}
          %dma_wait3A = arith.constant 0 : i32
          %dma_wait3A_317 = arith.constant 0 : i32
          %dma_wait3A_318 = tpu.memref_slice %run_scoped3A_20[%rem3A_229, %dma_wait3A, %dma_wait3A_317] : memref<2x1x128xi32, #tpu.memory_space<vmem>> -> memref<1x1x128xi32, #tpu.memory_space<vmem>>
          %dma_wait3A_319 = tpu.memref_squeeze %dma_wait3A_318 : memref<1x1x128xi32, #tpu.memory_space<vmem>> -> memref<1x128xi32, #tpu.memory_space<vmem>>
          %dma_wait3A_320 = arith.constant 0 : i32
          %dma_wait3A_321 = tpu.memref_slice %dma_wait3A_319[%run_scoped3A_230, %dma_wait3A_320] : memref<1x128xi32, #tpu.memory_space<vmem>> -> memref<1x128xi32, #tpu.memory_space<vmem>>
          %dma_wait3A_322 = tpu.memref_squeeze %dma_wait3A_321 : memref<1x128xi32, #tpu.memory_space<vmem>> -> memref<128xi32, #tpu.memory_space<vmem>>
          %dma_wait3A_323 = arith.constant 0 : i32
          %dma_wait3A_324 = arith.constant 0 : i32
          %dma_wait3A_325 = tpu.memref_slice %arg7[%dma_wait3A_323, %dma_wait3A_324] : memref<10240x128xf32, #tpu.memory_space<vmem_shared>> -> memref<10240x128xf32, #tpu.memory_space<vmem_shared>>
          tpu.wait_indirect_dma semaphore(%run_scoped3A_306 : memref<!tpu.dma_semaphore, #tpu.memory_space<semaphore_mem>>) src(%arg8 : memref<128x128xf32, #tpu.memory_space<vmem>>) dst(%dma_wait3A_325 : memref<10240x128xf32, #tpu.memory_space<vmem_shared>>)
          tpu.yield
        }) : () -> ()
        %run_scoped3A_231 = arith.constant 0 : i32
        "tpu.region"() ({
          %run_scoped3A_306 = tpu.sem_alloc : memref<!tpu.dma_semaphore, #tpu.memory_space<semaphore_mem>>
          %dma_start3A_307 = arith.constant 0 : i32
          %dma_start3A_308 = arith.constant 0 : i32
          %dma_start3A_309 = tpu.memref_slice %run_scoped3A[%rem3A_227, %dma_start3A_307, %dma_start3A_308] : memref<2x1x128xi32, #tpu.memory_space<vmem>> -> memref<1x1x128xi32, #tpu.memory_space<vmem>>
          %dma_start3A_310 = tpu.memref_squeeze %dma_start3A_309 : memref<1x1x128xi32, #tpu.memory_space<vmem>> -> memref<1x128xi32, #tpu.memory_space<vmem>>
          %dma_start3A_311 = arith.constant 0 : i32
          %dma_start3A_312 = tpu.memref_slice %dma_start3A_310[%run_scoped3A_231, %dma_start3A_311] : memref<1x128xi32, #tpu.memory_space<vmem>> -> memref<1x128xi32, #tpu.memory_space<vmem>>
          %dma_start3A_313 = tpu.memref_squeeze %dma_start3A_312 : memref<1x128xi32, #tpu.memory_space<vmem>> -> memref<128xi32, #tpu.memory_space<vmem>>
          %dma_start3A_314 = arith.constant 0 : i32
          %dma_start3A_315 = arith.constant 0 : i32
          %dma_start3A_316 = tpu.memref_slice %arg7[%dma_start3A_314, %dma_start3A_315] : memref<10240x128xf32, #tpu.memory_space<vmem_shared>> -> memref<10240x128xf32, #tpu.memory_space<vmem_shared>>
          tpu.enqueue_indirect_dma source(%arg9 : memref<128x128xf32, #tpu.memory_space<vmem>>) target(%dma_start3A_316 : memref<10240x128xf32, #tpu.memory_space<vmem_shared>>) offsets(%dma_start3A_313 : memref<128xi32, #tpu.memory_space<vmem>>) semaphore(%run_scoped3A_306 : memref<!tpu.dma_semaphore, #tpu.memory_space<semaphore_mem>>) {add = true}
          %dma_wait3A = arith.constant 0 : i32
          %dma_wait3A_317 = arith.constant 0 : i32
          %dma_wait3A_318 = tpu.memref_slice %run_scoped3A[%rem3A_227, %dma_wait3A, %dma_wait3A_317] : memref<2x1x128xi32, #tpu.memory_space<vmem>> -> memref<1x1x128xi32, #tpu.memory_space<vmem>>
          %dma_wait3A_319 = tpu.memref_squeeze %dma_wait3A_318 : memref<1x1x128xi32, #tpu.memory_space<vmem>> -> memref<1x128xi32, #tpu.memory_space<vmem>>
          %dma_wait3A_320 = arith.constant 0 : i32
          %dma_wait3A_321 = tpu.memref_slice %dma_wait3A_319[%run_scoped3A_231, %dma_wait3A_320] : memref<1x128xi32, #tpu.memory_space<vmem>> -> memref<1x128xi32, #tpu.memory_space<vmem>>
          %dma_wait3A_322 = tpu.memref_squeeze %dma_wait3A_321 : memref<1x128xi32, #tpu.memory_space<vmem>> -> memref<128xi32, #tpu.memory_space<vmem>>
          %dma_wait3A_323 = arith.constant 0 : i32
          %dma_wait3A_324 = arith.constant 0 : i32
          %dma_wait3A_325 = tpu.memref_slice %arg7[%dma_wait3A_323, %dma_wait3A_324] : memref<10240x128xf32, #tpu.memory_space<vmem_shared>> -> memref<10240x128xf32, #tpu.memory_space<vmem_shared>>
          tpu.wait_indirect_dma semaphore(%run_scoped3A_306 : memref<!tpu.dma_semaphore, #tpu.memory_space<semaphore_mem>>) src(%arg9 : memref<128x128xf32, #tpu.memory_space<vmem>>) dst(%dma_wait3A_325 : memref<10240x128xf32, #tpu.memory_space<vmem_shared>>)
          tpu.yield
        }) : () -> ()
        "tpu.trace_stop"() : () -> ()
        %ne3A_232 = arith.cmpi ne, %add3A_151, %add3A_169 : i32
        %or3A_233 = arith.constant false
        %or3A_234 = arith.ori %or3A_233, %ne3A_232 : i1
        %or3A_235 = arith.constant false
        %or3A_236 = arith.ori %or3A_234, %or3A_235 : i1
        %or3A_237 = arith.ori %or3A_236, %eq3A_150 : i1
        %convert_element_type3A_238 = arith.extui %or3A_237 : i1 to i32
        %cond3A_239 = arith.constant 0 : i32
        %cond3A_240 = arith.cmpi ne, %convert_element_type3A_238, %cond3A_239 : i32
        scf.if %cond3A_240 {
        } else {
        }
        %and3A_241 = arith.constant false
        %and3A_242 = arith.andi %or3A_237, %and3A_241 : i1
        %ne3A_243 = arith.cmpi ne, %add3A_151, %add3A_169 : i32
        %or3A_244 = arith.constant false
        %or3A_245 = arith.ori %or3A_244, %ne3A_243 : i1
        %or3A_246 = arith.constant false
        %or3A_247 = arith.ori %or3A_245, %or3A_246 : i1
        %or3A_248 = arith.ori %or3A_247, %eq3A_150 : i1
        %convert_element_type3A_249 = arith.extui %or3A_248 : i1 to i32
        %cond3A_250 = arith.constant 0 : i32
        %cond3A_251 = arith.cmpi ne, %convert_element_type3A_249, %cond3A_250 : i32
        scf.if %cond3A_251 {
        } else {
        }
        %and3A_252 = arith.constant false
        %and3A_253 = arith.andi %or3A_248, %and3A_252 : i1
        %ne3A_254 = arith.cmpi ne, %add3A_151, %add3A_160 : i32
        %or3A_255 = arith.constant false
        %or3A_256 = arith.ori %or3A_255, %ne3A_254 : i1
        %or3A_257 = arith.constant false
        %or3A_258 = arith.ori %or3A_256, %or3A_257 : i1
        %not3A_259 = arith.constant true
        %not3A_260 = arith.xori %eq3A_148, %not3A_259 : i1
        %and3A_261 = arith.andi %or3A_258, %not3A_260 : i1
        %convert_element_type3A_262 = arith.extui %and3A_261 : i1 to i32
        %cond3A_263 = arith.constant 0 : i32
        %cond3A_264 = arith.cmpi ne, %convert_element_type3A_262, %cond3A_263 : i32
        scf.if %cond3A_264 {
        } else {
        }
        %and3A_265 = arith.constant false
        %and3A_266 = arith.andi %and3A_261, %and3A_265 : i1
        %ne3A_267 = arith.cmpi ne, %add3A_151, %add3A_160 : i32
        %or3A_268 = arith.constant false
        %or3A_269 = arith.ori %or3A_268, %ne3A_267 : i1
        %or3A_270 = arith.constant false
        %or3A_271 = arith.ori %or3A_269, %or3A_270 : i1
        %not3A_272 = arith.constant true
        %not3A_273 = arith.xori %eq3A_148, %not3A_272 : i1
        %and3A_274 = arith.andi %or3A_271, %not3A_273 : i1
        %convert_element_type3A_275 = arith.extui %and3A_274 : i1 to i32
        %cond3A_276 = arith.constant 0 : i32
        %cond3A_277 = arith.cmpi ne, %convert_element_type3A_275, %cond3A_276 : i32
        scf.if %cond3A_277 {
        } else {
        }
        %and3A_278 = arith.constant false
        %and3A_279 = arith.andi %and3A_274, %and3A_278 : i1
        %ne3A_280 = arith.cmpi ne, %add3A_151, %add3A_169 : i32
        %or3A_281 = arith.constant false
        %or3A_282 = arith.ori %or3A_281, %ne3A_280 : i1
        %or3A_283 = arith.constant false
        %or3A_284 = arith.ori %or3A_282, %or3A_283 : i1
        %or3A_285 = arith.ori %or3A_284, %eq3A_150 : i1
        %add3A_286 = arith.constant 1 : i32
        %add3A_287 = arith.addi %scan3A_143, %add3A_286 : i32
        %select_n3A_288 = arith.select %or3A_285, %add3A_287, %scan3A_143 : i32
        %ne3A_289 = arith.cmpi ne, %add3A_151, %add3A_169 : i32
        %or3A_290 = arith.constant false
        %or3A_291 = arith.ori %or3A_290, %ne3A_289 : i1
        %or3A_292 = arith.constant false
        %or3A_293 = arith.ori %or3A_291, %or3A_292 : i1
        %or3A_294 = arith.ori %or3A_293, %eq3A_150 : i1
        %add3A_295 = arith.constant 1 : i32
        %add3A_296 = arith.addi %scan3A_145, %add3A_295 : i32
        %select_n3A_297 = arith.select %or3A_294, %add3A_296, %scan3A_145 : i32
        %add3A_298 = arith.constant 1 : i32
        %add3A_299 = arith.addi %scan3A_146, %add3A_298 : i32
        %select_n3A_300 = arith.constant true
        %select_n3A_301 = arith.select %select_n3A_300, %add3A_299, %scan3A_146 : i32
        %eq3A_302 = arith.constant 79 : i32
        %eq3A_303 = arith.cmpi eq, %select_n3A_301, %eq3A_302 : i32
        %select_n3A_304 = arith.constant 0 : i32
        %select_n3A_305 = arith.select %eq3A_303, %select_n3A_304, %select_n3A_301 : i32
        scf.yield %select_n3A_189, %select_n3A_288, %select_n3A_207, %select_n3A_297, %select_n3A_305 : i32, i32, i32, i32, i32
      }
      %scan3A_105 = arith.constant 79 : i32
      %sub3A = arith.constant 1 : i32
      %sub3A_106 = arith.subi %scan3A_104#4, %sub3A : i32
      %select_n3A_107 = arith.constant true
      %select_n3A_108 = arith.select %select_n3A_107, %sub3A_106, %scan3A_104#4 : i32
      %eq3A_109 = arith.constant -1 : i32
      %eq3A_110 = arith.cmpi eq, %select_n3A_108, %eq3A_109 : i32
      %select_n3A_111 = arith.constant 78 : i32
      %select_n3A_112 = arith.select %eq3A_110, %select_n3A_111, %select_n3A_108 : i32
      %add3A_113 = arith.addi %select_n3A_112, %mul3A_17 : i32
      %sub3A_114 = arith.constant 1 : i32
      %sub3A_115 = arith.subi %select_n3A_112, %sub3A_114 : i32
      %select_n3A_116 = arith.constant true
      %select_n3A_117 = arith.select %select_n3A_116, %sub3A_115, %select_n3A_112 : i32
      %eq3A_118 = arith.constant -1 : i32
      %eq3A_119 = arith.cmpi eq, %select_n3A_117, %eq3A_118 : i32
      %select_n3A_120 = arith.constant 78 : i32
      %select_n3A_121 = arith.select %eq3A_119, %select_n3A_120, %select_n3A_117 : i32
      %add3A_122 = arith.addi %select_n3A_121, %mul3A_17 : i32
      %add3A_123 = arith.constant 1 : i32
      %add3A_124 = arith.addi %select_n3A_112, %add3A_123 : i32
      %select_n3A_125 = arith.constant true
      %select_n3A_126 = arith.select %select_n3A_125, %add3A_124, %select_n3A_112 : i32
      %eq3A_127 = arith.constant 79 : i32
      %eq3A_128 = arith.cmpi eq, %select_n3A_126, %eq3A_127 : i32
      %select_n3A_129 = arith.constant 0 : i32
      %select_n3A_130 = arith.select %eq3A_128, %select_n3A_129, %select_n3A_126 : i32
      %add3A_131 = arith.addi %select_n3A_130, %mul3A_17 : i32
      %add3A_132 = arith.constant 1 : i32
      %add3A_133 = arith.addi %select_n3A_130, %add3A_132 : i32
      %select_n3A_134 = arith.constant true
      %select_n3A_135 = arith.select %select_n3A_134, %add3A_133, %select_n3A_130 : i32
      %eq3A_136 = arith.constant 79 : i32
      %eq3A_137 = arith.cmpi eq, %select_n3A_135, %eq3A_136 : i32
      %select_n3A_138 = arith.constant 0 : i32
      %select_n3A_139 = arith.select %eq3A_137, %select_n3A_138, %select_n3A_135 : i32
      %add3A_140 = arith.addi %select_n3A_139, %mul3A_17 : i32
      tpu.yield
    }) : () -> ()
    %barrier3A_18 = arith.constant 0 : index
    tpu.barrier barrier_id(%barrier3A_18)
    "tpu.region"() ({
      %run_scoped3A = tpu.sem_alloc : memref<!tpu.dma_semaphore, #tpu.memory_space<semaphore_mem>>
      %dma_start3A = arith.constant 0 : i32
      %dma_start3A_19 = arith.constant 0 : i32
      %dma_start3A_20 = tpu.memref_slice %arg6[%arg0, %dma_start3A, %dma_start3A_19] : memref<2x10240x128xf32, #tpu.memory_space<hbm>> -> memref<1x10240x128xf32, #tpu.memory_space<hbm>>
      %dma_start3A_21 = tpu.memref_squeeze %dma_start3A_20 : memref<1x10240x128xf32, #tpu.memory_space<hbm>> -> memref<10240x128xf32, #tpu.memory_space<hbm>>
      %dma_start3A_22 = arith.constant 0 : i32
      %dma_start3A_23 = tpu.memref_slice %dma_start3A_21[%mul3A_0, %dma_start3A_22] : memref<10240x128xf32, #tpu.memory_space<hbm>> -> memref<640x128xf32, #tpu.memory_space<hbm>>
      %dma_start3A_24 = arith.constant 0 : i32
      %dma_start3A_25 = tpu.memref_slice %arg7[%mul3A_0, %dma_start3A_24] : memref<10240x128xf32, #tpu.memory_space<vmem_shared>> -> memref<640x128xf32, #tpu.memory_space<vmem_shared>>
      tpu.enqueue_dma source(%dma_start3A_25 : memref<640x128xf32, #tpu.memory_space<vmem_shared>>) target(%dma_start3A_23 : memref<640x128xf32, #tpu.memory_space<hbm>>) target_semaphore(%run_scoped3A : memref<!tpu.dma_semaphore, #tpu.memory_space<semaphore_mem>>)
      %dma_wait3A = arith.constant 0 : i32
      %dma_wait3A_26 = arith.constant 0 : i32
      %dma_wait3A_27 = tpu.memref_slice %arg6[%arg0, %dma_wait3A, %dma_wait3A_26] : memref<2x10240x128xf32, #tpu.memory_space<hbm>> -> memref<1x10240x128xf32, #tpu.memory_space<hbm>>
      %dma_wait3A_28 = tpu.memref_squeeze %dma_wait3A_27 : memref<1x10240x128xf32, #tpu.memory_space<hbm>> -> memref<10240x128xf32, #tpu.memory_space<hbm>>
      %dma_wait3A_29 = arith.constant 0 : i32
      %dma_wait3A_30 = tpu.memref_slice %dma_wait3A_28[%mul3A_0, %dma_wait3A_29] : memref<10240x128xf32, #tpu.memory_space<hbm>> -> memref<640x128xf32, #tpu.memory_space<hbm>>
      %dma_wait3A_31 = arith.constant 0 : i32
      %dma_wait3A_32 = tpu.memref_slice %arg7[%mul3A_0, %dma_wait3A_31] : memref<10240x128xf32, #tpu.memory_space<vmem_shared>> -> memref<640x128xf32, #tpu.memory_space<vmem_shared>>
      tpu.wait_dma2 semaphore(%run_scoped3A : memref<!tpu.dma_semaphore, #tpu.memory_space<semaphore_mem>>) src(%dma_wait3A_32 : memref<640x128xf32, #tpu.memory_space<vmem_shared>>) dst(%dma_wait3A_30 : memref<640x128xf32, #tpu.memory_space<hbm>>)
      tpu.yield
    }) : () -> ()
    return
  }
}

#map = affine_map<(d0, d1) -> (0, 0)>
#map1 = affine_map<(d0, d1) -> (0, 0, 0)>
module attributes {stable_mosaic.version = 14 : i64} {
  func.func @_spmm_b_body(%arg0: i32, %arg1: i32, %arg2: memref<10240x128xf32, #tpu.memory_space<hbm>>, %arg3: memref<2528x128xi32, #tpu.memory_space<hbm>>, %arg4: memref<2528x128xi32, #tpu.memory_space<hbm>>, %arg5: memref<2x10240x128xf32, #tpu.memory_space<hbm>>, %arg6: memref<10240x128xf32, #tpu.memory_space<vmem_shared>>, %arg7: memref<128x128xf32, #tpu.memory_space<vmem>>, %arg8: memref<64x128xf32, #tpu.memory_space<vmem>>) attributes {dimension_semantics = [#tpu.dimension_semantics<core_parallel>, #tpu.dimension_semantics<subcore_parallel>], iteration_bounds = array<i64: 2, 16>, scalar_prefetch = 0 : i64, scratch_operands = 3 : i64, tpu.core_type = #tpu.core_type<sc_vector_subcore>, window_params = [{transform_indices = #map}, {transform_indices = #map}, {transform_indices = #map}, {transform_indices = #map1}]} {
    %mul3A = arith.constant 640 : i32
    %mul3A_0 = arith.muli %arg1, %mul3A : i32
    %scan3A = arith.constant 0 : i32
    %scan3A_1 = arith.constant 64 : i32
    %scan3A_2 = arith.addi %scan3A, %scan3A_1 : i32
    %scan3A_3 = arith.constant 1 : i32
    scf.for %scan3A_19 = %scan3A to %scan3A_2 step %scan3A_3  : i32 {
      %mul3A_20 = arith.constant 1 : i32
      %mul3A_21 = arith.muli %scan3A_19, %mul3A_20 : i32
      %add3A_22 = arith.constant 0 : i32
      %add3A_23 = arith.addi %add3A_22, %mul3A_21 : i32
      %scan3A_24 = arith.constant 0 : i32
      %scan3A_25 = arith.constant 8 : i32
      %scan3A_26 = arith.addi %scan3A_24, %scan3A_25 : i32
      %scan3A_27 = arith.constant 1 : i32
      scf.for %scan3A_29 = %scan3A_24 to %scan3A_26 step %scan3A_27  : i32 {
        %mul3A_30 = arith.constant 16 : i32
        %mul3A_31 = arith.muli %scan3A_29, %mul3A_30 : i32
        %add3A_32 = arith.constant 0 : i32
        %add3A_33 = arith.addi %add3A_32, %mul3A_31 : i32
        %broadcast_in_dim3A = arith.constant 0.000000e+00 : f32
        %broadcast_in_dim3A_34 = vector.broadcast %broadcast_in_dim3A : f32 to vector<16xf32>
        %swap3A = arith.index_cast %add3A_23 : i32 to index
        %swap3A_35 = arith.index_cast %add3A_33 : i32 to index
        %swap3A_36 = tpu.vector_load %arg8[%swap3A, %swap3A_35] {strides = array<i32>} : memref<64x128xf32, #tpu.memory_space<vmem>>, vector<1x16xf32>,
        %swap3A_37 = vector.shape_cast %swap3A_36 : vector<1x16xf32> to vector<16xf32>
        %swap3A_38 = vector.shape_cast %broadcast_in_dim3A_34 : vector<16xf32> to vector<1x16xf32>
        tpu.vector_store %arg8[%swap3A, %swap3A_35], %swap3A_38 {strides = array<i32>} : memref<64x128xf32, #tpu.memory_space<vmem>>, vector<1x16xf32>,
      }
      %scan3A_28 = arith.constant 8 : i32
    }
    %scan3A_4 = arith.constant 64 : i32
    %scan3A_5 = arith.constant 0 : i32
    %scan3A_6 = arith.constant 10 : i32
    %scan3A_7 = arith.addi %scan3A_5, %scan3A_6 : i32
    %scan3A_8 = arith.constant 1 : i32
    scf.for %scan3A_19 = %scan3A_5 to %scan3A_7 step %scan3A_8  : i32 {
      %mul3A_20 = arith.constant 64 : i32
      %mul3A_21 = arith.muli %scan3A_19, %mul3A_20 : i32
      %add3A_22 = arith.constant 0 : i32
      %add3A_23 = arith.addi %add3A_22, %mul3A_21 : i32
      %add3A_24 = arith.addi %mul3A_0, %add3A_23 : i32
      "tpu.region"() ({
        %run_scoped3A = tpu.sem_alloc : memref<!tpu.dma_semaphore, #tpu.memory_space<semaphore_mem>>
        %dma_start3A = arith.constant 0 : i32
        %dma_start3A_25 = tpu.memref_slice %arg6[%add3A_24, %dma_start3A] : memref<10240x128xf32, #tpu.memory_space<vmem_shared>> -> memref<64x128xf32, #tpu.memory_space<vmem_shared>>
        %dma_start3A_26 = arith.constant 0 : i32
        %dma_start3A_27 = tpu.memref_slice %arg6[%add3A_24, %dma_start3A_26] : memref<10240x128xf32, #tpu.memory_space<vmem_shared>> -> memref<64x128xf32, #tpu.memory_space<vmem_shared>>
        tpu.enqueue_dma source(%arg8 : memref<64x128xf32, #tpu.memory_space<vmem>>) target(%dma_start3A_27 : memref<64x128xf32, #tpu.memory_space<vmem_shared>>) target_semaphore(%run_scoped3A : memref<!tpu.dma_semaphore, #tpu.memory_space<semaphore_mem>>)
        %dma_wait3A = arith.constant 0 : i32
        %dma_wait3A_28 = tpu.memref_slice %arg6[%add3A_24, %dma_wait3A] : memref<10240x128xf32, #tpu.memory_space<vmem_shared>> -> memref<64x128xf32, #tpu.memory_space<vmem_shared>>
        %dma_wait3A_29 = arith.constant 0 : i32
        %dma_wait3A_30 = tpu.memref_slice %arg6[%add3A_24, %dma_wait3A_29] : memref<10240x128xf32, #tpu.memory_space<vmem_shared>> -> memref<64x128xf32, #tpu.memory_space<vmem_shared>>
        tpu.wait_dma2 semaphore(%run_scoped3A : memref<!tpu.dma_semaphore, #tpu.memory_space<semaphore_mem>>) src(%arg8 : memref<64x128xf32, #tpu.memory_space<vmem>>) dst(%dma_wait3A_30 : memref<64x128xf32, #tpu.memory_space<vmem_shared>>)
        tpu.yield
      }) : () -> ()
    }
    %scan3A_9 = arith.constant 10 : i32
    %barrier3A = arith.constant 0 : index
    tpu.barrier barrier_id(%barrier3A)
    %mul3A_10 = arith.constant 1 : i32
    %mul3A_11 = arith.muli %arg1, %mul3A_10 : i32
    %add3A = arith.constant 0 : i32
    %add3A_12 = arith.addi %add3A, %mul3A_11 : i32
    %mul3A_13 = arith.constant 16 : i32
    %mul3A_14 = arith.muli %arg0, %mul3A_13 : i32
    %add3A_15 = arith.addi %add3A_12, %mul3A_14 : i32
    %mul3A_16 = arith.constant 79 : i32
    %mul3A_17 = arith.muli %add3A_15, %mul3A_16 : i32
    "tpu.region"() ({
      %run_scoped3A = memref.alloca() : memref<2x1x128xi32, #tpu.memory_space<vmem>>
      %run_scoped3A_19 = tpu.sem_alloc : memref<2x!tpu.dma_semaphore, #tpu.memory_space<semaphore_mem>>
      %run_scoped3A_20 = memref.alloca() : memref<2x1x128xi32, #tpu.memory_space<vmem>>
      %run_scoped3A_21 = tpu.sem_alloc : memref<2x!tpu.dma_semaphore, #tpu.memory_space<semaphore_mem>>
      %add3A_22 = arith.constant 0 : i32
      %add3A_23 = arith.addi %add3A_22, %mul3A_17 : i32
      %select_n3A = arith.constant true
      %select_n3A_24 = arith.constant 0 : i32
      %select_n3A_25 = arith.constant -1 : i32
      %select_n3A_26 = arith.select %select_n3A, %select_n3A_25, %select_n3A_24 : i32
      %eq3A = arith.constant -1 : i32
      %eq3A_27 = arith.cmpi eq, %select_n3A_26, %eq3A : i32
      %select_n3A_28 = arith.constant 78 : i32
      %select_n3A_29 = arith.select %eq3A_27, %select_n3A_28, %select_n3A_26 : i32
      %add3A_30 = arith.addi %select_n3A_29, %mul3A_17 : i32
      %select_n3A_31 = arith.constant true
      %select_n3A_32 = arith.constant 0 : i32
      %select_n3A_33 = arith.constant 1 : i32
      %select_n3A_34 = arith.select %select_n3A_31, %select_n3A_33, %select_n3A_32 : i32
      %eq3A_35 = arith.constant 79 : i32
      %eq3A_36 = arith.cmpi eq, %select_n3A_34, %eq3A_35 : i32
      %select_n3A_37 = arith.constant 0 : i32
      %select_n3A_38 = arith.select %eq3A_36, %select_n3A_37, %select_n3A_34 : i32
      %add3A_39 = arith.addi %select_n3A_38, %mul3A_17 : i32
      %add3A_40 = arith.constant 1 : i32
      %add3A_41 = arith.addi %select_n3A_38, %add3A_40 : i32
      %select_n3A_42 = arith.constant true
      %select_n3A_43 = arith.select %select_n3A_42, %add3A_41, %select_n3A_38 : i32
      %eq3A_44 = arith.constant 79 : i32
      %eq3A_45 = arith.cmpi eq, %select_n3A_43, %eq3A_44 : i32
      %select_n3A_46 = arith.constant 0 : i32
      %select_n3A_47 = arith.select %eq3A_45, %select_n3A_46, %select_n3A_43 : i32
      %add3A_48 = arith.addi %select_n3A_47, %mul3A_17 : i32
      "tpu.trace_start"() <{level = 10 : i32, message = "ep_initialize_0"}> : () -> ()
      %rem3A = arith.constant 0 : i32
      %rem3A_49 = arith.constant 2 : i32
      %rem3A_50 = arith.remui %rem3A, %rem3A_49 : i32
      %mul3A_51 = arith.constant 1 : i32
      %mul3A_52 = arith.muli %mul3A_51, %add3A_23 : i32
      %dma_start3A = arith.constant 0 : i32
      %dma_start3A_53 = arith.constant 0 : i32
      %dma_start3A_54 = tpu.memref_slice %run_scoped3A[%rem3A_50, %dma_start3A, %dma_start3A_53] : memref<2x1x128xi32, #tpu.memory_space<vmem>> -> memref<1x1x128xi32, #tpu.memory_space<vmem>>
      %dma_start3A_55 = tpu.memref_squeeze %dma_start3A_54 : memref<1x1x128xi32, #tpu.memory_space<vmem>> -> memref<1x128xi32, #tpu.memory_space<vmem>>
      %dma_start3A_56 = arith.constant 0 : i32
      %dma_start3A_57 = tpu.memref_slice %arg3[%mul3A_52, %dma_start3A_56] : memref<2528x128xi32, #tpu.memory_space<hbm>> -> memref<1x128xi32, #tpu.memory_space<hbm>>
      %dma_start3A_58 = tpu.memref_slice %run_scoped3A_19[%rem3A_50] : memref<2x!tpu.dma_semaphore, #tpu.memory_space<semaphore_mem>> -> memref<1x!tpu.dma_semaphore, #tpu.memory_space<semaphore_mem>>
      %dma_start3A_59 = tpu.memref_squeeze %dma_start3A_58 : memref<1x!tpu.dma_semaphore, #tpu.memory_space<semaphore_mem>> -> memref<!tpu.dma_semaphore, #tpu.memory_space<semaphore_mem>>
      %dma_start3A_60 = arith.constant 0 : i32
      %dma_start3A_61 = arith.constant 0 : i32
      %dma_start3A_62 = tpu.memref_slice %run_scoped3A[%rem3A_50, %dma_start3A_60, %dma_start3A_61] : memref<2x1x128xi32, #tpu.memory_space<vmem>> -> memref<1x1x128xi32, #tpu.memory_space<vmem>>
      %dma_start3A_63 = tpu.memref_squeeze %dma_start3A_62 : memref<1x1x128xi32, #tpu.memory_space<vmem>> -> memref<1x128xi32, #tpu.memory_space<vmem>>
      %dma_start3A_64 = arith.constant 0 : i32
      %dma_start3A_65 = tpu.memref_slice %arg3[%mul3A_52, %dma_start3A_64] : memref<2528x128xi32, #tpu.memory_space<hbm>> -> memref<1x128xi32, #tpu.memory_space<hbm>>
      tpu.enqueue_dma source(%dma_start3A_65 : memref<1x128xi32, #tpu.memory_space<hbm>>) target(%dma_start3A_63 : memref<1x128xi32, #tpu.memory_space<vmem>>) target_semaphore(%dma_start3A_59 : memref<!tpu.dma_semaphore, #tpu.memory_space<semaphore_mem>>)
      %add3A_66 = arith.constant 0 : i32
      %add3A_67 = arith.constant 1 : i32
      %add3A_68 = arith.addi %add3A_66, %add3A_67 : i32
      %select_n3A_69 = arith.constant true
      %select_n3A_70 = arith.constant 0 : i32
      %select_n3A_71 = arith.select %select_n3A_69, %add3A_68, %select_n3A_70 : i32
      %rem3A_72 = arith.constant 0 : i32
      %rem3A_73 = arith.constant 2 : i32
      %rem3A_74 = arith.remui %rem3A_72, %rem3A_73 : i32
      %mul3A_75 = arith.constant 1 : i32
      %mul3A_76 = arith.muli %mul3A_75, %add3A_23 : i32
      %dma_start3A_77 = arith.constant 0 : i32
      %dma_start3A_78 = arith.constant 0 : i32
      %dma_start3A_79 = tpu.memref_slice %run_scoped3A_20[%rem3A_74, %dma_start3A_77, %dma_start3A_78] : memref<2x1x128xi32, #tpu.memory_space<vmem>> -> memref<1x1x128xi32, #tpu.memory_space<vmem>>
      %dma_start3A_80 = tpu.memref_squeeze %dma_start3A_79 : memref<1x1x128xi32, #tpu.memory_space<vmem>> -> memref<1x128xi32, #tpu.memory_space<vmem>>
      %dma_start3A_81 = arith.constant 0 : i32
      %dma_start3A_82 = tpu.memref_slice %arg4[%mul3A_76, %dma_start3A_81] : memref<2528x128xi32, #tpu.memory_space<hbm>> -> memref<1x128xi32, #tpu.memory_space<hbm>>
      %dma_start3A_83 = tpu.memref_slice %run_scoped3A_21[%rem3A_74] : memref<2x!tpu.dma_semaphore, #tpu.memory_space<semaphore_mem>> -> memref<1x!tpu.dma_semaphore, #tpu.memory_space<semaphore_mem>>
      %dma_start3A_84 = tpu.memref_squeeze %dma_start3A_83 : memref<1x!tpu.dma_semaphore, #tpu.memory_space<semaphore_mem>> -> memref<!tpu.dma_semaphore, #tpu.memory_space<semaphore_mem>>
      %dma_start3A_85 = arith.constant 0 : i32
      %dma_start3A_86 = arith.constant 0 : i32
      %dma_start3A_87 = tpu.memref_slice %run_scoped3A_20[%rem3A_74, %dma_start3A_85, %dma_start3A_86] : memref<2x1x128xi32, #tpu.memory_space<vmem>> -> memref<1x1x128xi32, #tpu.memory_space<vmem>>
      %dma_start3A_88 = tpu.memref_squeeze %dma_start3A_87 : memref<1x1x128xi32, #tpu.memory_space<vmem>> -> memref<1x128xi32, #tpu.memory_space<vmem>>
      %dma_start3A_89 = arith.constant 0 : i32
      %dma_start3A_90 = tpu.memref_slice %arg4[%mul3A_76, %dma_start3A_89] : memref<2528x128xi32, #tpu.memory_space<hbm>> -> memref<1x128xi32, #tpu.memory_space<hbm>>
      tpu.enqueue_dma source(%dma_start3A_90 : memref<1x128xi32, #tpu.memory_space<hbm>>) target(%dma_start3A_88 : memref<1x128xi32, #tpu.memory_space<vmem>>) target_semaphore(%dma_start3A_84 : memref<!tpu.dma_semaphore, #tpu.memory_space<semaphore_mem>>)
      %add3A_91 = arith.constant 0 : i32
      %add3A_92 = arith.constant 1 : i32
      %add3A_93 = arith.addi %add3A_91, %add3A_92 : i32
      %select_n3A_94 = arith.constant true
      %select_n3A_95 = arith.constant 0 : i32
      %select_n3A_96 = arith.select %select_n3A_94, %add3A_93, %select_n3A_95 : i32
      "tpu.trace_stop"() : () -> ()
      %scan3A_97 = arith.constant 0 : i32
      %scan3A_98 = arith.constant 0 : i32
      %scan3A_99 = arith.constant 0 : i32
      %scan3A_100 = arith.constant 0 : i32
      %scan3A_101 = arith.constant 79 : i32
      %scan3A_102 = arith.addi %scan3A_100, %scan3A_101 : i32
      %scan3A_103 = arith.constant 1 : i32
      %scan3A_104:5 = scf.for %scan3A_141 = %scan3A_100 to %scan3A_102 step %scan3A_103 iter_args(%scan3A_142 = %select_n3A_71, %scan3A_143 = %scan3A_97, %scan3A_144 = %select_n3A_96, %scan3A_145 = %scan3A_98, %scan3A_146 = %scan3A_99) -> (i32, i32, i32, i32, i32)  : i32 {
        %eq3A_147 = arith.constant 0 : i32
        %eq3A_148 = arith.cmpi eq, %scan3A_141, %eq3A_147 : i32
        %eq3A_149 = arith.constant 78 : i32
        %eq3A_150 = arith.cmpi eq, %scan3A_141, %eq3A_149 : i32
        %add3A_151 = arith.addi %scan3A_146, %mul3A_17 : i32
        %sub3A_152 = arith.constant 1 : i32
        %sub3A_153 = arith.subi %scan3A_146, %sub3A_152 : i32
        %select_n3A_154 = arith.constant true
        %select_n3A_155 = arith.select %select_n3A_154, %sub3A_153, %scan3A_146 : i32
        %eq3A_156 = arith.constant -1 : i32
        %eq3A_157 = arith.cmpi eq, %select_n3A_155, %eq3A_156 : i32
        %select_n3A_158 = arith.constant 78 : i32
        %select_n3A_159 = arith.select %eq3A_157, %select_n3A_158, %select_n3A_155 : i32
        %add3A_160 = arith.addi %select_n3A_159, %mul3A_17 : i32
        %add3A_161 = arith.constant 1 : i32
        %add3A_162 = arith.addi %scan3A_146, %add3A_161 : i32
        %select_n3A_163 = arith.constant true
        %select_n3A_164 = arith.select %select_n3A_163, %add3A_162, %scan3A_146 : i32
        %eq3A_165 = arith.constant 79 : i32
        %eq3A_166 = arith.cmpi eq, %select_n3A_164, %eq3A_165 : i32
        %select_n3A_167 = arith.constant 0 : i32
        %select_n3A_168 = arith.select %eq3A_166, %select_n3A_167, %select_n3A_164 : i32
        %add3A_169 = arith.addi %select_n3A_168, %mul3A_17 : i32
        %add3A_170 = arith.constant 1 : i32
        %add3A_171 = arith.addi %select_n3A_168, %add3A_170 : i32
        %select_n3A_172 = arith.constant true
        %select_n3A_173 = arith.select %select_n3A_172, %add3A_171, %select_n3A_168 : i32
        %eq3A_174 = arith.constant 79 : i32
        %eq3A_175 = arith.cmpi eq, %select_n3A_173, %eq3A_174 : i32
        %select_n3A_176 = arith.constant 0 : i32
        %select_n3A_177 = arith.select %eq3A_175, %select_n3A_176, %select_n3A_173 : i32
        %add3A_178 = arith.addi %select_n3A_177, %mul3A_17 : i32
        %ne3A = arith.cmpi ne, %add3A_151, %add3A_169 : i32
        %or3A = arith.constant false
        %or3A_179 = arith.ori %or3A, %ne3A : i1
        %or3A_180 = arith.constant false
        %or3A_181 = arith.ori %or3A_179, %or3A_180 : i1
        %ge3A = arith.constant 78 : i32
        %ge3A_182 = arith.cmpi sge, %scan3A_141, %ge3A : i32
        %not3A = arith.constant true
        %not3A_183 = arith.xori %ge3A_182, %not3A : i1
        %and3A = arith.andi %or3A_181, %not3A_183 : i1
        %convert_element_type3A = arith.extui %and3A : i1 to i32
        %cond3A = arith.constant 0 : i32
        %cond3A_184 = arith.cmpi ne, %convert_element_type3A, %cond3A : i32
        scf.if %cond3A_184 {
          "tpu.trace_start"() <{level = 10 : i32, message = "ep_copy_in"}> : () -> ()
          %rem3A_306 = arith.constant 2 : i32
          %rem3A_307 = arith.remui %scan3A_142, %rem3A_306 : i32
          %mul3A_308 = arith.constant 1 : i32
          %mul3A_309 = arith.muli %mul3A_308, %add3A_169 : i32
          %dma_start3A_310 = arith.constant 0 : i32
          %dma_start3A_311 = arith.constant 0 : i32
          %dma_start3A_312 = tpu.memref_slice %run_scoped3A[%rem3A_307, %dma_start3A_310, %dma_start3A_311] : memref<2x1x128xi32, #tpu.memory_space<vmem>> -> memref<1x1x128xi32, #tpu.memory_space<vmem>>
          %dma_start3A_313 = tpu.memref_squeeze %dma_start3A_312 : memref<1x1x128xi32, #tpu.memory_space<vmem>> -> memref<1x128xi32, #tpu.memory_space<vmem>>
          %dma_start3A_314 = arith.constant 0 : i32
          %dma_start3A_315 = tpu.memref_slice %arg3[%mul3A_309, %dma_start3A_314] : memref<2528x128xi32, #tpu.memory_space<hbm>> -> memref<1x128xi32, #tpu.memory_space<hbm>>
          %dma_start3A_316 = tpu.memref_slice %run_scoped3A_19[%rem3A_307] : memref<2x!tpu.dma_semaphore, #tpu.memory_space<semaphore_mem>> -> memref<1x!tpu.dma_semaphore, #tpu.memory_space<semaphore_mem>>
          %dma_start3A_317 = tpu.memref_squeeze %dma_start3A_316 : memref<1x!tpu.dma_semaphore, #tpu.memory_space<semaphore_mem>> -> memref<!tpu.dma_semaphore, #tpu.memory_space<semaphore_mem>>
          %dma_start3A_318 = arith.constant 0 : i32
          %dma_start3A_319 = arith.constant 0 : i32
          %dma_start3A_320 = tpu.memref_slice %run_scoped3A[%rem3A_307, %dma_start3A_318, %dma_start3A_319] : memref<2x1x128xi32, #tpu.memory_space<vmem>> -> memref<1x1x128xi32, #tpu.memory_space<vmem>>
          %dma_start3A_321 = tpu.memref_squeeze %dma_start3A_320 : memref<1x1x128xi32, #tpu.memory_space<vmem>> -> memref<1x128xi32, #tpu.memory_space<vmem>>
          %dma_start3A_322 = arith.constant 0 : i32
          %dma_start3A_323 = tpu.memref_slice %arg3[%mul3A_309, %dma_start3A_322] : memref<2528x128xi32, #tpu.memory_space<hbm>> -> memref<1x128xi32, #tpu.memory_space<hbm>>
          tpu.enqueue_dma source(%dma_start3A_323 : memref<1x128xi32, #tpu.memory_space<hbm>>) target(%dma_start3A_321 : memref<1x128xi32, #tpu.memory_space<vmem>>) target_semaphore(%dma_start3A_317 : memref<!tpu.dma_semaphore, #tpu.memory_space<semaphore_mem>>)
          "tpu.trace_stop"() : () -> ()
        } else {
        }
        %and3A_185 = arith.constant true
        %and3A_186 = arith.andi %and3A, %and3A_185 : i1
        %add3A_187 = arith.constant 1 : i32
        %add3A_188 = arith.addi %scan3A_142, %add3A_187 : i32
        %select_n3A_189 = arith.select %and3A_186, %add3A_188, %scan3A_142 : i32
        %ne3A_190 = arith.cmpi ne, %add3A_151, %add3A_169 : i32
        %or3A_191 = arith.constant false
        %or3A_192 = arith.ori %or3A_191, %ne3A_190 : i1
        %or3A_193 = arith.constant false
        %or3A_194 = arith.ori %or3A_192, %or3A_193 : i1
        %ge3A_195 = arith.constant 78 : i32
        %ge3A_196 = arith.cmpi sge, %scan3A_141, %ge3A_195 : i32
        %not3A_197 = arith.constant true
        %not3A_198 = arith.xori %ge3A_196, %not3A_197 : i1
        %and3A_199 = arith.andi %or3A_194, %not3A_198 : i1
        %convert_element_type3A_200 = arith.extui %and3A_199 : i1 to i32
        %cond3A_201 = arith.constant 0 : i32
        %cond3A_202 = arith.cmpi ne, %convert_element_type3A_200, %cond3A_201 : i32
        scf.if %cond3A_202 {
          "tpu.trace_start"() <{level = 10 : i32, message = "ep_copy_in"}> : () -> ()
          %rem3A_306 = arith.constant 2 : i32
          %rem3A_307 = arith.remui %scan3A_144, %rem3A_306 : i32
          %mul3A_308 = arith.constant 1 : i32
          %mul3A_309 = arith.muli %mul3A_308, %add3A_169 : i32
          %dma_start3A_310 = arith.constant 0 : i32
          %dma_start3A_311 = arith.constant 0 : i32
          %dma_start3A_312 = tpu.memref_slice %run_scoped3A_20[%rem3A_307, %dma_start3A_310, %dma_start3A_311] : memref<2x1x128xi32, #tpu.memory_space<vmem>> -> memref<1x1x128xi32, #tpu.memory_space<vmem>>
          %dma_start3A_313 = tpu.memref_squeeze %dma_start3A_312 : memref<1x1x128xi32, #tpu.memory_space<vmem>> -> memref<1x128xi32, #tpu.memory_space<vmem>>
          %dma_start3A_314 = arith.constant 0 : i32
          %dma_start3A_315 = tpu.memref_slice %arg4[%mul3A_309, %dma_start3A_314] : memref<2528x128xi32, #tpu.memory_space<hbm>> -> memref<1x128xi32, #tpu.memory_space<hbm>>
          %dma_start3A_316 = tpu.memref_slice %run_scoped3A_21[%rem3A_307] : memref<2x!tpu.dma_semaphore, #tpu.memory_space<semaphore_mem>> -> memref<1x!tpu.dma_semaphore, #tpu.memory_space<semaphore_mem>>
          %dma_start3A_317 = tpu.memref_squeeze %dma_start3A_316 : memref<1x!tpu.dma_semaphore, #tpu.memory_space<semaphore_mem>> -> memref<!tpu.dma_semaphore, #tpu.memory_space<semaphore_mem>>
          %dma_start3A_318 = arith.constant 0 : i32
          %dma_start3A_319 = arith.constant 0 : i32
          %dma_start3A_320 = tpu.memref_slice %run_scoped3A_20[%rem3A_307, %dma_start3A_318, %dma_start3A_319] : memref<2x1x128xi32, #tpu.memory_space<vmem>> -> memref<1x1x128xi32, #tpu.memory_space<vmem>>
          %dma_start3A_321 = tpu.memref_squeeze %dma_start3A_320 : memref<1x1x128xi32, #tpu.memory_space<vmem>> -> memref<1x128xi32, #tpu.memory_space<vmem>>
          %dma_start3A_322 = arith.constant 0 : i32
          %dma_start3A_323 = tpu.memref_slice %arg4[%mul3A_309, %dma_start3A_322] : memref<2528x128xi32, #tpu.memory_space<hbm>> -> memref<1x128xi32, #tpu.memory_space<hbm>>
          tpu.enqueue_dma source(%dma_start3A_323 : memref<1x128xi32, #tpu.memory_space<hbm>>) target(%dma_start3A_321 : memref<1x128xi32, #tpu.memory_space<vmem>>) target_semaphore(%dma_start3A_317 : memref<!tpu.dma_semaphore, #tpu.memory_space<semaphore_mem>>)
          "tpu.trace_stop"() : () -> ()
        } else {
        }
        %and3A_203 = arith.constant true
        %and3A_204 = arith.andi %and3A_199, %and3A_203 : i1
        %add3A_205 = arith.constant 1 : i32
        %add3A_206 = arith.addi %scan3A_144, %add3A_205 : i32
        %select_n3A_207 = arith.select %and3A_204, %add3A_206, %scan3A_144 : i32
        %ne3A_208 = arith.cmpi ne, %add3A_151, %add3A_160 : i32
        %or3A_209 = arith.constant false
        %or3A_210 = arith.ori %or3A_209, %ne3A_208 : i1
        %or3A_211 = arith.constant false
        %or3A_212 = arith.ori %or3A_210, %or3A_211 : i1
        %or3A_213 = arith.ori %or3A_212, %eq3A_148 : i1
        %convert_element_type3A_214 = arith.extui %or3A_213 : i1 to i32
        %cond3A_215 = arith.constant 0 : i32
        %cond3A_216 = arith.cmpi ne, %convert_element_type3A_214, %cond3A_215 : i32
        scf.if %cond3A_216 {
          "tpu.trace_start"() <{level = 10 : i32, message = "ep_wait_in"}> : () -> ()
          %mul3A_306 = arith.constant 1 : i32
          %mul3A_307 = arith.muli %mul3A_306, %add3A_151 : i32
          %rem3A_308 = arith.constant 2 : i32
          %rem3A_309 = arith.remui %scan3A_143, %rem3A_308 : i32
          %dma_wait3A = arith.constant 0 : i32
          %dma_wait3A_310 = arith.constant 0 : i32
          %dma_wait3A_311 = tpu.memref_slice %run_scoped3A[%rem3A_309, %dma_wait3A, %dma_wait3A_310] : memref<2x1x128xi32, #tpu.memory_space<vmem>> -> memref<1x1x128xi32, #tpu.memory_space<vmem>>
          %dma_wait3A_312 = tpu.memref_squeeze %dma_wait3A_311 : memref<1x1x128xi32, #tpu.memory_space<vmem>> -> memref<1x128xi32, #tpu.memory_space<vmem>>
          %dma_wait3A_313 = arith.constant 0 : i32
          %dma_wait3A_314 = tpu.memref_slice %arg3[%mul3A_307, %dma_wait3A_313] : memref<2528x128xi32, #tpu.memory_space<hbm>> -> memref<1x128xi32, #tpu.memory_space<hbm>>
          %dma_wait3A_315 = tpu.memref_slice %run_scoped3A_19[%rem3A_309] : memref<2x!tpu.dma_semaphore, #tpu.memory_space<semaphore_mem>> -> memref<1x!tpu.dma_semaphore, #tpu.memory_space<semaphore_mem>>
          %dma_wait3A_316 = tpu.memref_squeeze %dma_wait3A_315 : memref<1x!tpu.dma_semaphore, #tpu.memory_space<semaphore_mem>> -> memref<!tpu.dma_semaphore, #tpu.memory_space<semaphore_mem>>
          %dma_wait3A_317 = arith.constant 0 : i32
          %dma_wait3A_318 = arith.constant 0 : i32
          %dma_wait3A_319 = tpu.memref_slice %run_scoped3A[%rem3A_309, %dma_wait3A_317, %dma_wait3A_318] : memref<2x1x128xi32, #tpu.memory_space<vmem>> -> memref<1x1x128xi32, #tpu.memory_space<vmem>>
          %dma_wait3A_320 = tpu.memref_squeeze %dma_wait3A_319 : memref<1x1x128xi32, #tpu.memory_space<vmem>> -> memref<1x128xi32, #tpu.memory_space<vmem>>
          %dma_wait3A_321 = arith.constant 0 : i32
          %dma_wait3A_322 = tpu.memref_slice %arg3[%mul3A_307, %dma_wait3A_321] : memref<2528x128xi32, #tpu.memory_space<hbm>> -> memref<1x128xi32, #tpu.memory_space<hbm>>
          tpu.wait_dma2 semaphore(%dma_wait3A_316 : memref<!tpu.dma_semaphore, #tpu.memory_space<semaphore_mem>>) src(%dma_wait3A_322 : memref<1x128xi32, #tpu.memory_space<hbm>>) dst(%dma_wait3A_320 : memref<1x128xi32, #tpu.memory_space<vmem>>)
          "tpu.trace_stop"() : () -> ()
        } else {
        }
        %ne3A_217 = arith.cmpi ne, %add3A_151, %add3A_160 : i32
        %or3A_218 = arith.constant false
        %or3A_219 = arith.ori %or3A_218, %ne3A_217 : i1
        %or3A_220 = arith.constant false
        %or3A_221 = arith.ori %or3A_219, %or3A_220 : i1
        %or3A_222 = arith.ori %or3A_221, %eq3A_148 : i1
        %convert_element_type3A_223 = arith.extui %or3A_222 : i1 to i32
        %cond3A_224 = arith.constant 0 : i32
        %cond3A_225 = arith.cmpi ne, %convert_element_type3A_223, %cond3A_224 : i32
        scf.if %cond3A_225 {
          "tpu.trace_start"() <{level = 10 : i32, message = "ep_wait_in"}> : () -> ()
          %mul3A_306 = arith.constant 1 : i32
          %mul3A_307 = arith.muli %mul3A_306, %add3A_151 : i32
          %rem3A_308 = arith.constant 2 : i32
          %rem3A_309 = arith.remui %scan3A_145, %rem3A_308 : i32
          %dma_wait3A = arith.constant 0 : i32
          %dma_wait3A_310 = arith.constant 0 : i32
          %dma_wait3A_311 = tpu.memref_slice %run_scoped3A_20[%rem3A_309, %dma_wait3A, %dma_wait3A_310] : memref<2x1x128xi32, #tpu.memory_space<vmem>> -> memref<1x1x128xi32, #tpu.memory_space<vmem>>
          %dma_wait3A_312 = tpu.memref_squeeze %dma_wait3A_311 : memref<1x1x128xi32, #tpu.memory_space<vmem>> -> memref<1x128xi32, #tpu.memory_space<vmem>>
          %dma_wait3A_313 = arith.constant 0 : i32
          %dma_wait3A_314 = tpu.memref_slice %arg4[%mul3A_307, %dma_wait3A_313] : memref<2528x128xi32, #tpu.memory_space<hbm>> -> memref<1x128xi32, #tpu.memory_space<hbm>>
          %dma_wait3A_315 = tpu.memref_slice %run_scoped3A_21[%rem3A_309] : memref<2x!tpu.dma_semaphore, #tpu.memory_space<semaphore_mem>> -> memref<1x!tpu.dma_semaphore, #tpu.memory_space<semaphore_mem>>
          %dma_wait3A_316 = tpu.memref_squeeze %dma_wait3A_315 : memref<1x!tpu.dma_semaphore, #tpu.memory_space<semaphore_mem>> -> memref<!tpu.dma_semaphore, #tpu.memory_space<semaphore_mem>>
          %dma_wait3A_317 = arith.constant 0 : i32
          %dma_wait3A_318 = arith.constant 0 : i32
          %dma_wait3A_319 = tpu.memref_slice %run_scoped3A_20[%rem3A_309, %dma_wait3A_317, %dma_wait3A_318] : memref<2x1x128xi32, #tpu.memory_space<vmem>> -> memref<1x1x128xi32, #tpu.memory_space<vmem>>
          %dma_wait3A_320 = tpu.memref_squeeze %dma_wait3A_319 : memref<1x1x128xi32, #tpu.memory_space<vmem>> -> memref<1x128xi32, #tpu.memory_space<vmem>>
          %dma_wait3A_321 = arith.constant 0 : i32
          %dma_wait3A_322 = tpu.memref_slice %arg4[%mul3A_307, %dma_wait3A_321] : memref<2528x128xi32, #tpu.memory_space<hbm>> -> memref<1x128xi32, #tpu.memory_space<hbm>>
          tpu.wait_dma2 semaphore(%dma_wait3A_316 : memref<!tpu.dma_semaphore, #tpu.memory_space<semaphore_mem>>) src(%dma_wait3A_322 : memref<1x128xi32, #tpu.memory_space<hbm>>) dst(%dma_wait3A_320 : memref<1x128xi32, #tpu.memory_space<vmem>>)
          "tpu.trace_stop"() : () -> ()
        } else {
        }
        %rem3A_226 = arith.constant 2 : i32
        %rem3A_227 = arith.remui %scan3A_143, %rem3A_226 : i32
        %rem3A_228 = arith.constant 2 : i32
        %rem3A_229 = arith.remui %scan3A_145, %rem3A_228 : i32
        %run_scoped3A_230 = arith.constant 0 : i32
        "tpu.trace_start"() <{level = 10 : i32, message = "ep_run_kernel"}> : () -> ()
        "tpu.region"() ({
          %run_scoped3A_306 = tpu.sem_alloc : memref<!tpu.dma_semaphore, #tpu.memory_space<semaphore_mem>>
          %dma_start3A_307 = arith.constant 0 : i32
          %dma_start3A_308 = arith.constant 0 : i32
          %dma_start3A_309 = tpu.memref_slice %run_scoped3A_20[%rem3A_229, %dma_start3A_307, %dma_start3A_308] : memref<2x1x128xi32, #tpu.memory_space<vmem>> -> memref<1x1x128xi32, #tpu.memory_space<vmem>>
          %dma_start3A_310 = tpu.memref_squeeze %dma_start3A_309 : memref<1x1x128xi32, #tpu.memory_space<vmem>> -> memref<1x128xi32, #tpu.memory_space<vmem>>
          %dma_start3A_311 = arith.constant 0 : i32
          %dma_start3A_312 = tpu.memref_slice %dma_start3A_310[%run_scoped3A_230, %dma_start3A_311] : memref<1x128xi32, #tpu.memory_space<vmem>> -> memref<1x128xi32, #tpu.memory_space<vmem>>
          %dma_start3A_313 = tpu.memref_squeeze %dma_start3A_312 : memref<1x128xi32, #tpu.memory_space<vmem>> -> memref<128xi32, #tpu.memory_space<vmem>>
          %dma_start3A_314 = arith.constant 0 : i32
          %dma_start3A_315 = arith.constant 0 : i32
          %dma_start3A_316 = tpu.memref_slice %arg2[%dma_start3A_314, %dma_start3A_315] : memref<10240x128xf32, #tpu.memory_space<hbm>> -> memref<10240x128xf32, #tpu.memory_space<hbm>>
          tpu.enqueue_indirect_dma source(%dma_start3A_316 : memref<10240x128xf32, #tpu.memory_space<hbm>>) target(%arg7 : memref<128x128xf32, #tpu.memory_space<vmem>>) offsets(%dma_start3A_313 : memref<128xi32, #tpu.memory_space<vmem>>) semaphore(%run_scoped3A_306 : memref<!tpu.dma_semaphore, #tpu.memory_space<semaphore_mem>>)
          %dma_wait3A = arith.constant 0 : i32
          %dma_wait3A_317 = arith.constant 0 : i32
          %dma_wait3A_318 = tpu.memref_slice %run_scoped3A_20[%rem3A_229, %dma_wait3A, %dma_wait3A_317] : memref<2x1x128xi32, #tpu.memory_space<vmem>> -> memref<1x1x128xi32, #tpu.memory_space<vmem>>
          %dma_wait3A_319 = tpu.memref_squeeze %dma_wait3A_318 : memref<1x1x128xi32, #tpu.memory_space<vmem>> -> memref<1x128xi32, #tpu.memory_space<vmem>>
          %dma_wait3A_320 = arith.constant 0 : i32
          %dma_wait3A_321 = tpu.memref_slice %dma_wait3A_319[%run_scoped3A_230, %dma_wait3A_320] : memref<1x128xi32, #tpu.memory_space<vmem>> -> memref<1x128xi32, #tpu.memory_space<vmem>>
          %dma_wait3A_322 = tpu.memref_squeeze %dma_wait3A_321 : memref<1x128xi32, #tpu.memory_space<vmem>> -> memref<128xi32, #tpu.memory_space<vmem>>
          %dma_wait3A_323 = arith.constant 0 : i32
          %dma_wait3A_324 = arith.constant 0 : i32
          %dma_wait3A_325 = tpu.memref_slice %arg2[%dma_wait3A_323, %dma_wait3A_324] : memref<10240x128xf32, #tpu.memory_space<hbm>> -> memref<10240x128xf32, #tpu.memory_space<hbm>>
          tpu.wait_indirect_dma semaphore(%run_scoped3A_306 : memref<!tpu.dma_semaphore, #tpu.memory_space<semaphore_mem>>) src(%dma_wait3A_325 : memref<10240x128xf32, #tpu.memory_space<hbm>>) dst(%arg7 : memref<128x128xf32, #tpu.memory_space<vmem>>)
          tpu.yield
        }) : () -> ()
        %run_scoped3A_231 = arith.constant 0 : i32
        "tpu.region"() ({
          %run_scoped3A_306 = tpu.sem_alloc : memref<!tpu.dma_semaphore, #tpu.memory_space<semaphore_mem>>
          %dma_start3A_307 = arith.constant 0 : i32
          %dma_start3A_308 = arith.constant 0 : i32
          %dma_start3A_309 = tpu.memref_slice %run_scoped3A[%rem3A_227, %dma_start3A_307, %dma_start3A_308] : memref<2x1x128xi32, #tpu.memory_space<vmem>> -> memref<1x1x128xi32, #tpu.memory_space<vmem>>
          %dma_start3A_310 = tpu.memref_squeeze %dma_start3A_309 : memref<1x1x128xi32, #tpu.memory_space<vmem>> -> memref<1x128xi32, #tpu.memory_space<vmem>>
          %dma_start3A_311 = arith.constant 0 : i32
          %dma_start3A_312 = tpu.memref_slice %dma_start3A_310[%run_scoped3A_231, %dma_start3A_311] : memref<1x128xi32, #tpu.memory_space<vmem>> -> memref<1x128xi32, #tpu.memory_space<vmem>>
          %dma_start3A_313 = tpu.memref_squeeze %dma_start3A_312 : memref<1x128xi32, #tpu.memory_space<vmem>> -> memref<128xi32, #tpu.memory_space<vmem>>
          %dma_start3A_314 = arith.constant 0 : i32
          %dma_start3A_315 = arith.constant 0 : i32
          %dma_start3A_316 = tpu.memref_slice %arg6[%dma_start3A_314, %dma_start3A_315] : memref<10240x128xf32, #tpu.memory_space<vmem_shared>> -> memref<10240x128xf32, #tpu.memory_space<vmem_shared>>
          tpu.enqueue_indirect_dma source(%arg7 : memref<128x128xf32, #tpu.memory_space<vmem>>) target(%dma_start3A_316 : memref<10240x128xf32, #tpu.memory_space<vmem_shared>>) offsets(%dma_start3A_313 : memref<128xi32, #tpu.memory_space<vmem>>) semaphore(%run_scoped3A_306 : memref<!tpu.dma_semaphore, #tpu.memory_space<semaphore_mem>>) {add = true}
          %dma_wait3A = arith.constant 0 : i32
          %dma_wait3A_317 = arith.constant 0 : i32
          %dma_wait3A_318 = tpu.memref_slice %run_scoped3A[%rem3A_227, %dma_wait3A, %dma_wait3A_317] : memref<2x1x128xi32, #tpu.memory_space<vmem>> -> memref<1x1x128xi32, #tpu.memory_space<vmem>>
          %dma_wait3A_319 = tpu.memref_squeeze %dma_wait3A_318 : memref<1x1x128xi32, #tpu.memory_space<vmem>> -> memref<1x128xi32, #tpu.memory_space<vmem>>
          %dma_wait3A_320 = arith.constant 0 : i32
          %dma_wait3A_321 = tpu.memref_slice %dma_wait3A_319[%run_scoped3A_231, %dma_wait3A_320] : memref<1x128xi32, #tpu.memory_space<vmem>> -> memref<1x128xi32, #tpu.memory_space<vmem>>
          %dma_wait3A_322 = tpu.memref_squeeze %dma_wait3A_321 : memref<1x128xi32, #tpu.memory_space<vmem>> -> memref<128xi32, #tpu.memory_space<vmem>>
          %dma_wait3A_323 = arith.constant 0 : i32
          %dma_wait3A_324 = arith.constant 0 : i32
          %dma_wait3A_325 = tpu.memref_slice %arg6[%dma_wait3A_323, %dma_wait3A_324] : memref<10240x128xf32, #tpu.memory_space<vmem_shared>> -> memref<10240x128xf32, #tpu.memory_space<vmem_shared>>
          tpu.wait_indirect_dma semaphore(%run_scoped3A_306 : memref<!tpu.dma_semaphore, #tpu.memory_space<semaphore_mem>>) src(%arg7 : memref<128x128xf32, #tpu.memory_space<vmem>>) dst(%dma_wait3A_325 : memref<10240x128xf32, #tpu.memory_space<vmem_shared>>)
          tpu.yield
        }) : () -> ()
        "tpu.trace_stop"() : () -> ()
        %ne3A_232 = arith.cmpi ne, %add3A_151, %add3A_169 : i32
        %or3A_233 = arith.constant false
        %or3A_234 = arith.ori %or3A_233, %ne3A_232 : i1
        %or3A_235 = arith.constant false
        %or3A_236 = arith.ori %or3A_234, %or3A_235 : i1
        %or3A_237 = arith.ori %or3A_236, %eq3A_150 : i1
        %convert_element_type3A_238 = arith.extui %or3A_237 : i1 to i32
        %cond3A_239 = arith.constant 0 : i32
        %cond3A_240 = arith.cmpi ne, %convert_element_type3A_238, %cond3A_239 : i32
        scf.if %cond3A_240 {
        } else {
        }
        %and3A_241 = arith.constant false
        %and3A_242 = arith.andi %or3A_237, %and3A_241 : i1
        %ne3A_243 = arith.cmpi ne, %add3A_151, %add3A_169 : i32
        %or3A_244 = arith.constant false
        %or3A_245 = arith.ori %or3A_244, %ne3A_243 : i1
        %or3A_246 = arith.constant false
        %or3A_247 = arith.ori %or3A_245, %or3A_246 : i1
        %or3A_248 = arith.ori %or3A_247, %eq3A_150 : i1
        %convert_element_type3A_249 = arith.extui %or3A_248 : i1 to i32
        %cond3A_250 = arith.constant 0 : i32
        %cond3A_251 = arith.cmpi ne, %convert_element_type3A_249, %cond3A_250 : i32
        scf.if %cond3A_251 {
        } else {
        }
        %and3A_252 = arith.constant false
        %and3A_253 = arith.andi %or3A_248, %and3A_252 : i1
        %ne3A_254 = arith.cmpi ne, %add3A_151, %add3A_160 : i32
        %or3A_255 = arith.constant false
        %or3A_256 = arith.ori %or3A_255, %ne3A_254 : i1
        %or3A_257 = arith.constant false
        %or3A_258 = arith.ori %or3A_256, %or3A_257 : i1
        %not3A_259 = arith.constant true
        %not3A_260 = arith.xori %eq3A_148, %not3A_259 : i1
        %and3A_261 = arith.andi %or3A_258, %not3A_260 : i1
        %convert_element_type3A_262 = arith.extui %and3A_261 : i1 to i32
        %cond3A_263 = arith.constant 0 : i32
        %cond3A_264 = arith.cmpi ne, %convert_element_type3A_262, %cond3A_263 : i32
        scf.if %cond3A_264 {
        } else {
        }
        %and3A_265 = arith.constant false
        %and3A_266 = arith.andi %and3A_261, %and3A_265 : i1
        %ne3A_267 = arith.cmpi ne, %add3A_151, %add3A_160 : i32
        %or3A_268 = arith.constant false
        %or3A_269 = arith.ori %or3A_268, %ne3A_267 : i1
        %or3A_270 = arith.constant false
        %or3A_271 = arith.ori %or3A_269, %or3A_270 : i1
        %not3A_272 = arith.constant true
        %not3A_273 = arith.xori %eq3A_148, %not3A_272 : i1
        %and3A_274 = arith.andi %or3A_271, %not3A_273 : i1
        %convert_element_type3A_275 = arith.extui %and3A_274 : i1 to i32
        %cond3A_276 = arith.constant 0 : i32
        %cond3A_277 = arith.cmpi ne, %convert_element_type3A_275, %cond3A_276 : i32
        scf.if %cond3A_277 {
        } else {
        }
        %and3A_278 = arith.constant false
        %and3A_279 = arith.andi %and3A_274, %and3A_278 : i1
        %ne3A_280 = arith.cmpi ne, %add3A_151, %add3A_169 : i32
        %or3A_281 = arith.constant false
        %or3A_282 = arith.ori %or3A_281, %ne3A_280 : i1
        %or3A_283 = arith.constant false
        %or3A_284 = arith.ori %or3A_282, %or3A_283 : i1
        %or3A_285 = arith.ori %or3A_284, %eq3A_150 : i1
        %add3A_286 = arith.constant 1 : i32
        %add3A_287 = arith.addi %scan3A_143, %add3A_286 : i32
        %select_n3A_288 = arith.select %or3A_285, %add3A_287, %scan3A_143 : i32
        %ne3A_289 = arith.cmpi ne, %add3A_151, %add3A_169 : i32
        %or3A_290 = arith.constant false
        %or3A_291 = arith.ori %or3A_290, %ne3A_289 : i1
        %or3A_292 = arith.constant false
        %or3A_293 = arith.ori %or3A_291, %or3A_292 : i1
        %or3A_294 = arith.ori %or3A_293, %eq3A_150 : i1
        %add3A_295 = arith.constant 1 : i32
        %add3A_296 = arith.addi %scan3A_145, %add3A_295 : i32
        %select_n3A_297 = arith.select %or3A_294, %add3A_296, %scan3A_145 : i32
        %add3A_298 = arith.constant 1 : i32
        %add3A_299 = arith.addi %scan3A_146, %add3A_298 : i32
        %select_n3A_300 = arith.constant true
        %select_n3A_301 = arith.select %select_n3A_300, %add3A_299, %scan3A_146 : i32
        %eq3A_302 = arith.constant 79 : i32
        %eq3A_303 = arith.cmpi eq, %select_n3A_301, %eq3A_302 : i32
        %select_n3A_304 = arith.constant 0 : i32
        %select_n3A_305 = arith.select %eq3A_303, %select_n3A_304, %select_n3A_301 : i32
        scf.yield %select_n3A_189, %select_n3A_288, %select_n3A_207, %select_n3A_297, %select_n3A_305 : i32, i32, i32, i32, i32
      }
      %scan3A_105 = arith.constant 79 : i32
      %sub3A = arith.constant 1 : i32
      %sub3A_106 = arith.subi %scan3A_104#4, %sub3A : i32
      %select_n3A_107 = arith.constant true
      %select_n3A_108 = arith.select %select_n3A_107, %sub3A_106, %scan3A_104#4 : i32
      %eq3A_109 = arith.constant -1 : i32
      %eq3A_110 = arith.cmpi eq, %select_n3A_108, %eq3A_109 : i32
      %select_n3A_111 = arith.constant 78 : i32
      %select_n3A_112 = arith.select %eq3A_110, %select_n3A_111, %select_n3A_108 : i32
      %add3A_113 = arith.addi %select_n3A_112, %mul3A_17 : i32
      %sub3A_114 = arith.constant 1 : i32
      %sub3A_115 = arith.subi %select_n3A_112, %sub3A_114 : i32
      %select_n3A_116 = arith.constant true
      %select_n3A_117 = arith.select %select_n3A_116, %sub3A_115, %select_n3A_112 : i32
      %eq3A_118 = arith.constant -1 : i32
      %eq3A_119 = arith.cmpi eq, %select_n3A_117, %eq3A_118 : i32
      %select_n3A_120 = arith.constant 78 : i32
      %select_n3A_121 = arith.select %eq3A_119, %select_n3A_120, %select_n3A_117 : i32
      %add3A_122 = arith.addi %select_n3A_121, %mul3A_17 : i32
      %add3A_123 = arith.constant 1 : i32
      %add3A_124 = arith.addi %select_n3A_112, %add3A_123 : i32
      %select_n3A_125 = arith.constant true
      %select_n3A_126 = arith.select %select_n3A_125, %add3A_124, %select_n3A_112 : i32
      %eq3A_127 = arith.constant 79 : i32
      %eq3A_128 = arith.cmpi eq, %select_n3A_126, %eq3A_127 : i32
      %select_n3A_129 = arith.constant 0 : i32
      %select_n3A_130 = arith.select %eq3A_128, %select_n3A_129, %select_n3A_126 : i32
      %add3A_131 = arith.addi %select_n3A_130, %mul3A_17 : i32
      %add3A_132 = arith.constant 1 : i32
      %add3A_133 = arith.addi %select_n3A_130, %add3A_132 : i32
      %select_n3A_134 = arith.constant true
      %select_n3A_135 = arith.select %select_n3A_134, %add3A_133, %select_n3A_130 : i32
      %eq3A_136 = arith.constant 79 : i32
      %eq3A_137 = arith.cmpi eq, %select_n3A_135, %eq3A_136 : i32
      %select_n3A_138 = arith.constant 0 : i32
      %select_n3A_139 = arith.select %eq3A_137, %select_n3A_138, %select_n3A_135 : i32
      %add3A_140 = arith.addi %select_n3A_139, %mul3A_17 : i32
      tpu.yield
    }) : () -> ()
    %barrier3A_18 = arith.constant 0 : index
    tpu.barrier barrier_id(%barrier3A_18)
    "tpu.region"() ({
      %run_scoped3A = tpu.sem_alloc : memref<!tpu.dma_semaphore, #tpu.memory_space<semaphore_mem>>
      %dma_start3A = arith.constant 0 : i32
      %dma_start3A_19 = arith.constant 0 : i32
      %dma_start3A_20 = tpu.memref_slice %arg5[%arg0, %dma_start3A, %dma_start3A_19] : memref<2x10240x128xf32, #tpu.memory_space<hbm>> -> memref<1x10240x128xf32, #tpu.memory_space<hbm>>
      %dma_start3A_21 = tpu.memref_squeeze %dma_start3A_20 : memref<1x10240x128xf32, #tpu.memory_space<hbm>> -> memref<10240x128xf32, #tpu.memory_space<hbm>>
      %dma_start3A_22 = arith.constant 0 : i32
      %dma_start3A_23 = tpu.memref_slice %dma_start3A_21[%mul3A_0, %dma_start3A_22] : memref<10240x128xf32, #tpu.memory_space<hbm>> -> memref<640x128xf32, #tpu.memory_space<hbm>>
      %dma_start3A_24 = arith.constant 0 : i32
      %dma_start3A_25 = tpu.memref_slice %arg6[%mul3A_0, %dma_start3A_24] : memref<10240x128xf32, #tpu.memory_space<vmem_shared>> -> memref<640x128xf32, #tpu.memory_space<vmem_shared>>
      tpu.enqueue_dma source(%dma_start3A_25 : memref<640x128xf32, #tpu.memory_space<vmem_shared>>) target(%dma_start3A_23 : memref<640x128xf32, #tpu.memory_space<hbm>>) target_semaphore(%run_scoped3A : memref<!tpu.dma_semaphore, #tpu.memory_space<semaphore_mem>>)
      %dma_wait3A = arith.constant 0 : i32
      %dma_wait3A_26 = arith.constant 0 : i32
      %dma_wait3A_27 = tpu.memref_slice %arg5[%arg0, %dma_wait3A, %dma_wait3A_26] : memref<2x10240x128xf32, #tpu.memory_space<hbm>> -> memref<1x10240x128xf32, #tpu.memory_space<hbm>>
      %dma_wait3A_28 = tpu.memref_squeeze %dma_wait3A_27 : memref<1x10240x128xf32, #tpu.memory_space<hbm>> -> memref<10240x128xf32, #tpu.memory_space<hbm>>
      %dma_wait3A_29 = arith.constant 0 : i32
      %dma_wait3A_30 = tpu.memref_slice %dma_wait3A_28[%mul3A_0, %dma_wait3A_29] : memref<10240x128xf32, #tpu.memory_space<hbm>> -> memref<640x128xf32, #tpu.memory_space<hbm>>
      %dma_wait3A_31 = arith.constant 0 : i32
      %dma_wait3A_32 = tpu.memref_slice %arg6[%mul3A_0, %dma_wait3A_31] : memref<10240x128xf32, #tpu.memory_space<vmem_shared>> -> memref<640x128xf32, #tpu.memory_space<vmem_shared>>
      tpu.wait_dma2 semaphore(%run_scoped3A : memref<!tpu.dma_semaphore, #tpu.memory_space<semaphore_mem>>) src(%dma_wait3A_32 : memref<640x128xf32, #tpu.memory_space<vmem_shared>>) dst(%dma_wait3A_30 : memref<640x128xf32, #tpu.memory_space<hbm>>)
      tpu.yield
    }) : () -> ()
    return
  }
}

#map = affine_map<(d0, d1) -> (0, 0, 0)>
#map1 = affine_map<(d0, d1) -> (0, 0)>
module attributes {stable_mosaic.version = 14 : i64} {
  func.func @_spmm_body(%arg0: i32, %arg1: i32, %arg2: memref<2x10240x128xf32, #tpu.memory_space<hbm>>, %arg3: memref<2528x128xi32, #tpu.memory_space<hbm>>, %arg4: memref<2528x128xi32, #tpu.memory_space<hbm>>, %arg5: memref<2x10240x128xf32, #tpu.memory_space<hbm>>, %arg6: memref<10240x128xf32, #tpu.memory_space<vmem_shared>>, %arg7: memref<128x128xf32, #tpu.memory_space<vmem>>, %arg8: memref<64x128xf32, #tpu.memory_space<vmem>>) attributes {dimension_semantics = [#tpu.dimension_semantics<core_parallel>, #tpu.dimension_semantics<subcore_parallel>], iteration_bounds = array<i64: 2, 16>, scalar_prefetch = 0 : i64, scratch_operands = 3 : i64, tpu.core_type = #tpu.core_type<sc_vector_subcore>, window_params = [{transform_indices = #map}, {transform_indices = #map1}, {transform_indices = #map1}, {transform_indices = #map}]} {
    %mul3A = arith.constant 640 : i32
    %mul3A_0 = arith.muli %arg1, %mul3A : i32
    %scan3A = arith.constant 0 : i32
    %scan3A_1 = arith.constant 64 : i32
    %scan3A_2 = arith.addi %scan3A, %scan3A_1 : i32
    %scan3A_3 = arith.constant 1 : i32
    scf.for %scan3A_13 = %scan3A to %scan3A_2 step %scan3A_3  : i32 {
      %mul3A_14 = arith.constant 1 : i32
      %mul3A_15 = arith.muli %scan3A_13, %mul3A_14 : i32
      %add3A = arith.constant 0 : i32
      %add3A_16 = arith.addi %add3A, %mul3A_15 : i32
      %scan3A_17 = arith.constant 0 : i32
      %scan3A_18 = arith.constant 8 : i32
      %scan3A_19 = arith.addi %scan3A_17, %scan3A_18 : i32
      %scan3A_20 = arith.constant 1 : i32
      scf.for %scan3A_22 = %scan3A_17 to %scan3A_19 step %scan3A_20  : i32 {
        %mul3A_23 = arith.constant 16 : i32
        %mul3A_24 = arith.muli %scan3A_22, %mul3A_23 : i32
        %add3A_25 = arith.constant 0 : i32
        %add3A_26 = arith.addi %add3A_25, %mul3A_24 : i32
        %broadcast_in_dim3A = arith.constant 0.000000e+00 : f32
        %broadcast_in_dim3A_27 = vector.broadcast %broadcast_in_dim3A : f32 to vector<16xf32>
        %swap3A = arith.index_cast %add3A_16 : i32 to index
        %swap3A_28 = arith.index_cast %add3A_26 : i32 to index
        %swap3A_29 = tpu.vector_load %arg8[%swap3A, %swap3A_28] {strides = array<i32>} : memref<64x128xf32, #tpu.memory_space<vmem>>, vector<1x16xf32>,
        %swap3A_30 = vector.shape_cast %swap3A_29 : vector<1x16xf32> to vector<16xf32>
        %swap3A_31 = vector.shape_cast %broadcast_in_dim3A_27 : vector<16xf32> to vector<1x16xf32>
        tpu.vector_store %arg8[%swap3A, %swap3A_28], %swap3A_31 {strides = array<i32>} : memref<64x128xf32, #tpu.memory_space<vmem>>, vector<1x16xf32>,
      }
      %scan3A_21 = arith.constant 8 : i32
    }
    %scan3A_4 = arith.constant 64 : i32
    %scan3A_5 = arith.constant 0 : i32
    %scan3A_6 = arith.constant 10 : i32
    %scan3A_7 = arith.addi %scan3A_5, %scan3A_6 : i32
    %scan3A_8 = arith.constant 1 : i32
    scf.for %scan3A_13 = %scan3A_5 to %scan3A_7 step %scan3A_8  : i32 {
      %mul3A_14 = arith.constant 64 : i32
      %mul3A_15 = arith.muli %scan3A_13, %mul3A_14 : i32
      %add3A = arith.constant 0 : i32
      %add3A_16 = arith.addi %add3A, %mul3A_15 : i32
      %add3A_17 = arith.addi %mul3A_0, %add3A_16 : i32
      "tpu.region"() ({
        %run_scoped3A = tpu.sem_alloc : memref<!tpu.dma_semaphore, #tpu.memory_space<semaphore_mem>>
        %dma_start3A = arith.constant 0 : i32
        %dma_start3A_18 = tpu.memref_slice %arg6[%add3A_17, %dma_start3A] : memref<10240x128xf32, #tpu.memory_space<vmem_shared>> -> memref<64x128xf32, #tpu.memory_space<vmem_shared>>
        %dma_start3A_19 = arith.constant 0 : i32
        %dma_start3A_20 = tpu.memref_slice %arg6[%add3A_17, %dma_start3A_19] : memref<10240x128xf32, #tpu.memory_space<vmem_shared>> -> memref<64x128xf32, #tpu.memory_space<vmem_shared>>
        tpu.enqueue_dma source(%arg8 : memref<64x128xf32, #tpu.memory_space<vmem>>) target(%dma_start3A_20 : memref<64x128xf32, #tpu.memory_space<vmem_shared>>) target_semaphore(%run_scoped3A : memref<!tpu.dma_semaphore, #tpu.memory_space<semaphore_mem>>)
        %dma_wait3A = arith.constant 0 : i32
        %dma_wait3A_21 = tpu.memref_slice %arg6[%add3A_17, %dma_wait3A] : memref<10240x128xf32, #tpu.memory_space<vmem_shared>> -> memref<64x128xf32, #tpu.memory_space<vmem_shared>>
        %dma_wait3A_22 = arith.constant 0 : i32
        %dma_wait3A_23 = tpu.memref_slice %arg6[%add3A_17, %dma_wait3A_22] : memref<10240x128xf32, #tpu.memory_space<vmem_shared>> -> memref<64x128xf32, #tpu.memory_space<vmem_shared>>
        tpu.wait_dma2 semaphore(%run_scoped3A : memref<!tpu.dma_semaphore, #tpu.memory_space<semaphore_mem>>) src(%arg8 : memref<64x128xf32, #tpu.memory_space<vmem>>) dst(%dma_wait3A_23 : memref<64x128xf32, #tpu.memory_space<vmem_shared>>)
        tpu.yield
      }) : () -> ()
    }
    %scan3A_9 = arith.constant 10 : i32
    %barrier3A = arith.constant 0 : index
    tpu.barrier barrier_id(%barrier3A)
    %mul3A_10 = arith.constant 79 : i32
    %mul3A_11 = arith.muli %arg1, %mul3A_10 : i32
    "tpu.region"() ({
      %run_scoped3A = memref.alloca() : memref<2x2x128xi32, #tpu.memory_space<vmem>>
      %run_scoped3A_13 = tpu.sem_alloc : memref<2x!tpu.dma_semaphore, #tpu.memory_space<semaphore_mem>>
      %run_scoped3A_14 = memref.alloca() : memref<2x2x128xi32, #tpu.memory_space<vmem>>
      %run_scoped3A_15 = tpu.sem_alloc : memref<2x!tpu.dma_semaphore, #tpu.memory_space<semaphore_mem>>
      %add3A = arith.constant 0 : i32
      %add3A_16 = arith.addi %add3A, %mul3A_11 : i32
      %select_n3A = arith.constant true
      %select_n3A_17 = arith.constant 0 : i32
      %select_n3A_18 = arith.constant -1 : i32
      %select_n3A_19 = arith.select %select_n3A, %select_n3A_18, %select_n3A_17 : i32
      %eq3A = arith.constant -1 : i32
      %eq3A_20 = arith.cmpi eq, %select_n3A_19, %eq3A : i32
      %select_n3A_21 = arith.constant 78 : i32
      %select_n3A_22 = arith.select %eq3A_20, %select_n3A_21, %select_n3A_19 : i32
      %add3A_23 = arith.addi %select_n3A_22, %mul3A_11 : i32
      %select_n3A_24 = arith.constant true
      %select_n3A_25 = arith.constant 0 : i32
      %select_n3A_26 = arith.constant 1 : i32
      %select_n3A_27 = arith.select %select_n3A_24, %select_n3A_26, %select_n3A_25 : i32
      %eq3A_28 = arith.constant 79 : i32
      %eq3A_29 = arith.cmpi eq, %select_n3A_27, %eq3A_28 : i32
      %select_n3A_30 = arith.constant 0 : i32
      %select_n3A_31 = arith.select %eq3A_29, %select_n3A_30, %select_n3A_27 : i32
      %add3A_32 = arith.addi %select_n3A_31, %mul3A_11 : i32
      %add3A_33 = arith.constant 1 : i32
      %add3A_34 = arith.addi %select_n3A_31, %add3A_33 : i32
      %select_n3A_35 = arith.constant true
      %select_n3A_36 = arith.select %select_n3A_35, %add3A_34, %select_n3A_31 : i32
      %eq3A_37 = arith.constant 79 : i32
      %eq3A_38 = arith.cmpi eq, %select_n3A_36, %eq3A_37 : i32
      %select_n3A_39 = arith.constant 0 : i32
      %select_n3A_40 = arith.select %eq3A_38, %select_n3A_39, %select_n3A_36 : i32
      %add3A_41 = arith.addi %select_n3A_40, %mul3A_11 : i32
      "tpu.trace_start"() <{level = 10 : i32, message = "ep_initialize_0"}> : () -> ()
      %rem3A = arith.constant 0 : i32
      %rem3A_42 = arith.constant 2 : i32
      %rem3A_43 = arith.remui %rem3A, %rem3A_42 : i32
      %mul3A_44 = arith.constant 2 : i32
      %mul3A_45 = arith.muli %mul3A_44, %add3A_16 : i32
      %dma_start3A = arith.constant 0 : i32
      %dma_start3A_46 = arith.constant 0 : i32
      %dma_start3A_47 = tpu.memref_slice %run_scoped3A[%rem3A_43, %dma_start3A, %dma_start3A_46] : memref<2x2x128xi32, #tpu.memory_space<vmem>> -> memref<1x2x128xi32, #tpu.memory_space<vmem>>
      %dma_start3A_48 = tpu.memref_squeeze %dma_start3A_47 : memref<1x2x128xi32, #tpu.memory_space<vmem>> -> memref<2x128xi32, #tpu.memory_space<vmem>>
      %dma_start3A_49 = arith.constant 0 : i32
      %dma_start3A_50 = tpu.memref_slice %arg3[%mul3A_45, %dma_start3A_49] : memref<2528x128xi32, #tpu.memory_space<hbm>> -> memref<2x128xi32, #tpu.memory_space<hbm>>
      %dma_start3A_51 = tpu.memref_slice %run_scoped3A_13[%rem3A_43] : memref<2x!tpu.dma_semaphore, #tpu.memory_space<semaphore_mem>> -> memref<1x!tpu.dma_semaphore, #tpu.memory_space<semaphore_mem>>
      %dma_start3A_52 = tpu.memref_squeeze %dma_start3A_51 : memref<1x!tpu.dma_semaphore, #tpu.memory_space<semaphore_mem>> -> memref<!tpu.dma_semaphore, #tpu.memory_space<semaphore_mem>>
      %dma_start3A_53 = arith.constant 0 : i32
      %dma_start3A_54 = arith.constant 0 : i32
      %dma_start3A_55 = tpu.memref_slice %run_scoped3A[%rem3A_43, %dma_start3A_53, %dma_start3A_54] : memref<2x2x128xi32, #tpu.memory_space<vmem>> -> memref<1x2x128xi32, #tpu.memory_space<vmem>>
      %dma_start3A_56 = tpu.memref_squeeze %dma_start3A_55 : memref<1x2x128xi32, #tpu.memory_space<vmem>> -> memref<2x128xi32, #tpu.memory_space<vmem>>
      %dma_start3A_57 = arith.constant 0 : i32
      %dma_start3A_58 = tpu.memref_slice %arg3[%mul3A_45, %dma_start3A_57] : memref<2528x128xi32, #tpu.memory_space<hbm>> -> memref<2x128xi32, #tpu.memory_space<hbm>>
      tpu.enqueue_dma source(%dma_start3A_58 : memref<2x128xi32, #tpu.memory_space<hbm>>) target(%dma_start3A_56 : memref<2x128xi32, #tpu.memory_space<vmem>>) target_semaphore(%dma_start3A_52 : memref<!tpu.dma_semaphore, #tpu.memory_space<semaphore_mem>>)
      %add3A_59 = arith.constant 0 : i32
      %add3A_60 = arith.constant 1 : i32
      %add3A_61 = arith.addi %add3A_59, %add3A_60 : i32
      %select_n3A_62 = arith.constant true
      %select_n3A_63 = arith.constant 0 : i32
      %select_n3A_64 = arith.select %select_n3A_62, %add3A_61, %select_n3A_63 : i32
      %rem3A_65 = arith.constant 0 : i32
      %rem3A_66 = arith.constant 2 : i32
      %rem3A_67 = arith.remui %rem3A_65, %rem3A_66 : i32
      %mul3A_68 = arith.constant 2 : i32
      %mul3A_69 = arith.muli %mul3A_68, %add3A_16 : i32
      %dma_start3A_70 = arith.constant 0 : i32
      %dma_start3A_71 = arith.constant 0 : i32
      %dma_start3A_72 = tpu.memref_slice %run_scoped3A_14[%rem3A_67, %dma_start3A_70, %dma_start3A_71] : memref<2x2x128xi32, #tpu.memory_space<vmem>> -> memref<1x2x128xi32, #tpu.memory_space<vmem>>
      %dma_start3A_73 = tpu.memref_squeeze %dma_start3A_72 : memref<1x2x128xi32, #tpu.memory_space<vmem>> -> memref<2x128xi32, #tpu.memory_space<vmem>>
      %dma_start3A_74 = arith.constant 0 : i32
      %dma_start3A_75 = tpu.memref_slice %arg4[%mul3A_69, %dma_start3A_74] : memref<2528x128xi32, #tpu.memory_space<hbm>> -> memref<2x128xi32, #tpu.memory_space<hbm>>
      %dma_start3A_76 = tpu.memref_slice %run_scoped3A_15[%rem3A_67] : memref<2x!tpu.dma_semaphore, #tpu.memory_space<semaphore_mem>> -> memref<1x!tpu.dma_semaphore, #tpu.memory_space<semaphore_mem>>
      %dma_start3A_77 = tpu.memref_squeeze %dma_start3A_76 : memref<1x!tpu.dma_semaphore, #tpu.memory_space<semaphore_mem>> -> memref<!tpu.dma_semaphore, #tpu.memory_space<semaphore_mem>>
      %dma_start3A_78 = arith.constant 0 : i32
      %dma_start3A_79 = arith.constant 0 : i32
      %dma_start3A_80 = tpu.memref_slice %run_scoped3A_14[%rem3A_67, %dma_start3A_78, %dma_start3A_79] : memref<2x2x128xi32, #tpu.memory_space<vmem>> -> memref<1x2x128xi32, #tpu.memory_space<vmem>>
      %dma_start3A_81 = tpu.memref_squeeze %dma_start3A_80 : memref<1x2x128xi32, #tpu.memory_space<vmem>> -> memref<2x128xi32, #tpu.memory_space<vmem>>
      %dma_start3A_82 = arith.constant 0 : i32
      %dma_start3A_83 = tpu.memref_slice %arg4[%mul3A_69, %dma_start3A_82] : memref<2528x128xi32, #tpu.memory_space<hbm>> -> memref<2x128xi32, #tpu.memory_space<hbm>>
      tpu.enqueue_dma source(%dma_start3A_83 : memref<2x128xi32, #tpu.memory_space<hbm>>) target(%dma_start3A_81 : memref<2x128xi32, #tpu.memory_space<vmem>>) target_semaphore(%dma_start3A_77 : memref<!tpu.dma_semaphore, #tpu.memory_space<semaphore_mem>>)
      %add3A_84 = arith.constant 0 : i32
      %add3A_85 = arith.constant 1 : i32
      %add3A_86 = arith.addi %add3A_84, %add3A_85 : i32
      %select_n3A_87 = arith.constant true
      %select_n3A_88 = arith.constant 0 : i32
      %select_n3A_89 = arith.select %select_n3A_87, %add3A_86, %select_n3A_88 : i32
      "tpu.trace_stop"() : () -> ()
      %scan3A_90 = arith.constant 0 : i32
      %scan3A_91 = arith.constant 0 : i32
      %scan3A_92 = arith.constant 0 : i32
      %scan3A_93 = arith.constant 0 : i32
      %scan3A_94 = arith.constant 79 : i32
      %scan3A_95 = arith.addi %scan3A_93, %scan3A_94 : i32
      %scan3A_96 = arith.constant 1 : i32
      %scan3A_97:5 = scf.for %scan3A_134 = %scan3A_93 to %scan3A_95 step %scan3A_96 iter_args(%scan3A_135 = %select_n3A_64, %scan3A_136 = %scan3A_90, %scan3A_137 = %select_n3A_89, %scan3A_138 = %scan3A_91, %scan3A_139 = %scan3A_92) -> (i32, i32, i32, i32, i32)  : i32 {
        %eq3A_140 = arith.constant 0 : i32
        %eq3A_141 = arith.cmpi eq, %scan3A_134, %eq3A_140 : i32
        %eq3A_142 = arith.constant 78 : i32
        %eq3A_143 = arith.cmpi eq, %scan3A_134, %eq3A_142 : i32
        %add3A_144 = arith.addi %scan3A_139, %mul3A_11 : i32
        %sub3A_145 = arith.constant 1 : i32
        %sub3A_146 = arith.subi %scan3A_139, %sub3A_145 : i32
        %select_n3A_147 = arith.constant true
        %select_n3A_148 = arith.select %select_n3A_147, %sub3A_146, %scan3A_139 : i32
        %eq3A_149 = arith.constant -1 : i32
        %eq3A_150 = arith.cmpi eq, %select_n3A_148, %eq3A_149 : i32
        %select_n3A_151 = arith.constant 78 : i32
        %select_n3A_152 = arith.select %eq3A_150, %select_n3A_151, %select_n3A_148 : i32
        %add3A_153 = arith.addi %select_n3A_152, %mul3A_11 : i32
        %add3A_154 = arith.constant 1 : i32
        %add3A_155 = arith.addi %scan3A_139, %add3A_154 : i32
        %select_n3A_156 = arith.constant true
        %select_n3A_157 = arith.select %select_n3A_156, %add3A_155, %scan3A_139 : i32
        %eq3A_158 = arith.constant 79 : i32
        %eq3A_159 = arith.cmpi eq, %select_n3A_157, %eq3A_158 : i32
        %select_n3A_160 = arith.constant 0 : i32
        %select_n3A_161 = arith.select %eq3A_159, %select_n3A_160, %select_n3A_157 : i32
        %add3A_162 = arith.addi %select_n3A_161, %mul3A_11 : i32
        %add3A_163 = arith.constant 1 : i32
        %add3A_164 = arith.addi %select_n3A_161, %add3A_163 : i32
        %select_n3A_165 = arith.constant true
        %select_n3A_166 = arith.select %select_n3A_165, %add3A_164, %select_n3A_161 : i32
        %eq3A_167 = arith.constant 79 : i32
        %eq3A_168 = arith.cmpi eq, %select_n3A_166, %eq3A_167 : i32
        %select_n3A_169 = arith.constant 0 : i32
        %select_n3A_170 = arith.select %eq3A_168, %select_n3A_169, %select_n3A_166 : i32
        %add3A_171 = arith.addi %select_n3A_170, %mul3A_11 : i32
        %ne3A = arith.cmpi ne, %add3A_144, %add3A_162 : i32
        %or3A = arith.constant false
        %or3A_172 = arith.ori %or3A, %ne3A : i1
        %or3A_173 = arith.constant false
        %or3A_174 = arith.ori %or3A_172, %or3A_173 : i1
        %ge3A = arith.constant 78 : i32
        %ge3A_175 = arith.cmpi sge, %scan3A_134, %ge3A : i32
        %not3A = arith.constant true
        %not3A_176 = arith.xori %ge3A_175, %not3A : i1
        %and3A = arith.andi %or3A_174, %not3A_176 : i1
        %convert_element_type3A = arith.extui %and3A : i1 to i32
        %cond3A = arith.constant 0 : i32
        %cond3A_177 = arith.cmpi ne, %convert_element_type3A, %cond3A : i32
        scf.if %cond3A_177 {
          "tpu.trace_start"() <{level = 10 : i32, message = "ep_copy_in"}> : () -> ()
          %rem3A_301 = arith.constant 2 : i32
          %rem3A_302 = arith.remui %scan3A_135, %rem3A_301 : i32
          %mul3A_303 = arith.constant 2 : i32
          %mul3A_304 = arith.muli %mul3A_303, %add3A_162 : i32
          %dma_start3A_305 = arith.constant 0 : i32
          %dma_start3A_306 = arith.constant 0 : i32
          %dma_start3A_307 = tpu.memref_slice %run_scoped3A[%rem3A_302, %dma_start3A_305, %dma_start3A_306] : memref<2x2x128xi32, #tpu.memory_space<vmem>> -> memref<1x2x128xi32, #tpu.memory_space<vmem>>
          %dma_start3A_308 = tpu.memref_squeeze %dma_start3A_307 : memref<1x2x128xi32, #tpu.memory_space<vmem>> -> memref<2x128xi32, #tpu.memory_space<vmem>>
          %dma_start3A_309 = arith.constant 0 : i32
          %dma_start3A_310 = tpu.memref_slice %arg3[%mul3A_304, %dma_start3A_309] : memref<2528x128xi32, #tpu.memory_space<hbm>> -> memref<2x128xi32, #tpu.memory_space<hbm>>
          %dma_start3A_311 = tpu.memref_slice %run_scoped3A_13[%rem3A_302] : memref<2x!tpu.dma_semaphore, #tpu.memory_space<semaphore_mem>> -> memref<1x!tpu.dma_semaphore, #tpu.memory_space<semaphore_mem>>
          %dma_start3A_312 = tpu.memref_squeeze %dma_start3A_311 : memref<1x!tpu.dma_semaphore, #tpu.memory_space<semaphore_mem>> -> memref<!tpu.dma_semaphore, #tpu.memory_space<semaphore_mem>>
          %dma_start3A_313 = arith.constant 0 : i32
          %dma_start3A_314 = arith.constant 0 : i32
          %dma_start3A_315 = tpu.memref_slice %run_scoped3A[%rem3A_302, %dma_start3A_313, %dma_start3A_314] : memref<2x2x128xi32, #tpu.memory_space<vmem>> -> memref<1x2x128xi32, #tpu.memory_space<vmem>>
          %dma_start3A_316 = tpu.memref_squeeze %dma_start3A_315 : memref<1x2x128xi32, #tpu.memory_space<vmem>> -> memref<2x128xi32, #tpu.memory_space<vmem>>
          %dma_start3A_317 = arith.constant 0 : i32
          %dma_start3A_318 = tpu.memref_slice %arg3[%mul3A_304, %dma_start3A_317] : memref<2528x128xi32, #tpu.memory_space<hbm>> -> memref<2x128xi32, #tpu.memory_space<hbm>>
          tpu.enqueue_dma source(%dma_start3A_318 : memref<2x128xi32, #tpu.memory_space<hbm>>) target(%dma_start3A_316 : memref<2x128xi32, #tpu.memory_space<vmem>>) target_semaphore(%dma_start3A_312 : memref<!tpu.dma_semaphore, #tpu.memory_space<semaphore_mem>>)
          "tpu.trace_stop"() : () -> ()
        } else {
        }
        %and3A_178 = arith.constant true
        %and3A_179 = arith.andi %and3A, %and3A_178 : i1
        %add3A_180 = arith.constant 1 : i32
        %add3A_181 = arith.addi %scan3A_135, %add3A_180 : i32
        %select_n3A_182 = arith.select %and3A_179, %add3A_181, %scan3A_135 : i32
        %ne3A_183 = arith.cmpi ne, %add3A_144, %add3A_162 : i32
        %or3A_184 = arith.constant false
        %or3A_185 = arith.ori %or3A_184, %ne3A_183 : i1
        %or3A_186 = arith.constant false
        %or3A_187 = arith.ori %or3A_185, %or3A_186 : i1
        %ge3A_188 = arith.constant 78 : i32
        %ge3A_189 = arith.cmpi sge, %scan3A_134, %ge3A_188 : i32
        %not3A_190 = arith.constant true
        %not3A_191 = arith.xori %ge3A_189, %not3A_190 : i1
        %and3A_192 = arith.andi %or3A_187, %not3A_191 : i1
        %convert_element_type3A_193 = arith.extui %and3A_192 : i1 to i32
        %cond3A_194 = arith.constant 0 : i32
        %cond3A_195 = arith.cmpi ne, %convert_element_type3A_193, %cond3A_194 : i32
        scf.if %cond3A_195 {
          "tpu.trace_start"() <{level = 10 : i32, message = "ep_copy_in"}> : () -> ()
          %rem3A_301 = arith.constant 2 : i32
          %rem3A_302 = arith.remui %scan3A_137, %rem3A_301 : i32
          %mul3A_303 = arith.constant 2 : i32
          %mul3A_304 = arith.muli %mul3A_303, %add3A_162 : i32
          %dma_start3A_305 = arith.constant 0 : i32
          %dma_start3A_306 = arith.constant 0 : i32
          %dma_start3A_307 = tpu.memref_slice %run_scoped3A_14[%rem3A_302, %dma_start3A_305, %dma_start3A_306] : memref<2x2x128xi32, #tpu.memory_space<vmem>> -> memref<1x2x128xi32, #tpu.memory_space<vmem>>
          %dma_start3A_308 = tpu.memref_squeeze %dma_start3A_307 : memref<1x2x128xi32, #tpu.memory_space<vmem>> -> memref<2x128xi32, #tpu.memory_space<vmem>>
          %dma_start3A_309 = arith.constant 0 : i32
          %dma_start3A_310 = tpu.memref_slice %arg4[%mul3A_304, %dma_start3A_309] : memref<2528x128xi32, #tpu.memory_space<hbm>> -> memref<2x128xi32, #tpu.memory_space<hbm>>
          %dma_start3A_311 = tpu.memref_slice %run_scoped3A_15[%rem3A_302] : memref<2x!tpu.dma_semaphore, #tpu.memory_space<semaphore_mem>> -> memref<1x!tpu.dma_semaphore, #tpu.memory_space<semaphore_mem>>
          %dma_start3A_312 = tpu.memref_squeeze %dma_start3A_311 : memref<1x!tpu.dma_semaphore, #tpu.memory_space<semaphore_mem>> -> memref<!tpu.dma_semaphore, #tpu.memory_space<semaphore_mem>>
          %dma_start3A_313 = arith.constant 0 : i32
          %dma_start3A_314 = arith.constant 0 : i32
          %dma_start3A_315 = tpu.memref_slice %run_scoped3A_14[%rem3A_302, %dma_start3A_313, %dma_start3A_314] : memref<2x2x128xi32, #tpu.memory_space<vmem>> -> memref<1x2x128xi32, #tpu.memory_space<vmem>>
          %dma_start3A_316 = tpu.memref_squeeze %dma_start3A_315 : memref<1x2x128xi32, #tpu.memory_space<vmem>> -> memref<2x128xi32, #tpu.memory_space<vmem>>
          %dma_start3A_317 = arith.constant 0 : i32
          %dma_start3A_318 = tpu.memref_slice %arg4[%mul3A_304, %dma_start3A_317] : memref<2528x128xi32, #tpu.memory_space<hbm>> -> memref<2x128xi32, #tpu.memory_space<hbm>>
          tpu.enqueue_dma source(%dma_start3A_318 : memref<2x128xi32, #tpu.memory_space<hbm>>) target(%dma_start3A_316 : memref<2x128xi32, #tpu.memory_space<vmem>>) target_semaphore(%dma_start3A_312 : memref<!tpu.dma_semaphore, #tpu.memory_space<semaphore_mem>>)
          "tpu.trace_stop"() : () -> ()
        } else {
        }
        %and3A_196 = arith.constant true
        %and3A_197 = arith.andi %and3A_192, %and3A_196 : i1
        %add3A_198 = arith.constant 1 : i32
        %add3A_199 = arith.addi %scan3A_137, %add3A_198 : i32
        %select_n3A_200 = arith.select %and3A_197, %add3A_199, %scan3A_137 : i32
        %ne3A_201 = arith.cmpi ne, %add3A_144, %add3A_153 : i32
        %or3A_202 = arith.constant false
        %or3A_203 = arith.ori %or3A_202, %ne3A_201 : i1
        %or3A_204 = arith.constant false
        %or3A_205 = arith.ori %or3A_203, %or3A_204 : i1
        %or3A_206 = arith.ori %or3A_205, %eq3A_141 : i1
        %convert_element_type3A_207 = arith.extui %or3A_206 : i1 to i32
        %cond3A_208 = arith.constant 0 : i32
        %cond3A_209 = arith.cmpi ne, %convert_element_type3A_207, %cond3A_208 : i32
        scf.if %cond3A_209 {
          "tpu.trace_start"() <{level = 10 : i32, message = "ep_wait_in"}> : () -> ()
          %mul3A_301 = arith.constant 2 : i32
          %mul3A_302 = arith.muli %mul3A_301, %add3A_144 : i32
          %rem3A_303 = arith.constant 2 : i32
          %rem3A_304 = arith.remui %scan3A_136, %rem3A_303 : i32
          %dma_wait3A = arith.constant 0 : i32
          %dma_wait3A_305 = arith.constant 0 : i32
          %dma_wait3A_306 = tpu.memref_slice %run_scoped3A[%rem3A_304, %dma_wait3A, %dma_wait3A_305] : memref<2x2x128xi32, #tpu.memory_space<vmem>> -> memref<1x2x128xi32, #tpu.memory_space<vmem>>
          %dma_wait3A_307 = tpu.memref_squeeze %dma_wait3A_306 : memref<1x2x128xi32, #tpu.memory_space<vmem>> -> memref<2x128xi32, #tpu.memory_space<vmem>>
          %dma_wait3A_308 = arith.constant 0 : i32
          %dma_wait3A_309 = tpu.memref_slice %arg3[%mul3A_302, %dma_wait3A_308] : memref<2528x128xi32, #tpu.memory_space<hbm>> -> memref<2x128xi32, #tpu.memory_space<hbm>>
          %dma_wait3A_310 = tpu.memref_slice %run_scoped3A_13[%rem3A_304] : memref<2x!tpu.dma_semaphore, #tpu.memory_space<semaphore_mem>> -> memref<1x!tpu.dma_semaphore, #tpu.memory_space<semaphore_mem>>
          %dma_wait3A_311 = tpu.memref_squeeze %dma_wait3A_310 : memref<1x!tpu.dma_semaphore, #tpu.memory_space<semaphore_mem>> -> memref<!tpu.dma_semaphore, #tpu.memory_space<semaphore_mem>>
          %dma_wait3A_312 = arith.constant 0 : i32
          %dma_wait3A_313 = arith.constant 0 : i32
          %dma_wait3A_314 = tpu.memref_slice %run_scoped3A[%rem3A_304, %dma_wait3A_312, %dma_wait3A_313] : memref<2x2x128xi32, #tpu.memory_space<vmem>> -> memref<1x2x128xi32, #tpu.memory_space<vmem>>
          %dma_wait3A_315 = tpu.memref_squeeze %dma_wait3A_314 : memref<1x2x128xi32, #tpu.memory_space<vmem>> -> memref<2x128xi32, #tpu.memory_space<vmem>>
          %dma_wait3A_316 = arith.constant 0 : i32
          %dma_wait3A_317 = tpu.memref_slice %arg3[%mul3A_302, %dma_wait3A_316] : memref<2528x128xi32, #tpu.memory_space<hbm>> -> memref<2x128xi32, #tpu.memory_space<hbm>>
          tpu.wait_dma2 semaphore(%dma_wait3A_311 : memref<!tpu.dma_semaphore, #tpu.memory_space<semaphore_mem>>) src(%dma_wait3A_317 : memref<2x128xi32, #tpu.memory_space<hbm>>) dst(%dma_wait3A_315 : memref<2x128xi32, #tpu.memory_space<vmem>>)
          "tpu.trace_stop"() : () -> ()
        } else {
        }
        %ne3A_210 = arith.cmpi ne, %add3A_144, %add3A_153 : i32
        %or3A_211 = arith.constant false
        %or3A_212 = arith.ori %or3A_211, %ne3A_210 : i1
        %or3A_213 = arith.constant false
        %or3A_214 = arith.ori %or3A_212, %or3A_213 : i1
        %or3A_215 = arith.ori %or3A_214, %eq3A_141 : i1
        %convert_element_type3A_216 = arith.extui %or3A_215 : i1 to i32
        %cond3A_217 = arith.constant 0 : i32
        %cond3A_218 = arith.cmpi ne, %convert_element_type3A_216, %cond3A_217 : i32
        scf.if %cond3A_218 {
          "tpu.trace_start"() <{level = 10 : i32, message = "ep_wait_in"}> : () -> ()
          %mul3A_301 = arith.constant 2 : i32
          %mul3A_302 = arith.muli %mul3A_301, %add3A_144 : i32
          %rem3A_303 = arith.constant 2 : i32
          %rem3A_304 = arith.remui %scan3A_138, %rem3A_303 : i32
          %dma_wait3A = arith.constant 0 : i32
          %dma_wait3A_305 = arith.constant 0 : i32
          %dma_wait3A_306 = tpu.memref_slice %run_scoped3A_14[%rem3A_304, %dma_wait3A, %dma_wait3A_305] : memref<2x2x128xi32, #tpu.memory_space<vmem>> -> memref<1x2x128xi32, #tpu.memory_space<vmem>>
          %dma_wait3A_307 = tpu.memref_squeeze %dma_wait3A_306 : memref<1x2x128xi32, #tpu.memory_space<vmem>> -> memref<2x128xi32, #tpu.memory_space<vmem>>
          %dma_wait3A_308 = arith.constant 0 : i32
          %dma_wait3A_309 = tpu.memref_slice %arg4[%mul3A_302, %dma_wait3A_308] : memref<2528x128xi32, #tpu.memory_space<hbm>> -> memref<2x128xi32, #tpu.memory_space<hbm>>
          %dma_wait3A_310 = tpu.memref_slice %run_scoped3A_15[%rem3A_304] : memref<2x!tpu.dma_semaphore, #tpu.memory_space<semaphore_mem>> -> memref<1x!tpu.dma_semaphore, #tpu.memory_space<semaphore_mem>>
          %dma_wait3A_311 = tpu.memref_squeeze %dma_wait3A_310 : memref<1x!tpu.dma_semaphore, #tpu.memory_space<semaphore_mem>> -> memref<!tpu.dma_semaphore, #tpu.memory_space<semaphore_mem>>
          %dma_wait3A_312 = arith.constant 0 : i32
          %dma_wait3A_313 = arith.constant 0 : i32
          %dma_wait3A_314 = tpu.memref_slice %run_scoped3A_14[%rem3A_304, %dma_wait3A_312, %dma_wait3A_313] : memref<2x2x128xi32, #tpu.memory_space<vmem>> -> memref<1x2x128xi32, #tpu.memory_space<vmem>>
          %dma_wait3A_315 = tpu.memref_squeeze %dma_wait3A_314 : memref<1x2x128xi32, #tpu.memory_space<vmem>> -> memref<2x128xi32, #tpu.memory_space<vmem>>
          %dma_wait3A_316 = arith.constant 0 : i32
          %dma_wait3A_317 = tpu.memref_slice %arg4[%mul3A_302, %dma_wait3A_316] : memref<2528x128xi32, #tpu.memory_space<hbm>> -> memref<2x128xi32, #tpu.memory_space<hbm>>
          tpu.wait_dma2 semaphore(%dma_wait3A_311 : memref<!tpu.dma_semaphore, #tpu.memory_space<semaphore_mem>>) src(%dma_wait3A_317 : memref<2x128xi32, #tpu.memory_space<hbm>>) dst(%dma_wait3A_315 : memref<2x128xi32, #tpu.memory_space<vmem>>)
          "tpu.trace_stop"() : () -> ()
        } else {
        }
        %rem3A_219 = arith.constant 2 : i32
        %rem3A_220 = arith.remui %scan3A_136, %rem3A_219 : i32
        %rem3A_221 = arith.constant 2 : i32
        %rem3A_222 = arith.remui %scan3A_138, %rem3A_221 : i32
        %run_scoped3A_223 = arith.constant 0 : i32
        "tpu.trace_start"() <{level = 10 : i32, message = "ep_run_kernel"}> : () -> ()
        "tpu.region"() ({
          %run_scoped3A_301 = tpu.sem_alloc : memref<!tpu.dma_semaphore, #tpu.memory_space<semaphore_mem>>
          %dma_start3A_302 = arith.constant 0 : i32
          %dma_start3A_303 = arith.constant 0 : i32
          %dma_start3A_304 = tpu.memref_slice %run_scoped3A_14[%rem3A_222, %dma_start3A_302, %dma_start3A_303] : memref<2x2x128xi32, #tpu.memory_space<vmem>> -> memref<1x2x128xi32, #tpu.memory_space<vmem>>
          %dma_start3A_305 = tpu.memref_squeeze %dma_start3A_304 : memref<1x2x128xi32, #tpu.memory_space<vmem>> -> memref<2x128xi32, #tpu.memory_space<vmem>>
          %dma_start3A_306 = arith.constant 0 : i32
          %dma_start3A_307 = tpu.memref_slice %dma_start3A_305[%run_scoped3A_223, %dma_start3A_306] : memref<2x128xi32, #tpu.memory_space<vmem>> -> memref<1x128xi32, #tpu.memory_space<vmem>>
          %dma_start3A_308 = tpu.memref_squeeze %dma_start3A_307 : memref<1x128xi32, #tpu.memory_space<vmem>> -> memref<128xi32, #tpu.memory_space<vmem>>
          %dma_start3A_309 = arith.constant 0 : i32
          %dma_start3A_310 = arith.constant 0 : i32
          %dma_start3A_311 = tpu.memref_slice %arg2[%arg0, %dma_start3A_309, %dma_start3A_310] : memref<2x10240x128xf32, #tpu.memory_space<hbm>> -> memref<1x10240x128xf32, #tpu.memory_space<hbm>>
          %dma_start3A_312 = tpu.memref_squeeze %dma_start3A_311 : memref<1x10240x128xf32, #tpu.memory_space<hbm>> -> memref<10240x128xf32, #tpu.memory_space<hbm>>
          %dma_start3A_313 = arith.constant 0 : i32
          %dma_start3A_314 = arith.constant 0 : i32
          %dma_start3A_315 = tpu.memref_slice %dma_start3A_312[%dma_start3A_313, %dma_start3A_314] : memref<10240x128xf32, #tpu.memory_space<hbm>> -> memref<10240x128xf32, #tpu.memory_space<hbm>>
          tpu.enqueue_indirect_dma source(%dma_start3A_315 : memref<10240x128xf32, #tpu.memory_space<hbm>>) target(%arg7 : memref<128x128xf32, #tpu.memory_space<vmem>>) offsets(%dma_start3A_308 : memref<128xi32, #tpu.memory_space<vmem>>) semaphore(%run_scoped3A_301 : memref<!tpu.dma_semaphore, #tpu.memory_space<semaphore_mem>>)
          %dma_wait3A = arith.constant 0 : i32
          %dma_wait3A_316 = arith.constant 0 : i32
          %dma_wait3A_317 = tpu.memref_slice %run_scoped3A_14[%rem3A_222, %dma_wait3A, %dma_wait3A_316] : memref<2x2x128xi32, #tpu.memory_space<vmem>> -> memref<1x2x128xi32, #tpu.memory_space<vmem>>
          %dma_wait3A_318 = tpu.memref_squeeze %dma_wait3A_317 : memref<1x2x128xi32, #tpu.memory_space<vmem>> -> memref<2x128xi32, #tpu.memory_space<vmem>>
          %dma_wait3A_319 = arith.constant 0 : i32
          %dma_wait3A_320 = tpu.memref_slice %dma_wait3A_318[%run_scoped3A_223, %dma_wait3A_319] : memref<2x128xi32, #tpu.memory_space<vmem>> -> memref<1x128xi32, #tpu.memory_space<vmem>>
          %dma_wait3A_321 = tpu.memref_squeeze %dma_wait3A_320 : memref<1x128xi32, #tpu.memory_space<vmem>> -> memref<128xi32, #tpu.memory_space<vmem>>
          %dma_wait3A_322 = arith.constant 0 : i32
          %dma_wait3A_323 = arith.constant 0 : i32
          %dma_wait3A_324 = tpu.memref_slice %arg2[%arg0, %dma_wait3A_322, %dma_wait3A_323] : memref<2x10240x128xf32, #tpu.memory_space<hbm>> -> memref<1x10240x128xf32, #tpu.memory_space<hbm>>
          %dma_wait3A_325 = tpu.memref_squeeze %dma_wait3A_324 : memref<1x10240x128xf32, #tpu.memory_space<hbm>> -> memref<10240x128xf32, #tpu.memory_space<hbm>>
          %dma_wait3A_326 = arith.constant 0 : i32
          %dma_wait3A_327 = arith.constant 0 : i32
          %dma_wait3A_328 = tpu.memref_slice %dma_wait3A_325[%dma_wait3A_326, %dma_wait3A_327] : memref<10240x128xf32, #tpu.memory_space<hbm>> -> memref<10240x128xf32, #tpu.memory_space<hbm>>
          tpu.wait_indirect_dma semaphore(%run_scoped3A_301 : memref<!tpu.dma_semaphore, #tpu.memory_space<semaphore_mem>>) src(%dma_wait3A_328 : memref<10240x128xf32, #tpu.memory_space<hbm>>) dst(%arg7 : memref<128x128xf32, #tpu.memory_space<vmem>>)
          tpu.yield
        }) : () -> ()
        %run_scoped3A_224 = arith.constant 0 : i32
        "tpu.region"() ({
          %run_scoped3A_301 = tpu.sem_alloc : memref<!tpu.dma_semaphore, #tpu.memory_space<semaphore_mem>>
          %dma_start3A_302 = arith.constant 0 : i32
          %dma_start3A_303 = arith.constant 0 : i32
          %dma_start3A_304 = tpu.memref_slice %run_scoped3A[%rem3A_220, %dma_start3A_302, %dma_start3A_303] : memref<2x2x128xi32, #tpu.memory_space<vmem>> -> memref<1x2x128xi32, #tpu.memory_space<vmem>>
          %dma_start3A_305 = tpu.memref_squeeze %dma_start3A_304 : memref<1x2x128xi32, #tpu.memory_space<vmem>> -> memref<2x128xi32, #tpu.memory_space<vmem>>
          %dma_start3A_306 = arith.constant 0 : i32
          %dma_start3A_307 = tpu.memref_slice %dma_start3A_305[%run_scoped3A_224, %dma_start3A_306] : memref<2x128xi32, #tpu.memory_space<vmem>> -> memref<1x128xi32, #tpu.memory_space<vmem>>
          %dma_start3A_308 = tpu.memref_squeeze %dma_start3A_307 : memref<1x128xi32, #tpu.memory_space<vmem>> -> memref<128xi32, #tpu.memory_space<vmem>>
          %dma_start3A_309 = arith.constant 0 : i32
          %dma_start3A_310 = arith.constant 0 : i32
          %dma_start3A_311 = tpu.memref_slice %arg6[%dma_start3A_309, %dma_start3A_310] : memref<10240x128xf32, #tpu.memory_space<vmem_shared>> -> memref<10240x128xf32, #tpu.memory_space<vmem_shared>>
          tpu.enqueue_indirect_dma source(%arg7 : memref<128x128xf32, #tpu.memory_space<vmem>>) target(%dma_start3A_311 : memref<10240x128xf32, #tpu.memory_space<vmem_shared>>) offsets(%dma_start3A_308 : memref<128xi32, #tpu.memory_space<vmem>>) semaphore(%run_scoped3A_301 : memref<!tpu.dma_semaphore, #tpu.memory_space<semaphore_mem>>) {add = true}
          %dma_wait3A = arith.constant 0 : i32
          %dma_wait3A_312 = arith.constant 0 : i32
          %dma_wait3A_313 = tpu.memref_slice %run_scoped3A[%rem3A_220, %dma_wait3A, %dma_wait3A_312] : memref<2x2x128xi32, #tpu.memory_space<vmem>> -> memref<1x2x128xi32, #tpu.memory_space<vmem>>
          %dma_wait3A_314 = tpu.memref_squeeze %dma_wait3A_313 : memref<1x2x128xi32, #tpu.memory_space<vmem>> -> memref<2x128xi32, #tpu.memory_space<vmem>>
          %dma_wait3A_315 = arith.constant 0 : i32
          %dma_wait3A_316 = tpu.memref_slice %dma_wait3A_314[%run_scoped3A_224, %dma_wait3A_315] : memref<2x128xi32, #tpu.memory_space<vmem>> -> memref<1x128xi32, #tpu.memory_space<vmem>>
          %dma_wait3A_317 = tpu.memref_squeeze %dma_wait3A_316 : memref<1x128xi32, #tpu.memory_space<vmem>> -> memref<128xi32, #tpu.memory_space<vmem>>
          %dma_wait3A_318 = arith.constant 0 : i32
          %dma_wait3A_319 = arith.constant 0 : i32
          %dma_wait3A_320 = tpu.memref_slice %arg6[%dma_wait3A_318, %dma_wait3A_319] : memref<10240x128xf32, #tpu.memory_space<vmem_shared>> -> memref<10240x128xf32, #tpu.memory_space<vmem_shared>>
          tpu.wait_indirect_dma semaphore(%run_scoped3A_301 : memref<!tpu.dma_semaphore, #tpu.memory_space<semaphore_mem>>) src(%arg7 : memref<128x128xf32, #tpu.memory_space<vmem>>) dst(%dma_wait3A_320 : memref<10240x128xf32, #tpu.memory_space<vmem_shared>>)
          tpu.yield
        }) : () -> ()
        %run_scoped3A_225 = arith.constant 1 : i32
        "tpu.region"() ({
          %run_scoped3A_301 = tpu.sem_alloc : memref<!tpu.dma_semaphore, #tpu.memory_space<semaphore_mem>>
          %dma_start3A_302 = arith.constant 0 : i32
          %dma_start3A_303 = arith.constant 0 : i32
          %dma_start3A_304 = tpu.memref_slice %run_scoped3A_14[%rem3A_222, %dma_start3A_302, %dma_start3A_303] : memref<2x2x128xi32, #tpu.memory_space<vmem>> -> memref<1x2x128xi32, #tpu.memory_space<vmem>>
          %dma_start3A_305 = tpu.memref_squeeze %dma_start3A_304 : memref<1x2x128xi32, #tpu.memory_space<vmem>> -> memref<2x128xi32, #tpu.memory_space<vmem>>
          %dma_start3A_306 = arith.constant 0 : i32
          %dma_start3A_307 = tpu.memref_slice %dma_start3A_305[%run_scoped3A_225, %dma_start3A_306] : memref<2x128xi32, #tpu.memory_space<vmem>> -> memref<1x128xi32, #tpu.memory_space<vmem>>
          %dma_start3A_308 = tpu.memref_squeeze %dma_start3A_307 : memref<1x128xi32, #tpu.memory_space<vmem>> -> memref<128xi32, #tpu.memory_space<vmem>>
          %dma_start3A_309 = arith.constant 0 : i32
          %dma_start3A_310 = arith.constant 0 : i32
          %dma_start3A_311 = tpu.memref_slice %arg2[%arg0, %dma_start3A_309, %dma_start3A_310] : memref<2x10240x128xf32, #tpu.memory_space<hbm>> -> memref<1x10240x128xf32, #tpu.memory_space<hbm>>
          %dma_start3A_312 = tpu.memref_squeeze %dma_start3A_311 : memref<1x10240x128xf32, #tpu.memory_space<hbm>> -> memref<10240x128xf32, #tpu.memory_space<hbm>>
          %dma_start3A_313 = arith.constant 0 : i32
          %dma_start3A_314 = arith.constant 0 : i32
          %dma_start3A_315 = tpu.memref_slice %dma_start3A_312[%dma_start3A_313, %dma_start3A_314] : memref<10240x128xf32, #tpu.memory_space<hbm>> -> memref<10240x128xf32, #tpu.memory_space<hbm>>
          tpu.enqueue_indirect_dma source(%dma_start3A_315 : memref<10240x128xf32, #tpu.memory_space<hbm>>) target(%arg7 : memref<128x128xf32, #tpu.memory_space<vmem>>) offsets(%dma_start3A_308 : memref<128xi32, #tpu.memory_space<vmem>>) semaphore(%run_scoped3A_301 : memref<!tpu.dma_semaphore, #tpu.memory_space<semaphore_mem>>)
          %dma_wait3A = arith.constant 0 : i32
          %dma_wait3A_316 = arith.constant 0 : i32
          %dma_wait3A_317 = tpu.memref_slice %run_scoped3A_14[%rem3A_222, %dma_wait3A, %dma_wait3A_316] : memref<2x2x128xi32, #tpu.memory_space<vmem>> -> memref<1x2x128xi32, #tpu.memory_space<vmem>>
          %dma_wait3A_318 = tpu.memref_squeeze %dma_wait3A_317 : memref<1x2x128xi32, #tpu.memory_space<vmem>> -> memref<2x128xi32, #tpu.memory_space<vmem>>
          %dma_wait3A_319 = arith.constant 0 : i32
          %dma_wait3A_320 = tpu.memref_slice %dma_wait3A_318[%run_scoped3A_225, %dma_wait3A_319] : memref<2x128xi32, #tpu.memory_space<vmem>> -> memref<1x128xi32, #tpu.memory_space<vmem>>
          %dma_wait3A_321 = tpu.memref_squeeze %dma_wait3A_320 : memref<1x128xi32, #tpu.memory_space<vmem>> -> memref<128xi32, #tpu.memory_space<vmem>>
          %dma_wait3A_322 = arith.constant 0 : i32
          %dma_wait3A_323 = arith.constant 0 : i32
          %dma_wait3A_324 = tpu.memref_slice %arg2[%arg0, %dma_wait3A_322, %dma_wait3A_323] : memref<2x10240x128xf32, #tpu.memory_space<hbm>> -> memref<1x10240x128xf32, #tpu.memory_space<hbm>>
          %dma_wait3A_325 = tpu.memref_squeeze %dma_wait3A_324 : memref<1x10240x128xf32, #tpu.memory_space<hbm>> -> memref<10240x128xf32, #tpu.memory_space<hbm>>
          %dma_wait3A_326 = arith.constant 0 : i32
          %dma_wait3A_327 = arith.constant 0 : i32
          %dma_wait3A_328 = tpu.memref_slice %dma_wait3A_325[%dma_wait3A_326, %dma_wait3A_327] : memref<10240x128xf32, #tpu.memory_space<hbm>> -> memref<10240x128xf32, #tpu.memory_space<hbm>>
          tpu.wait_indirect_dma semaphore(%run_scoped3A_301 : memref<!tpu.dma_semaphore, #tpu.memory_space<semaphore_mem>>) src(%dma_wait3A_328 : memref<10240x128xf32, #tpu.memory_space<hbm>>) dst(%arg7 : memref<128x128xf32, #tpu.memory_space<vmem>>)
          tpu.yield
        }) : () -> ()
        %run_scoped3A_226 = arith.constant 1 : i32
        "tpu.region"() ({
          %run_scoped3A_301 = tpu.sem_alloc : memref<!tpu.dma_semaphore, #tpu.memory_space<semaphore_mem>>
          %dma_start3A_302 = arith.constant 0 : i32
          %dma_start3A_303 = arith.constant 0 : i32
          %dma_start3A_304 = tpu.memref_slice %run_scoped3A[%rem3A_220, %dma_start3A_302, %dma_start3A_303] : memref<2x2x128xi32, #tpu.memory_space<vmem>> -> memref<1x2x128xi32, #tpu.memory_space<vmem>>
          %dma_start3A_305 = tpu.memref_squeeze %dma_start3A_304 : memref<1x2x128xi32, #tpu.memory_space<vmem>> -> memref<2x128xi32, #tpu.memory_space<vmem>>
          %dma_start3A_306 = arith.constant 0 : i32
          %dma_start3A_307 = tpu.memref_slice %dma_start3A_305[%run_scoped3A_226, %dma_start3A_306] : memref<2x128xi32, #tpu.memory_space<vmem>> -> memref<1x128xi32, #tpu.memory_space<vmem>>
          %dma_start3A_308 = tpu.memref_squeeze %dma_start3A_307 : memref<1x128xi32, #tpu.memory_space<vmem>> -> memref<128xi32, #tpu.memory_space<vmem>>
          %dma_start3A_309 = arith.constant 0 : i32
          %dma_start3A_310 = arith.constant 0 : i32
          %dma_start3A_311 = tpu.memref_slice %arg6[%dma_start3A_309, %dma_start3A_310] : memref<10240x128xf32, #tpu.memory_space<vmem_shared>> -> memref<10240x128xf32, #tpu.memory_space<vmem_shared>>
          tpu.enqueue_indirect_dma source(%arg7 : memref<128x128xf32, #tpu.memory_space<vmem>>) target(%dma_start3A_311 : memref<10240x128xf32, #tpu.memory_space<vmem_shared>>) offsets(%dma_start3A_308 : memref<128xi32, #tpu.memory_space<vmem>>) semaphore(%run_scoped3A_301 : memref<!tpu.dma_semaphore, #tpu.memory_space<semaphore_mem>>) {add = true}
          %dma_wait3A = arith.constant 0 : i32
          %dma_wait3A_312 = arith.constant 0 : i32
          %dma_wait3A_313 = tpu.memref_slice %run_scoped3A[%rem3A_220, %dma_wait3A, %dma_wait3A_312] : memref<2x2x128xi32, #tpu.memory_space<vmem>> -> memref<1x2x128xi32, #tpu.memory_space<vmem>>
          %dma_wait3A_314 = tpu.memref_squeeze %dma_wait3A_313 : memref<1x2x128xi32, #tpu.memory_space<vmem>> -> memref<2x128xi32, #tpu.memory_space<vmem>>
          %dma_wait3A_315 = arith.constant 0 : i32
          %dma_wait3A_316 = tpu.memref_slice %dma_wait3A_314[%run_scoped3A_226, %dma_wait3A_315] : memref<2x128xi32, #tpu.memory_space<vmem>> -> memref<1x128xi32, #tpu.memory_space<vmem>>
          %dma_wait3A_317 = tpu.memref_squeeze %dma_wait3A_316 : memref<1x128xi32, #tpu.memory_space<vmem>> -> memref<128xi32, #tpu.memory_space<vmem>>
          %dma_wait3A_318 = arith.constant 0 : i32
          %dma_wait3A_319 = arith.constant 0 : i32
          %dma_wait3A_320 = tpu.memref_slice %arg6[%dma_wait3A_318, %dma_wait3A_319] : memref<10240x128xf32, #tpu.memory_space<vmem_shared>> -> memref<10240x128xf32, #tpu.memory_space<vmem_shared>>
          tpu.wait_indirect_dma semaphore(%run_scoped3A_301 : memref<!tpu.dma_semaphore, #tpu.memory_space<semaphore_mem>>) src(%arg7 : memref<128x128xf32, #tpu.memory_space<vmem>>) dst(%dma_wait3A_320 : memref<10240x128xf32, #tpu.memory_space<vmem_shared>>)
          tpu.yield
        }) : () -> ()
        "tpu.trace_stop"() : () -> ()
        %ne3A_227 = arith.cmpi ne, %add3A_144, %add3A_162 : i32
        %or3A_228 = arith.constant false
        %or3A_229 = arith.ori %or3A_228, %ne3A_227 : i1
        %or3A_230 = arith.constant false
        %or3A_231 = arith.ori %or3A_229, %or3A_230 : i1
        %or3A_232 = arith.ori %or3A_231, %eq3A_143 : i1
        %convert_element_type3A_233 = arith.extui %or3A_232 : i1 to i32
        %cond3A_234 = arith.constant 0 : i32
        %cond3A_235 = arith.cmpi ne, %convert_element_type3A_233, %cond3A_234 : i32
        scf.if %cond3A_235 {
        } else {
        }
        %and3A_236 = arith.constant false
        %and3A_237 = arith.andi %or3A_232, %and3A_236 : i1
        %ne3A_238 = arith.cmpi ne, %add3A_144, %add3A_162 : i32
        %or3A_239 = arith.constant false
        %or3A_240 = arith.ori %or3A_239, %ne3A_238 : i1
        %or3A_241 = arith.constant false
        %or3A_242 = arith.ori %or3A_240, %or3A_241 : i1
        %or3A_243 = arith.ori %or3A_242, %eq3A_143 : i1
        %convert_element_type3A_244 = arith.extui %or3A_243 : i1 to i32
        %cond3A_245 = arith.constant 0 : i32
        %cond3A_246 = arith.cmpi ne, %convert_element_type3A_244, %cond3A_245 : i32
        scf.if %cond3A_246 {
        } else {
        }
        %and3A_247 = arith.constant false
        %and3A_248 = arith.andi %or3A_243, %and3A_247 : i1
        %ne3A_249 = arith.cmpi ne, %add3A_144, %add3A_153 : i32
        %or3A_250 = arith.constant false
        %or3A_251 = arith.ori %or3A_250, %ne3A_249 : i1
        %or3A_252 = arith.constant false
        %or3A_253 = arith.ori %or3A_251, %or3A_252 : i1
        %not3A_254 = arith.constant true
        %not3A_255 = arith.xori %eq3A_141, %not3A_254 : i1
        %and3A_256 = arith.andi %or3A_253, %not3A_255 : i1
        %convert_element_type3A_257 = arith.extui %and3A_256 : i1 to i32
        %cond3A_258 = arith.constant 0 : i32
        %cond3A_259 = arith.cmpi ne, %convert_element_type3A_257, %cond3A_258 : i32
        scf.if %cond3A_259 {
        } else {
        }
        %and3A_260 = arith.constant false
        %and3A_261 = arith.andi %and3A_256, %and3A_260 : i1
        %ne3A_262 = arith.cmpi ne, %add3A_144, %add3A_153 : i32
        %or3A_263 = arith.constant false
        %or3A_264 = arith.ori %or3A_263, %ne3A_262 : i1
        %or3A_265 = arith.constant false
        %or3A_266 = arith.ori %or3A_264, %or3A_265 : i1
        %not3A_267 = arith.constant true
        %not3A_268 = arith.xori %eq3A_141, %not3A_267 : i1
        %and3A_269 = arith.andi %or3A_266, %not3A_268 : i1
        %convert_element_type3A_270 = arith.extui %and3A_269 : i1 to i32
        %cond3A_271 = arith.constant 0 : i32
        %cond3A_272 = arith.cmpi ne, %convert_element_type3A_270, %cond3A_271 : i32
        scf.if %cond3A_272 {
        } else {
        }
        %and3A_273 = arith.constant false
        %and3A_274 = arith.andi %and3A_269, %and3A_273 : i1
        %ne3A_275 = arith.cmpi ne, %add3A_144, %add3A_162 : i32
        %or3A_276 = arith.constant false
        %or3A_277 = arith.ori %or3A_276, %ne3A_275 : i1
        %or3A_278 = arith.constant false
        %or3A_279 = arith.ori %or3A_277, %or3A_278 : i1
        %or3A_280 = arith.ori %or3A_279, %eq3A_143 : i1
        %add3A_281 = arith.constant 1 : i32
        %add3A_282 = arith.addi %scan3A_136, %add3A_281 : i32
        %select_n3A_283 = arith.select %or3A_280, %add3A_282, %scan3A_136 : i32
        %ne3A_284 = arith.cmpi ne, %add3A_144, %add3A_162 : i32
        %or3A_285 = arith.constant false
        %or3A_286 = arith.ori %or3A_285, %ne3A_284 : i1
        %or3A_287 = arith.constant false
        %or3A_288 = arith.ori %or3A_286, %or3A_287 : i1
        %or3A_289 = arith.ori %or3A_288, %eq3A_143 : i1
        %add3A_290 = arith.constant 1 : i32
        %add3A_291 = arith.addi %scan3A_138, %add3A_290 : i32
        %select_n3A_292 = arith.select %or3A_289, %add3A_291, %scan3A_138 : i32
        %add3A_293 = arith.constant 1 : i32
        %add3A_294 = arith.addi %scan3A_139, %add3A_293 : i32
        %select_n3A_295 = arith.constant true
        %select_n3A_296 = arith.select %select_n3A_295, %add3A_294, %scan3A_139 : i32
        %eq3A_297 = arith.constant 79 : i32
        %eq3A_298 = arith.cmpi eq, %select_n3A_296, %eq3A_297 : i32
        %select_n3A_299 = arith.constant 0 : i32
        %select_n3A_300 = arith.select %eq3A_298, %select_n3A_299, %select_n3A_296 : i32
        scf.yield %select_n3A_182, %select_n3A_283, %select_n3A_200, %select_n3A_292, %select_n3A_300 : i32, i32, i32, i32, i32
      }
      %scan3A_98 = arith.constant 79 : i32
      %sub3A = arith.constant 1 : i32
      %sub3A_99 = arith.subi %scan3A_97#4, %sub3A : i32
      %select_n3A_100 = arith.constant true
      %select_n3A_101 = arith.select %select_n3A_100, %sub3A_99, %scan3A_97#4 : i32
      %eq3A_102 = arith.constant -1 : i32
      %eq3A_103 = arith.cmpi eq, %select_n3A_101, %eq3A_102 : i32
      %select_n3A_104 = arith.constant 78 : i32
      %select_n3A_105 = arith.select %eq3A_103, %select_n3A_104, %select_n3A_101 : i32
      %add3A_106 = arith.addi %select_n3A_105, %mul3A_11 : i32
      %sub3A_107 = arith.constant 1 : i32
      %sub3A_108 = arith.subi %select_n3A_105, %sub3A_107 : i32
      %select_n3A_109 = arith.constant true
      %select_n3A_110 = arith.select %select_n3A_109, %sub3A_108, %select_n3A_105 : i32
      %eq3A_111 = arith.constant -1 : i32
      %eq3A_112 = arith.cmpi eq, %select_n3A_110, %eq3A_111 : i32
      %select_n3A_113 = arith.constant 78 : i32
      %select_n3A_114 = arith.select %eq3A_112, %select_n3A_113, %select_n3A_110 : i32
      %add3A_115 = arith.addi %select_n3A_114, %mul3A_11 : i32
      %add3A_116 = arith.constant 1 : i32
      %add3A_117 = arith.addi %select_n3A_105, %add3A_116 : i32
      %select_n3A_118 = arith.constant true
      %select_n3A_119 = arith.select %select_n3A_118, %add3A_117, %select_n3A_105 : i32
      %eq3A_120 = arith.constant 79 : i32
      %eq3A_121 = arith.cmpi eq, %select_n3A_119, %eq3A_120 : i32
      %select_n3A_122 = arith.constant 0 : i32
      %select_n3A_123 = arith.select %eq3A_121, %select_n3A_122, %select_n3A_119 : i32
      %add3A_124 = arith.addi %select_n3A_123, %mul3A_11 : i32
      %add3A_125 = arith.constant 1 : i32
      %add3A_126 = arith.addi %select_n3A_123, %add3A_125 : i32
      %select_n3A_127 = arith.constant true
      %select_n3A_128 = arith.select %select_n3A_127, %add3A_126, %select_n3A_123 : i32
      %eq3A_129 = arith.constant 79 : i32
      %eq3A_130 = arith.cmpi eq, %select_n3A_128, %eq3A_129 : i32
      %select_n3A_131 = arith.constant 0 : i32
      %select_n3A_132 = arith.select %eq3A_130, %select_n3A_131, %select_n3A_128 : i32
      %add3A_133 = arith.addi %select_n3A_132, %mul3A_11 : i32
      tpu.yield
    }) : () -> ()
    %barrier3A_12 = arith.constant 0 : index
    tpu.barrier barrier_id(%barrier3A_12)
    "tpu.region"() ({
      %run_scoped3A = tpu.sem_alloc : memref<!tpu.dma_semaphore, #tpu.memory_space<semaphore_mem>>
      %dma_start3A = arith.constant 0 : i32
      %dma_start3A_13 = arith.constant 0 : i32
      %dma_start3A_14 = tpu.memref_slice %arg5[%arg0, %dma_start3A, %dma_start3A_13] : memref<2x10240x128xf32, #tpu.memory_space<hbm>> -> memref<1x10240x128xf32, #tpu.memory_space<hbm>>
      %dma_start3A_15 = tpu.memref_squeeze %dma_start3A_14 : memref<1x10240x128xf32, #tpu.memory_space<hbm>> -> memref<10240x128xf32, #tpu.memory_space<hbm>>
      %dma_start3A_16 = arith.constant 0 : i32
      %dma_start3A_17 = tpu.memref_slice %dma_start3A_15[%mul3A_0, %dma_start3A_16] : memref<10240x128xf32, #tpu.memory_space<hbm>> -> memref<640x128xf32, #tpu.memory_space<hbm>>
      %dma_start3A_18 = arith.constant 0 : i32
      %dma_start3A_19 = tpu.memref_slice %arg6[%mul3A_0, %dma_start3A_18] : memref<10240x128xf32, #tpu.memory_space<vmem_shared>> -> memref<640x128xf32, #tpu.memory_space<vmem_shared>>
      tpu.enqueue_dma source(%dma_start3A_19 : memref<640x128xf32, #tpu.memory_space<vmem_shared>>) target(%dma_start3A_17 : memref<640x128xf32, #tpu.memory_space<hbm>>) target_semaphore(%run_scoped3A : memref<!tpu.dma_semaphore, #tpu.memory_space<semaphore_mem>>)
      %dma_wait3A = arith.constant 0 : i32
      %dma_wait3A_20 = arith.constant 0 : i32
      %dma_wait3A_21 = tpu.memref_slice %arg5[%arg0, %dma_wait3A, %dma_wait3A_20] : memref<2x10240x128xf32, #tpu.memory_space<hbm>> -> memref<1x10240x128xf32, #tpu.memory_space<hbm>>
      %dma_wait3A_22 = tpu.memref_squeeze %dma_wait3A_21 : memref<1x10240x128xf32, #tpu.memory_space<hbm>> -> memref<10240x128xf32, #tpu.memory_space<hbm>>
      %dma_wait3A_23 = arith.constant 0 : i32
      %dma_wait3A_24 = tpu.memref_slice %dma_wait3A_22[%mul3A_0, %dma_wait3A_23] : memref<10240x128xf32, #tpu.memory_space<hbm>> -> memref<640x128xf32, #tpu.memory_space<hbm>>
      %dma_wait3A_25 = arith.constant 0 : i32
      %dma_wait3A_26 = tpu.memref_slice %arg6[%mul3A_0, %dma_wait3A_25] : memref<10240x128xf32, #tpu.memory_space<vmem_shared>> -> memref<640x128xf32, #tpu.memory_space<vmem_shared>>
      tpu.wait_dma2 semaphore(%run_scoped3A : memref<!tpu.dma_semaphore, #tpu.memory_space<semaphore_mem>>) src(%dma_wait3A_26 : memref<640x128xf32, #tpu.memory_space<vmem_shared>>) dst(%dma_wait3A_24 : memref<640x128xf32, #tpu.memory_space<hbm>>)
      tpu.yield
    }) : () -> ()
    return
  }
}

module attributes {stable_mosaic.version = 14 : i64} {
  func.func @_prescale_kernel(%arg0: i32, %arg1: memref<512x128xf32, #tpu.memory_space<vmem>>, %arg2: memref<512x128xf32, #tpu.memory_space<vmem>>, %arg3: memref<2x512x128xf32, #tpu.memory_space<vmem>>, %arg4: memref<2x512x128xf32, #tpu.memory_space<vmem>>) attributes {dimension_semantics = [#tpu.dimension_semantics<arbitrary>], iteration_bounds = array<i64: 20>, scalar_prefetch = 0 : i64, scratch_operands = 0 : i64, tpu.core_type = #tpu.core_type<tc>, window_params = [{transform_indices = @transform_0, window_bounds = array<i64: 512, 128>}, {transform_indices = @transform_1, window_bounds = array<i64: 512, 128>}, {transform_indices = @transform_2, window_bounds = array<i64: 2, 512, 128>}, {transform_indices = @transform_3, window_bounds = array<i64: 2, 512, 128>}]} {
    %get3A = arith.constant 0 : index
    %get3A_0 = arith.constant 0 : index
    %get3A_1 = arith.constant 0 : index
    %get3A_2 = vector.load %arg3[%get3A, %get3A_0, %get3A_1] : memref<2x512x128xf32, #tpu.memory_space<vmem>>, vector<1x512x1xf32>
    %get3A_3 = vector.shape_cast %get3A_2 : vector<1x512x1xf32> to vector<512x1xf32>
    %get3A_4 = arith.constant 1 : index
    %get3A_5 = arith.constant 0 : index
    %get3A_6 = arith.constant 0 : index
    %get3A_7 = vector.load %arg3[%get3A_4, %get3A_5, %get3A_6] : memref<2x512x128xf32, #tpu.memory_space<vmem>>, vector<1x512x1xf32>
    %get3A_8 = vector.shape_cast %get3A_7 : vector<1x512x1xf32> to vector<512x1xf32>
    %add3A = arith.addf %get3A_3, %get3A_8 : vector<512x1xf32>
    %max3A = arith.constant 1.000000e+00 : f32
    %max3A_9 = vector.broadcast %max3A : f32 to vector<512x1xf32>
    %max3A_10 = arith.maximumf %add3A, %max3A_9 : vector<512x1xf32>
    %sqrt3A = math.sqrt %max3A_10 : vector<512x1xf32>
    %div3A = arith.constant 1.000000e+00 : f32
    %div3A_11 = vector.broadcast %div3A : f32 to vector<512x1xf32>
    %div3A_12 = arith.divf %div3A_11, %sqrt3A : vector<512x1xf32>
    %mul3A = arith.constant 512 : i32
    %mul3A_13 = arith.muli %arg0, %mul3A : i32
    %iota3A = tpu.iota {dimensions = array<i32: 0>} : vector<512x1xi32>
    %add3A_14 = vector.broadcast %mul3A_13 : i32 to vector<512x1xi32>
    %add3A_15 = arith.addi %add3A_14, %iota3A : vector<512x1xi32>
    %lt3A = arith.constant 10000 : i32
    %lt3A_16 = vector.broadcast %lt3A : i32 to vector<512x1xi32>
    %lt3A_17 = arith.cmpi slt, %add3A_15, %lt3A_16 : vector<512x1xi32>
    %get3A_18 = arith.constant 0 : index
    %get3A_19 = arith.constant 0 : index
    %get3A_20 = vector.load %arg1[%get3A_18, %get3A_19] : memref<512x128xf32, #tpu.memory_space<vmem>>, vector<512x128xf32>
    %mul3A_21 = vector.broadcast %div3A_12 : vector<512x1xf32> to vector<512x128xf32>
    %mul3A_22 = arith.mulf %mul3A_21, %get3A_20 : vector<512x128xf32>
    %jit3A = arith.constant 0.000000e+00 : f32
    %broadcast_in_dim3A = vector.shape_cast %lt3A_17 : vector<512x1xi1> to vector<512x1xi1>
    %broadcast_in_dim3A_23 = vector.broadcast %broadcast_in_dim3A : vector<512x1xi1> to vector<512x128xi1>
    %broadcast_in_dim3A_24 = vector.broadcast %jit3A : f32 to vector<512x128xf32>
    %select_n3A = arith.select %broadcast_in_dim3A_23, %mul3A_22, %broadcast_in_dim3A_24 : vector<512x128xi1>, vector<512x128xf32>
    %get3A_25 = arith.constant 0 : index
    %get3A_26 = arith.constant 0 : index
    %get3A_27 = vector.load %arg2[%get3A_25, %get3A_26] : memref<512x128xf32, #tpu.memory_space<vmem>>, vector<512x128xf32>
    %mul3A_28 = vector.broadcast %div3A_12 : vector<512x1xf32> to vector<512x128xf32>
    %mul3A_29 = arith.mulf %mul3A_28, %get3A_27 : vector<512x128xf32>
    %jit3A_30 = arith.constant 0.000000e+00 : f32
    %broadcast_in_dim3A_31 = vector.shape_cast %lt3A_17 : vector<512x1xi1> to vector<512x1xi1>
    %broadcast_in_dim3A_32 = vector.broadcast %broadcast_in_dim3A_31 : vector<512x1xi1> to vector<512x128xi1>
    %broadcast_in_dim3A_33 = vector.broadcast %jit3A_30 : f32 to vector<512x128xf32>
    %select_n3A_34 = arith.select %broadcast_in_dim3A_32, %mul3A_29, %broadcast_in_dim3A_33 : vector<512x128xi1>, vector<512x128xf32>
    %swap3A = arith.constant 0 : index
    %swap3A_35 = arith.constant 0 : index
    %swap3A_36 = arith.constant 0 : index
    %swap3A_37 = vector.load %arg4[%swap3A, %swap3A_35, %swap3A_36] : memref<2x512x128xf32, #tpu.memory_space<vmem>>, vector<1x512x128xf32>
    %swap3A_38 = vector.shape_cast %swap3A_37 : vector<1x512x128xf32> to vector<512x128xf32>
    %swap3A_39 = vector.shape_cast %select_n3A : vector<512x128xf32> to vector<1x512x128xf32>
    tpu.vector_store %arg4[%swap3A, %swap3A_35, %swap3A_36], %swap3A_39 {strides = array<i32>} : memref<2x512x128xf32, #tpu.memory_space<vmem>>, vector<1x512x128xf32>,
    %swap3A_40 = arith.constant 1 : index
    %swap3A_41 = arith.constant 0 : index
    %swap3A_42 = arith.constant 0 : index
    %swap3A_43 = vector.load %arg4[%swap3A_40, %swap3A_41, %swap3A_42] : memref<2x512x128xf32, #tpu.memory_space<vmem>>, vector<1x512x128xf32>
    %swap3A_44 = vector.shape_cast %swap3A_43 : vector<1x512x128xf32> to vector<512x128xf32>
    %swap3A_45 = vector.shape_cast %select_n3A_34 : vector<512x128xf32> to vector<1x512x128xf32>
    tpu.vector_store %arg4[%swap3A_40, %swap3A_41, %swap3A_42], %swap3A_45 {strides = array<i32>} : memref<2x512x128xf32, #tpu.memory_space<vmem>>, vector<1x512x128xf32>,
    return
  }
  func.func @transform_0(%arg0: i32) -> (i32, i32) {
    %c0_i32 = arith.constant 0 : i32
    %c0_i32_0 = arith.constant 0 : i32
    return %arg0, %c0_i32 : i32, i32
  }
  func.func @transform_1(%arg0: i32) -> (i32, i32) {
    %c0_i32 = arith.constant 0 : i32
    %c0_i32_0 = arith.constant 0 : i32
    return %arg0, %c0_i32 : i32, i32
  }
  func.func @transform_2(%arg0: i32) -> (i32, i32, i32) {
    %c0_i32 = arith.constant 0 : i32
    %c0_i32_0 = arith.constant 0 : i32
    %c0_i32_1 = arith.constant 0 : i32
    return %c0_i32, %arg0, %c0_i32_0 : i32, i32, i32
  }
  func.func @transform_3(%arg0: i32) -> (i32, i32, i32) {
    %c0_i32 = arith.constant 0 : i32
    %c0_i32_0 = arith.constant 0 : i32
    %c0_i32_1 = arith.constant 0 : i32
    return %c0_i32, %arg0, %c0_i32_0 : i32, i32, i32
  }
}

module attributes {stable_mosaic.version = 14 : i64} {
  func.func @_dense_kernel(%arg0: i32, %arg1: memref<2x512x128xf32, #tpu.memory_space<vmem>>, %arg2: memref<2x512x128xf32, #tpu.memory_space<vmem>>, %arg3: memref<128x256xf32, #tpu.memory_space<vmem>>, %arg4: memref<1x256xf32, #tpu.memory_space<vmem>>, %arg5: memref<256x16xf32, #tpu.memory_space<vmem>>, %arg6: memref<1x16xf32, #tpu.memory_space<vmem>>, %arg7: memref<512x128xf32, #tpu.memory_space<vmem>>, %arg8: memref<1x1xf32, #tpu.memory_space<vmem>>, %arg9: memref<1x16xf32, #tpu.memory_space<vmem>>) attributes {dimension_semantics = [#tpu.dimension_semantics<arbitrary>], iteration_bounds = array<i64: 20>, scalar_prefetch = 0 : i64, scratch_operands = 0 : i64, tpu.core_type = #tpu.core_type<tc>, window_params = [{transform_indices = @transform_0, window_bounds = array<i64: 2, 512, 128>}, {transform_indices = @transform_1, window_bounds = array<i64: 2, 512, 128>}, {pipeline_mode = #tpu.pipeline_mode<synchronous>, transform_indices = @transform_2, window_bounds = array<i64: 128, 256>}, {pipeline_mode = #tpu.pipeline_mode<synchronous>, transform_indices = @transform_3, window_bounds = array<i64: 1, 256>}, {pipeline_mode = #tpu.pipeline_mode<synchronous>, transform_indices = @transform_4, window_bounds = array<i64: 256, 16>}, {pipeline_mode = #tpu.pipeline_mode<synchronous>, transform_indices = @transform_5, window_bounds = array<i64: 1, 16>}, {transform_indices = @transform_6, window_bounds = array<i64: 512, 128>}, {pipeline_mode = #tpu.pipeline_mode<synchronous>, transform_indices = @transform_7, window_bounds = array<i64: 1, 1>}, {pipeline_mode = #tpu.pipeline_mode<synchronous>, transform_indices = @transform_8, window_bounds = array<i64: 1, 16>}]} {
    %get3A = arith.constant 0 : index
    %get3A_0 = arith.constant 0 : index
    %get3A_1 = arith.constant 64 : index
    %get3A_2 = vector.load %arg2[%get3A, %get3A_0, %get3A_1] : memref<2x512x128xf32, #tpu.memory_space<vmem>>, vector<1x512x1xf32>
    %get3A_3 = vector.shape_cast %get3A_2 : vector<1x512x1xf32> to vector<512x1xf32>
    %get3A_4 = arith.constant 1 : index
    %get3A_5 = arith.constant 0 : index
    %get3A_6 = arith.constant 64 : index
    %get3A_7 = vector.load %arg2[%get3A_4, %get3A_5, %get3A_6] : memref<2x512x128xf32, #tpu.memory_space<vmem>>, vector<1x512x1xf32>
    %get3A_8 = vector.shape_cast %get3A_7 : vector<1x512x1xf32> to vector<512x1xf32>
    %add3A = arith.addf %get3A_3, %get3A_8 : vector<512x1xf32>
    %max3A = arith.constant 1.000000e+00 : f32
    %max3A_9 = vector.broadcast %max3A : f32 to vector<512x1xf32>
    %max3A_10 = arith.maximumf %add3A, %max3A_9 : vector<512x1xf32>
    %sqrt3A = math.sqrt %max3A_10 : vector<512x1xf32>
    %div3A = arith.constant 1.000000e+00 : f32
    %div3A_11 = vector.broadcast %div3A : f32 to vector<512x1xf32>
    %div3A_12 = arith.divf %div3A_11, %sqrt3A : vector<512x1xf32>
    %get3A_13 = arith.constant 0 : index
    %get3A_14 = arith.constant 0 : index
    %get3A_15 = arith.constant 0 : index
    %get3A_16 = vector.load %arg1[%get3A_13, %get3A_14, %get3A_15] : memref<2x512x128xf32, #tpu.memory_space<vmem>>, vector<1x512x128xf32>
    %get3A_17 = vector.shape_cast %get3A_16 : vector<1x512x128xf32> to vector<512x128xf32>
    %mul3A = vector.broadcast %div3A_12 : vector<512x1xf32> to vector<512x128xf32>
    %mul3A_18 = arith.mulf %get3A_17, %mul3A : vector<512x128xf32>
    %get3A_19 = arith.constant 1 : index
    %get3A_20 = arith.constant 0 : index
    %get3A_21 = arith.constant 0 : index
    %get3A_22 = vector.load %arg1[%get3A_19, %get3A_20, %get3A_21] : memref<2x512x128xf32, #tpu.memory_space<vmem>>, vector<1x512x128xf32>
    %get3A_23 = vector.shape_cast %get3A_22 : vector<1x512x128xf32> to vector<512x128xf32>
    %mul3A_24 = vector.broadcast %div3A_12 : vector<512x1xf32> to vector<512x128xf32>
    %mul3A_25 = arith.mulf %get3A_23, %mul3A_24 : vector<512x128xf32>
    %get3A_26 = arith.constant 0 : index
    %get3A_27 = arith.constant 0 : index
    %get3A_28 = vector.load %arg3[%get3A_26, %get3A_27] : memref<128x256xf32, #tpu.memory_space<vmem>>, vector<128x256xf32>
    %dot_general3A = arith.constant dense<0.000000e+00> : vector<512x256xf32>
    %dot_general3A_29 = tpu.matmul %mul3A_18, %get3A_28, %dot_general3A {dimension_numbers = #tpu.dot_dimension_numbers<[1], [0], [0], [1], [0, 0, 1, 1], [], []>, transpose_lhs_hint = false} : vector<512x128xf32>, vector<128x256xf32>, vector<512x256xf32> -> vector<512x256xf32>
    %get3A_30 = arith.constant 0 : index
    %get3A_31 = arith.constant 0 : index
    %get3A_32 = vector.load %arg4[%get3A_30, %get3A_31] : memref<1x256xf32, #tpu.memory_space<vmem>>, vector<1x256xf32>
    %add3A_33 = vector.broadcast %get3A_32 : vector<1x256xf32> to vector<512x256xf32>
    %add3A_34 = arith.addf %dot_general3A_29, %add3A_33 : vector<512x256xf32>
    %gt3A = arith.constant 0.000000e+00 : f32
    %gt3A_35 = vector.broadcast %gt3A : f32 to vector<512x256xf32>
    %gt3A_36 = arith.cmpf ogt, %add3A_34, %gt3A_35 : vector<512x256xf32>
    %exp3A = math.exp %add3A_34 : vector<512x256xf32>
    %sub3A = arith.constant 1.000000e+00 : f32
    %sub3A_37 = vector.broadcast %sub3A : f32 to vector<512x256xf32>
    %sub3A_38 = arith.subf %exp3A, %sub3A_37 : vector<512x256xf32>
    %mul3A_39 = arith.constant 1.67326319 : f32
    %mul3A_40 = vector.broadcast %mul3A_39 : f32 to vector<512x256xf32>
    %mul3A_41 = arith.mulf %mul3A_40, %sub3A_38 : vector<512x256xf32>
    %select_n3A = arith.select %gt3A_36, %add3A_34, %mul3A_41 : vector<512x256xi1>, vector<512x256xf32>
    %mul3A_42 = arith.constant 1.05070102 : f32
    %mul3A_43 = vector.broadcast %mul3A_42 : f32 to vector<512x256xf32>
    %mul3A_44 = arith.mulf %mul3A_43, %select_n3A : vector<512x256xf32>
    %dot_general3A_45 = arith.constant dense<0.000000e+00> : vector<512x256xf32>
    %dot_general3A_46 = tpu.matmul %mul3A_25, %get3A_28, %dot_general3A_45 {dimension_numbers = #tpu.dot_dimension_numbers<[1], [0], [0], [1], [0, 0, 1, 1], [], []>, transpose_lhs_hint = false} : vector<512x128xf32>, vector<128x256xf32>, vector<512x256xf32> -> vector<512x256xf32>
    %get3A_47 = arith.constant 0 : index
    %get3A_48 = arith.constant 0 : index
    %get3A_49 = vector.load %arg4[%get3A_47, %get3A_48] : memref<1x256xf32, #tpu.memory_space<vmem>>, vector<1x256xf32>
    %add3A_50 = vector.broadcast %get3A_49 : vector<1x256xf32> to vector<512x256xf32>
    %add3A_51 = arith.addf %dot_general3A_46, %add3A_50 : vector<512x256xf32>
    %gt3A_52 = arith.constant 0.000000e+00 : f32
    %gt3A_53 = vector.broadcast %gt3A_52 : f32 to vector<512x256xf32>
    %gt3A_54 = arith.cmpf ogt, %add3A_51, %gt3A_53 : vector<512x256xf32>
    %exp3A_55 = math.exp %add3A_51 : vector<512x256xf32>
    %sub3A_56 = arith.constant 1.000000e+00 : f32
    %sub3A_57 = vector.broadcast %sub3A_56 : f32 to vector<512x256xf32>
    %sub3A_58 = arith.subf %exp3A_55, %sub3A_57 : vector<512x256xf32>
    %mul3A_59 = arith.constant 1.67326319 : f32
    %mul3A_60 = vector.broadcast %mul3A_59 : f32 to vector<512x256xf32>
    %mul3A_61 = arith.mulf %mul3A_60, %sub3A_58 : vector<512x256xf32>
    %select_n3A_62 = arith.select %gt3A_54, %add3A_51, %mul3A_61 : vector<512x256xi1>, vector<512x256xf32>
    %mul3A_63 = arith.constant 1.05070102 : f32
    %mul3A_64 = vector.broadcast %mul3A_63 : f32 to vector<512x256xf32>
    %mul3A_65 = arith.mulf %mul3A_64, %select_n3A_62 : vector<512x256xf32>
    %get3A_66 = arith.constant 0 : index
    %get3A_67 = arith.constant 0 : index
    %get3A_68 = vector.load %arg5[%get3A_66, %get3A_67] : memref<256x16xf32, #tpu.memory_space<vmem>>, vector<256x16xf32>
    %dot_general3A_69 = arith.constant dense<0.000000e+00> : vector<512x16xf32>
    %dot_general3A_70 = tpu.matmul %mul3A_44, %get3A_68, %dot_general3A_69 {dimension_numbers = #tpu.dot_dimension_numbers<[1], [0], [0], [1], [0, 0, 1, 1], [], []>, transpose_lhs_hint = false} : vector<512x256xf32>, vector<256x16xf32>, vector<512x16xf32> -> vector<512x16xf32>
    %get3A_71 = arith.constant 0 : index
    %get3A_72 = arith.constant 0 : index
    %get3A_73 = vector.load %arg6[%get3A_71, %get3A_72] : memref<1x16xf32, #tpu.memory_space<vmem>>, vector<1x16xf32>
    %add3A_74 = vector.broadcast %get3A_73 : vector<1x16xf32> to vector<512x16xf32>
    %add3A_75 = arith.addf %dot_general3A_70, %add3A_74 : vector<512x16xf32>
    %reduce_max3A = arith.constant dense<0xFF800000> : vector<512xf32>
    %reduce_max3A_76 = vector.multi_reduction <maximumf>, %add3A_75, %reduce_max3A [1] : vector<512x16xf32> to vector<512xf32>
    %broadcast_in_dim3A = vector.shape_cast %reduce_max3A_76 : vector<512xf32> to vector<512x1xf32>
    %sub3A_77 = vector.broadcast %broadcast_in_dim3A : vector<512x1xf32> to vector<512x16xf32>
    %sub3A_78 = arith.subf %add3A_75, %sub3A_77 : vector<512x16xf32>
    %exp3A_79 = math.exp %sub3A_78 : vector<512x16xf32>
    %reduce_sum3A = arith.constant dense<0.000000e+00> : vector<512xf32>
    %reduce_sum3A_80 = vector.multi_reduction <add>, %exp3A_79, %reduce_sum3A [1] : vector<512x16xf32> to vector<512xf32>
    %broadcast_in_dim3A_81 = vector.shape_cast %reduce_sum3A_80 : vector<512xf32> to vector<512x1xf32>
    %div3A_82 = vector.broadcast %broadcast_in_dim3A_81 : vector<512x1xf32> to vector<512x16xf32>
    %div3A_83 = arith.divf %exp3A_79, %div3A_82 : vector<512x16xf32>
    %mul3A_84 = arith.constant 512 : i32
    %mul3A_85 = arith.muli %arg0, %mul3A_84 : i32
    %iota3A = tpu.iota {dimensions = array<i32: 0>} : vector<512x1xi32>
    %add3A_86 = vector.broadcast %mul3A_85 : i32 to vector<512x1xi32>
    %add3A_87 = arith.addi %add3A_86, %iota3A : vector<512x1xi32>
    %lt3A = arith.constant 10000 : i32
    %lt3A_88 = vector.broadcast %lt3A : i32 to vector<512x1xi32>
    %lt3A_89 = arith.cmpi slt, %add3A_87, %lt3A_88 : vector<512x1xi32>
    %jit3A = arith.constant 0.000000e+00 : f32
    %broadcast_in_dim3A_90 = vector.shape_cast %lt3A_89 : vector<512x1xi1> to vector<512x1xi1>
    %broadcast_in_dim3A_91 = vector.broadcast %broadcast_in_dim3A_90 : vector<512x1xi1> to vector<512x16xi1>
    %broadcast_in_dim3A_92 = vector.broadcast %jit3A : f32 to vector<512x16xf32>
    %select_n3A_93 = arith.select %broadcast_in_dim3A_91, %div3A_83, %broadcast_in_dim3A_92 : vector<512x16xi1>, vector<512x16xf32>
    %broadcast_in_dim3A_94 = arith.constant 0.000000e+00 : f32
    %broadcast_in_dim3A_95 = vector.broadcast %broadcast_in_dim3A_94 : f32 to vector<512x112xf32>
    %concatenate3A = tpu.concatenate %select_n3A_93, %broadcast_in_dim3A_95 in 1 : vector<512x16xf32>, vector<512x112xf32> -> vector<512x128xf32>
    %swap3A = arith.constant 0 : index
    %swap3A_96 = arith.constant 0 : index
    %swap3A_97 = vector.load %arg7[%swap3A, %swap3A_96] : memref<512x128xf32, #tpu.memory_space<vmem>>, vector<512x128xf32>
    tpu.vector_store %arg7[%swap3A, %swap3A_96], %concatenate3A {strides = array<i32>} : memref<512x128xf32, #tpu.memory_space<vmem>>, vector<512x128xf32>,
    %reduce_max3A_98 = arith.constant dense<0xFF800000> : vector<512xf32>
    %reduce_max3A_99 = vector.multi_reduction <maximumf>, %mul3A_44, %reduce_max3A_98 [1] : vector<512x256xf32> to vector<512xf32>
    %broadcast_in_dim3A_100 = vector.shape_cast %reduce_max3A_99 : vector<512xf32> to vector<512x1xf32>
    %sub3A_101 = vector.broadcast %broadcast_in_dim3A_100 : vector<512x1xf32> to vector<512x256xf32>
    %sub3A_102 = arith.subf %mul3A_44, %sub3A_101 : vector<512x256xf32>
    %exp3A_103 = math.exp %sub3A_102 : vector<512x256xf32>
    %reduce_sum3A_104 = arith.constant dense<0.000000e+00> : vector<512xf32>
    %reduce_sum3A_105 = vector.multi_reduction <add>, %exp3A_103, %reduce_sum3A_104 [1] : vector<512x256xf32> to vector<512xf32>
    %broadcast_in_dim3A_106 = vector.shape_cast %reduce_sum3A_105 : vector<512xf32> to vector<512x1xf32>
    %log3A = math.log %broadcast_in_dim3A_106 : vector<512x1xf32>
    %add3A_107 = arith.addf %broadcast_in_dim3A_100, %log3A : vector<512x1xf32>
    %mul3A_108 = arith.mulf %mul3A_65, %mul3A_44 : vector<512x256xf32>
    %reduce_sum3A_109 = arith.constant dense<0.000000e+00> : vector<512xf32>
    %reduce_sum3A_110 = vector.multi_reduction <add>, %mul3A_108, %reduce_sum3A_109 [1] : vector<512x256xf32> to vector<512xf32>
    %broadcast_in_dim3A_111 = vector.shape_cast %reduce_sum3A_110 : vector<512xf32> to vector<512x1xf32>
    %neg3A = arith.constant 0.000000e+00 : f32
    %neg3A_112 = vector.broadcast %neg3A : f32 to vector<512x1xf32>
    %neg3A_113 = arith.subf %neg3A_112, %broadcast_in_dim3A_111 : vector<512x1xf32>
    %reduce_sum3A_114 = arith.constant dense<0.000000e+00> : vector<512xf32>
    %reduce_sum3A_115 = vector.multi_reduction <add>, %mul3A_65, %reduce_sum3A_114 [1] : vector<512x256xf32> to vector<512xf32>
    %broadcast_in_dim3A_116 = vector.shape_cast %reduce_sum3A_115 : vector<512xf32> to vector<512x1xf32>
    %mul3A_117 = arith.mulf %add3A_107, %broadcast_in_dim3A_116 : vector<512x1xf32>
    %add3A_118 = arith.addf %neg3A_113, %mul3A_117 : vector<512x1xf32>
    %jit3A_119 = arith.constant 0.000000e+00 : f32
    %broadcast_in_dim3A_120 = vector.broadcast %jit3A_119 : f32 to vector<512x1xf32>
    %select_n3A_121 = arith.select %lt3A_89, %add3A_118, %broadcast_in_dim3A_120 : vector<512x1xi1>, vector<512x1xf32>
    %eq3A = arith.constant 0 : i32
    %eq3A_122 = arith.cmpi eq, %arg0, %eq3A : i32
    %convert_element_type3A = arith.extui %eq3A_122 : i1 to i32
    %cond3A = arith.constant 0 : i32
    %cond3A_123 = arith.cmpi ne, %convert_element_type3A, %cond3A : i32
    scf.if %cond3A_123 {
      %broadcast_in_dim3A_147 = arith.constant 0.000000e+00 : f32
      %broadcast_in_dim3A_148 = vector.broadcast %broadcast_in_dim3A_147 : f32 to vector<1x1xf32>
      %swap3A_149 = arith.constant 0 : index
      %swap3A_150 = arith.constant 0 : index
      %swap3A_151 = vector.load %arg8[%swap3A_149, %swap3A_150] : memref<1x1xf32, #tpu.memory_space<vmem>>, vector<1x1xf32>
      tpu.vector_store %arg8[%swap3A_149, %swap3A_150], %broadcast_in_dim3A_148 {strides = array<i32>} : memref<1x1xf32, #tpu.memory_space<vmem>>, vector<1x1xf32>,
      %broadcast_in_dim3A_152 = arith.constant 0.000000e+00 : f32
      %broadcast_in_dim3A_153 = vector.broadcast %broadcast_in_dim3A_152 : f32 to vector<1x16xf32>
      %swap3A_154 = arith.constant 0 : index
      %swap3A_155 = arith.constant 0 : index
      %swap3A_156 = vector.load %arg9[%swap3A_154, %swap3A_155] : memref<1x16xf32, #tpu.memory_space<vmem>>, vector<1x16xf32>
      tpu.vector_store %arg9[%swap3A_154, %swap3A_155], %broadcast_in_dim3A_153 {strides = array<i32>} : memref<1x16xf32, #tpu.memory_space<vmem>>, vector<1x16xf32>,
    } else {
    }
    %get3A_124 = arith.constant 0 : index
    %get3A_125 = arith.constant 0 : index
    %get3A_126 = vector.load %arg8[%get3A_124, %get3A_125] : memref<1x1xf32, #tpu.memory_space<vmem>>, vector<1x1xf32>
    %reduce_sum3A_127 = vector.shape_cast %select_n3A_121 : vector<512x1xf32> to vector<1x512x1xf32>
    %reduce_sum3A_128 = arith.constant dense<0.000000e+00> : vector<1xf32>
    %reduce_sum3A_129 = vector.multi_reduction <add>, %reduce_sum3A_127, %reduce_sum3A_128 [1, 2] : vector<1x512x1xf32> to vector<1xf32>
    %reduce_sum3A_130 = vector.shape_cast %reduce_sum3A_129 : vector<1xf32> to vector<1x1x1xf32>
    %reduce_sum3A_131 = vector.extract %reduce_sum3A_130[0, 0, 0] : f32 from vector<1x1x1xf32>
    %broadcast_in_dim3A_132 = vector.broadcast %reduce_sum3A_131 : f32 to vector<1x1xf32>
    %add3A_133 = arith.addf %get3A_126, %broadcast_in_dim3A_132 : vector<1x1xf32>
    %swap3A_134 = arith.constant 0 : index
    %swap3A_135 = arith.constant 0 : index
    %swap3A_136 = vector.load %arg8[%swap3A_134, %swap3A_135] : memref<1x1xf32, #tpu.memory_space<vmem>>, vector<1x1xf32>
    tpu.vector_store %arg8[%swap3A_134, %swap3A_135], %add3A_133 {strides = array<i32>} : memref<1x1xf32, #tpu.memory_space<vmem>>, vector<1x1xf32>,
    %get3A_137 = arith.constant 0 : index
    %get3A_138 = arith.constant 0 : index
    %get3A_139 = vector.load %arg9[%get3A_137, %get3A_138] : memref<1x16xf32, #tpu.memory_space<vmem>>, vector<1x16xf32>
    %reduce_sum3A_140 = arith.constant dense<0.000000e+00> : vector<16xf32>
    %reduce_sum3A_141 = vector.multi_reduction <add>, %select_n3A_93, %reduce_sum3A_140 [0] : vector<512x16xf32> to vector<16xf32>
    %broadcast_in_dim3A_142 = vector.shape_cast %reduce_sum3A_141 : vector<16xf32> to vector<1x16xf32>
    %add3A_143 = arith.addf %get3A_139, %broadcast_in_dim3A_142 : vector<1x16xf32>
    %swap3A_144 = arith.constant 0 : index
    %swap3A_145 = arith.constant 0 : index
    %swap3A_146 = vector.load %arg9[%swap3A_144, %swap3A_145] : memref<1x16xf32, #tpu.memory_space<vmem>>, vector<1x16xf32>
    tpu.vector_store %arg9[%swap3A_144, %swap3A_145], %add3A_143 {strides = array<i32>} : memref<1x16xf32, #tpu.memory_space<vmem>>, vector<1x16xf32>,
    return
  }
  func.func @transform_0(%arg0: i32) -> (i32, i32, i32) {
    %c0_i32 = arith.constant 0 : i32
    %c0_i32_0 = arith.constant 0 : i32
    %c0_i32_1 = arith.constant 0 : i32
    return %c0_i32, %arg0, %c0_i32_0 : i32, i32, i32
  }
  func.func @transform_1(%arg0: i32) -> (i32, i32, i32) {
    %c0_i32 = arith.constant 0 : i32
    %c0_i32_0 = arith.constant 0 : i32
    %c0_i32_1 = arith.constant 0 : i32
    return %c0_i32, %arg0, %c0_i32_0 : i32, i32, i32
  }
  func.func @transform_2(%arg0: i32) -> (i32, i32) {
    %c0_i32 = arith.constant 0 : i32
    %c0_i32_0 = arith.constant 0 : i32
    %c0_i32_1 = arith.constant 0 : i32
    return %c0_i32, %c0_i32_0 : i32, i32
  }
  func.func @transform_3(%arg0: i32) -> (i32, i32) {
    %c0_i32 = arith.constant 0 : i32
    %c0_i32_0 = arith.constant 0 : i32
    %c0_i32_1 = arith.constant 0 : i32
    return %c0_i32, %c0_i32_0 : i32, i32
  }
  func.func @transform_4(%arg0: i32) -> (i32, i32) {
    %c0_i32 = arith.constant 0 : i32
    %c0_i32_0 = arith.constant 0 : i32
    %c0_i32_1 = arith.constant 0 : i32
    return %c0_i32, %c0_i32_0 : i32, i32
  }
  func.func @transform_5(%arg0: i32) -> (i32, i32) {
    %c0_i32 = arith.constant 0 : i32
    %c0_i32_0 = arith.constant 0 : i32
    %c0_i32_1 = arith.constant 0 : i32
    return %c0_i32, %c0_i32_0 : i32, i32
  }
  func.func @transform_6(%arg0: i32) -> (i32, i32) {
    %c0_i32 = arith.constant 0 : i32
    %c0_i32_0 = arith.constant 0 : i32
    return %arg0, %c0_i32 : i32, i32
  }
  func.func @transform_7(%arg0: i32) -> (i32, i32) {
    %c0_i32 = arith.constant 0 : i32
    %c0_i32_0 = arith.constant 0 : i32
    %c0_i32_1 = arith.constant 0 : i32
    return %c0_i32, %c0_i32_0 : i32, i32
  }
  func.func @transform_8(%arg0: i32) -> (i32, i32) {
    %c0_i32 = arith.constant 0 : i32
    %c0_i32_0 = arith.constant 0 : i32
    %c0_i32_1 = arith.constant 0 : i32
    return %c0_i32, %c0_i32_0 : i32, i32
  }
}

module attributes {stable_mosaic.version = 14 : i64} {
  func.func @_final_kernel(%arg0: i32, %arg1: memref<2x512x128xf32, #tpu.memory_space<vmem>>, %arg2: memref<512x128xf32, #tpu.memory_space<vmem>>, %arg3: memref<2x512x128xf32, #tpu.memory_space<vmem>>, %arg4: memref<1x1xf32, #tpu.memory_space<vmem>>, %arg5: memref<1x16xf32, #tpu.memory_space<vmem>>, %arg6: memref<1x1xf32, #tpu.memory_space<vmem>>, %arg7: memref<1x1xf32, #tpu.memory_space<vmem>>, %arg8: memref<1x128xf32, #tpu.memory_space<vmem>>) attributes {dimension_semantics = [#tpu.dimension_semantics<arbitrary>], iteration_bounds = array<i64: 20>, scalar_prefetch = 0 : i64, scratch_operands = 0 : i64, tpu.core_type = #tpu.core_type<tc>, window_params = [{transform_indices = @transform_0, window_bounds = array<i64: 2, 512, 128>}, {transform_indices = @transform_1, window_bounds = array<i64: 512, 128>}, {transform_indices = @transform_2, window_bounds = array<i64: 2, 512, 128>}, {pipeline_mode = #tpu.pipeline_mode<synchronous>, transform_indices = @transform_3, window_bounds = array<i64: 1, 1>}, {pipeline_mode = #tpu.pipeline_mode<synchronous>, transform_indices = @transform_4, window_bounds = array<i64: 1, 16>}, {pipeline_mode = #tpu.pipeline_mode<synchronous>, transform_indices = @transform_5, window_bounds = array<i64: 1, 1>}, {pipeline_mode = #tpu.pipeline_mode<synchronous>, transform_indices = @transform_6, window_bounds = array<i64: 1, 1>}, {pipeline_mode = #tpu.pipeline_mode<synchronous>, transform_indices = @transform_7, window_bounds = array<i64: 1, 128>}]} {
    %get3A = arith.constant 0 : index
    %get3A_0 = arith.constant 0 : index
    %get3A_1 = arith.constant 0 : index
    %get3A_2 = vector.load %arg1[%get3A, %get3A_0, %get3A_1] : memref<2x512x128xf32, #tpu.memory_space<vmem>>, vector<1x512x128xf32>
    %get3A_3 = vector.shape_cast %get3A_2 : vector<1x512x128xf32> to vector<512x128xf32>
    %get3A_4 = arith.constant 1 : index
    %get3A_5 = arith.constant 0 : index
    %get3A_6 = arith.constant 0 : index
    %get3A_7 = vector.load %arg1[%get3A_4, %get3A_5, %get3A_6] : memref<2x512x128xf32, #tpu.memory_space<vmem>>, vector<1x512x128xf32>
    %get3A_8 = vector.shape_cast %get3A_7 : vector<1x512x128xf32> to vector<512x128xf32>
    %add3A = arith.addf %get3A_3, %get3A_8 : vector<512x128xf32>
    %get3A_9 = arith.constant 0 : index
    %get3A_10 = arith.constant 0 : index
    %get3A_11 = vector.load %arg2[%get3A_9, %get3A_10] : memref<512x128xf32, #tpu.memory_space<vmem>>, vector<512x128xf32>
    %mul3A = arith.constant 512 : i32
    %mul3A_12 = arith.muli %arg0, %mul3A : i32
    %iota3A = tpu.iota {dimensions = array<i32: 0>} : vector<512x1xi32>
    %add3A_13 = vector.broadcast %mul3A_12 : i32 to vector<512x1xi32>
    %add3A_14 = arith.addi %add3A_13, %iota3A : vector<512x1xi32>
    %lt3A = arith.constant 10000 : i32
    %lt3A_15 = vector.broadcast %lt3A : i32 to vector<512x1xi32>
    %lt3A_16 = arith.cmpi slt, %add3A_14, %lt3A_15 : vector<512x1xi32>
    %mul3A_17 = arith.mulf %add3A, %get3A_11 : vector<512x128xf32>
    %jit3A = arith.constant 0.000000e+00 : f32
    %broadcast_in_dim3A = vector.shape_cast %lt3A_16 : vector<512x1xi1> to vector<512x1xi1>
    %broadcast_in_dim3A_18 = vector.broadcast %broadcast_in_dim3A : vector<512x1xi1> to vector<512x128xi1>
    %broadcast_in_dim3A_19 = vector.broadcast %jit3A : f32 to vector<512x128xf32>
    %select_n3A = arith.select %broadcast_in_dim3A_18, %mul3A_17, %broadcast_in_dim3A_19 : vector<512x128xi1>, vector<512x128xf32>
    %get3A_20 = arith.constant 0 : index
    %get3A_21 = arith.constant 0 : index
    %get3A_22 = arith.constant 0 : index
    %get3A_23 = vector.load %arg3[%get3A_20, %get3A_21, %get3A_22] : memref<2x512x128xf32, #tpu.memory_space<vmem>>, vector<1x512x1xf32>
    %get3A_24 = vector.shape_cast %get3A_23 : vector<1x512x1xf32> to vector<512x1xf32>
    %get3A_25 = arith.constant 1 : index
    %get3A_26 = arith.constant 0 : index
    %get3A_27 = arith.constant 0 : index
    %get3A_28 = vector.load %arg3[%get3A_25, %get3A_26, %get3A_27] : memref<2x512x128xf32, #tpu.memory_space<vmem>>, vector<1x512x1xf32>
    %get3A_29 = vector.shape_cast %get3A_28 : vector<1x512x1xf32> to vector<512x1xf32>
    %add3A_30 = arith.addf %get3A_24, %get3A_29 : vector<512x1xf32>
    %jit3A_31 = arith.constant 0.000000e+00 : f32
    %broadcast_in_dim3A_32 = vector.broadcast %jit3A_31 : f32 to vector<512x1xf32>
    %select_n3A_33 = arith.select %lt3A_16, %add3A_30, %broadcast_in_dim3A_32 : vector<512x1xi1>, vector<512x1xf32>
    %eq3A = arith.constant 0 : i32
    %eq3A_34 = arith.cmpi eq, %arg0, %eq3A : i32
    %convert_element_type3A = arith.extui %eq3A_34 : i1 to i32
    %cond3A = arith.constant 0 : i32
    %cond3A_35 = arith.cmpi ne, %convert_element_type3A, %cond3A : i32
    scf.if %cond3A_35 {
      %broadcast_in_dim3A_64 = arith.constant 0.000000e+00 : f32
      %broadcast_in_dim3A_65 = vector.broadcast %broadcast_in_dim3A_64 : f32 to vector<1x1xf32>
      %swap3A_66 = arith.constant 0 : index
      %swap3A_67 = arith.constant 0 : index
      %swap3A_68 = vector.load %arg7[%swap3A_66, %swap3A_67] : memref<1x1xf32, #tpu.memory_space<vmem>>, vector<1x1xf32>
      tpu.vector_store %arg7[%swap3A_66, %swap3A_67], %broadcast_in_dim3A_65 {strides = array<i32>} : memref<1x1xf32, #tpu.memory_space<vmem>>, vector<1x1xf32>,
      %broadcast_in_dim3A_69 = arith.constant 0.000000e+00 : f32
      %broadcast_in_dim3A_70 = vector.broadcast %broadcast_in_dim3A_69 : f32 to vector<1x128xf32>
      %swap3A_71 = arith.constant 0 : index
      %swap3A_72 = arith.constant 0 : index
      %swap3A_73 = vector.load %arg8[%swap3A_71, %swap3A_72] : memref<1x128xf32, #tpu.memory_space<vmem>>, vector<1x128xf32>
      tpu.vector_store %arg8[%swap3A_71, %swap3A_72], %broadcast_in_dim3A_70 {strides = array<i32>} : memref<1x128xf32, #tpu.memory_space<vmem>>, vector<1x128xf32>,
    } else {
    }
    %get3A_36 = arith.constant 0 : index
    %get3A_37 = arith.constant 0 : index
    %get3A_38 = vector.load %arg7[%get3A_36, %get3A_37] : memref<1x1xf32, #tpu.memory_space<vmem>>, vector<1x1xf32>
    %reduce_sum3A = vector.shape_cast %select_n3A : vector<512x128xf32> to vector<1x512x128xf32>
    %reduce_sum3A_39 = arith.constant dense<0.000000e+00> : vector<1xf32>
    %reduce_sum3A_40 = vector.multi_reduction <add>, %reduce_sum3A, %reduce_sum3A_39 [1, 2] : vector<1x512x128xf32> to vector<1xf32>
    %reduce_sum3A_41 = vector.shape_cast %reduce_sum3A_40 : vector<1xf32> to vector<1x1x1xf32>
    %reduce_sum3A_42 = vector.extract %reduce_sum3A_41[0, 0, 0] : f32 from vector<1x1x1xf32>
    %broadcast_in_dim3A_43 = vector.broadcast %reduce_sum3A_42 : f32 to vector<1x1xf32>
    %add3A_44 = arith.addf %get3A_38, %broadcast_in_dim3A_43 : vector<1x1xf32>
    %swap3A = arith.constant 0 : index
    %swap3A_45 = arith.constant 0 : index
    %swap3A_46 = vector.load %arg7[%swap3A, %swap3A_45] : memref<1x1xf32, #tpu.memory_space<vmem>>, vector<1x1xf32>
    tpu.vector_store %arg7[%swap3A, %swap3A_45], %add3A_44 {strides = array<i32>} : memref<1x1xf32, #tpu.memory_space<vmem>>, vector<1x1xf32>,
    %get3A_47 = arith.constant 0 : index
    %get3A_48 = arith.constant 0 : index
    %get3A_49 = vector.load %arg8[%get3A_47, %get3A_48] : memref<1x128xf32, #tpu.memory_space<vmem>>, vector<1x128xf32>
    %mul3A_50 = vector.broadcast %select_n3A_33 : vector<512x1xf32> to vector<512x128xf32>
    %mul3A_51 = arith.mulf %mul3A_50, %get3A_11 : vector<512x128xf32>
    %reduce_sum3A_52 = arith.constant dense<0.000000e+00> : vector<128xf32>
    %reduce_sum3A_53 = vector.multi_reduction <add>, %mul3A_51, %reduce_sum3A_52 [0] : vector<512x128xf32> to vector<128xf32>
    %broadcast_in_dim3A_54 = vector.shape_cast %reduce_sum3A_53 : vector<128xf32> to vector<1x128xf32>
    %add3A_55 = arith.addf %get3A_49, %broadcast_in_dim3A_54 : vector<1x128xf32>
    %swap3A_56 = arith.constant 0 : index
    %swap3A_57 = arith.constant 0 : index
    %swap3A_58 = vector.load %arg8[%swap3A_56, %swap3A_57] : memref<1x128xf32, #tpu.memory_space<vmem>>, vector<1x128xf32>
    tpu.vector_store %arg8[%swap3A_56, %swap3A_57], %add3A_55 {strides = array<i32>} : memref<1x128xf32, #tpu.memory_space<vmem>>, vector<1x128xf32>,
    %eq3A_59 = arith.constant 19 : i32
    %eq3A_60 = arith.cmpi eq, %arg0, %eq3A_59 : i32
    %convert_element_type3A_61 = arith.extui %eq3A_60 : i1 to i32
    %cond3A_62 = arith.constant 0 : i32
    %cond3A_63 = arith.cmpi ne, %convert_element_type3A_61, %cond3A_62 : i32
    scf.if %cond3A_63 {
      %get3A_64 = arith.constant 0 : index
      %get3A_65 = arith.constant 0 : index
      %get3A_66 = vector.load %arg7[%get3A_64, %get3A_65] : memref<1x1xf32, #tpu.memory_space<vmem>>, vector<1x1xf32>
      %get3A_67 = arith.constant 0 : index
      %get3A_68 = arith.constant 0 : index
      %get3A_69 = vector.load %arg8[%get3A_67, %get3A_68] : memref<1x128xf32, #tpu.memory_space<vmem>>, vector<1x128xf32>
      %integer_pow3A = arith.mulf %get3A_69, %get3A_69 : vector<1x128xf32>
      %reduce_sum3A_70 = vector.shape_cast %integer_pow3A : vector<1x128xf32> to vector<1x1x128xf32>
      %reduce_sum3A_71 = arith.constant dense<0.000000e+00> : vector<1xf32>
      %reduce_sum3A_72 = vector.multi_reduction <add>, %reduce_sum3A_70, %reduce_sum3A_71 [1, 2] : vector<1x1x128xf32> to vector<1xf32>
      %reduce_sum3A_73 = vector.shape_cast %reduce_sum3A_72 : vector<1xf32> to vector<1x1x1xf32>
      %reduce_sum3A_74 = vector.extract %reduce_sum3A_73[0, 0, 0] : f32 from vector<1x1x1xf32>
      %div3A = arith.constant 6.400000e+05 : f32
      %div3A_75 = arith.divf %reduce_sum3A_74, %div3A : f32
      %sub3A = vector.broadcast %div3A_75 : f32 to vector<1x1xf32>
      %sub3A_76 = arith.subf %get3A_66, %sub3A : vector<1x1xf32>
      %neg3A = arith.constant 0.000000e+00 : f32
      %neg3A_77 = vector.broadcast %neg3A : f32 to vector<1x1xf32>
      %neg3A_78 = arith.subf %neg3A_77, %sub3A_76 : vector<1x1xf32>
      %div3A_79 = arith.constant 6.400000e+05 : f32
      %div3A_80 = vector.broadcast %div3A_79 : f32 to vector<1x1xf32>
      %div3A_81 = arith.divf %neg3A_78, %div3A_80 : vector<1x1xf32>
      %get3A_82 = arith.constant 0 : index
      %get3A_83 = arith.constant 0 : index
      %get3A_84 = vector.load %arg5[%get3A_82, %get3A_83] : memref<1x16xf32, #tpu.memory_space<vmem>>, vector<1x16xf32>
      %integer_pow3A_85 = arith.mulf %get3A_84, %get3A_84 : vector<1x16xf32>
      %reduce_sum3A_86 = vector.shape_cast %integer_pow3A_85 : vector<1x16xf32> to vector<1x1x16xf32>
      %reduce_sum3A_87 = arith.constant dense<0.000000e+00> : vector<1xf32>
      %reduce_sum3A_88 = vector.multi_reduction <add>, %reduce_sum3A_86, %reduce_sum3A_87 [1, 2] : vector<1x1x16xf32> to vector<1xf32>
      %reduce_sum3A_89 = vector.shape_cast %reduce_sum3A_88 : vector<1xf32> to vector<1x1x1xf32>
      %reduce_sum3A_90 = vector.extract %reduce_sum3A_89[0, 0, 0] : f32 from vector<1x1x1xf32>
      %sqrt3A = math.sqrt %reduce_sum3A_90 : f32
      %div3A_91 = arith.constant 1.000000e+04 : f32
      %div3A_92 = arith.divf %sqrt3A, %div3A_91 : f32
      %mul3A_93 = arith.constant 4.000000e+00 : f32
      %mul3A_94 = arith.mulf %div3A_92, %mul3A_93 : f32
      %sub3A_95 = arith.constant 1.000000e+00 : f32
      %sub3A_96 = arith.subf %mul3A_94, %sub3A_95 : f32
      %get3A_97 = arith.constant 0 : index
      %get3A_98 = arith.constant 0 : index
      %get3A_99 = vector.load %arg4[%get3A_97, %get3A_98] : memref<1x1xf32, #tpu.memory_space<vmem>>, vector<1x1xf32>
      %div3A_100 = arith.constant 1.000000e+04 : f32
      %div3A_101 = vector.broadcast %div3A_100 : f32 to vector<1x1xf32>
      %div3A_102 = arith.divf %get3A_99, %div3A_101 : vector<1x1xf32>
      %add3A_103 = vector.broadcast %sub3A_96 : f32 to vector<1x1xf32>
      %add3A_104 = arith.addf %div3A_81, %add3A_103 : vector<1x1xf32>
      %add3A_105 = arith.addf %add3A_104, %div3A_102 : vector<1x1xf32>
      %swap3A_106 = arith.constant 0 : index
      %swap3A_107 = arith.constant 0 : index
      %swap3A_108 = vector.load %arg6[%swap3A_106, %swap3A_107] : memref<1x1xf32, #tpu.memory_space<vmem>>, vector<1x1xf32>
      tpu.vector_store %arg6[%swap3A_106, %swap3A_107], %add3A_105 {strides = array<i32>} : memref<1x1xf32, #tpu.memory_space<vmem>>, vector<1x1xf32>,
    } else {
    }
    return
  }
  func.func @transform_0(%arg0: i32) -> (i32, i32, i32) {
    %c0_i32 = arith.constant 0 : i32
    %c0_i32_0 = arith.constant 0 : i32
    %c0_i32_1 = arith.constant 0 : i32
    return %c0_i32, %arg0, %c0_i32_0 : i32, i32, i32
  }
  func.func @transform_1(%arg0: i32) -> (i32, i32) {
    %c0_i32 = arith.constant 0 : i32
    %c0_i32_0 = arith.constant 0 : i32
    return %arg0, %c0_i32 : i32, i32
  }
  func.func @transform_2(%arg0: i32) -> (i32, i32, i32) {
    %c0_i32 = arith.constant 0 : i32
    %c0_i32_0 = arith.constant 0 : i32
    %c0_i32_1 = arith.constant 0 : i32
    return %c0_i32, %arg0, %c0_i32_0 : i32, i32, i32
  }
  func.func @transform_3(%arg0: i32) -> (i32, i32) {
    %c0_i32 = arith.constant 0 : i32
    %c0_i32_0 = arith.constant 0 : i32
    %c0_i32_1 = arith.constant 0 : i32
    return %c0_i32, %c0_i32_0 : i32, i32
  }
  func.func @transform_4(%arg0: i32) -> (i32, i32) {
    %c0_i32 = arith.constant 0 : i32
    %c0_i32_0 = arith.constant 0 : i32
    %c0_i32_1 = arith.constant 0 : i32
    return %c0_i32, %c0_i32_0 : i32, i32
  }
  func.func @transform_5(%arg0: i32) -> (i32, i32) {
    %c0_i32 = arith.constant 0 : i32
    %c0_i32_0 = arith.constant 0 : i32
    %c0_i32_1 = arith.constant 0 : i32
    return %c0_i32, %c0_i32_0 : i32, i32
  }
  func.func @transform_6(%arg0: i32) -> (i32, i32) {
    %c0_i32 = arith.constant 0 : i32
    %c0_i32_0 = arith.constant 0 : i32
    %c0_i32_1 = arith.constant 0 : i32
    return %c0_i32, %c0_i32_0 : i32, i32
  }
  func.func @transform_7(%arg0: i32) -> (i32, i32) {
    %c0_i32 = arith.constant 0 : i32
    %c0_i32_0 = arith.constant 0 : i32
    %c0_i32_1 = arith.constant 0 : i32
    return %c0_i32, %c0_i32_0 : i32, i32
  }
}

</mosaic_0001>

<sc_bundles>
// kernel: kernel.11.cloned.1.call-start
scs
__scs_entry_jumppad:
0x0: {  	(pc) =	sbr.rel $0x88, $3  }
0x1: {  	(tag) =	ssettag $0x0;
	lr =	simm.s32 $0x1  }
0x2: {  	[smem:$0x3F9A] =	sst lr;
	_ =	strace $0xD0000000  }
0x3: {  	_ = 	snop  }
0x4: {  	_ = 	snop  }
0x5: {  	_ = 	snop  }
0x6: {  	_ = 	snop  }
0x7: {  	_ = 	snop  }
__scs_overlays_trampoline_lowered:
0x8: {  	[smem:$0x3FA9] =	sst s0  }
0x9: {  	[smem:$0x3FAA] =	sst s1  }
0xa: {  	[smem:$0x3FAB] =	sst s2  }
0xb: {  	[smem:$0x3FAC] =	sst s3  }
0xc: {  	[smem:$0x3FAD] =	sst s4  }
0xd: {  	[smem:$0x3FAE] =	sst s5  }
0xe: {  	[smem:$0x3FAF] =	sst s6  }
0xf: {  	[smem:$0x3FB0] =	sst s7  }
0x10: {  	[smem:$0x3FB1] =	sst s8  }
0x11: {  	[smem:$0x3FB2] =	sst s9;
	s0 =	simm.s32 @!p0 $0x0  }
0x12: {  	s1 =	sld [smem:$0x3F98];
	s0 =	simm.s32 @p0 $0x1  }
0x13: {  	[smem:$0x3FB3] =	sst s0;
	s0 =	simm.s32 @!p1 $0x0  }
0x14: {  	s2 =	sld [smem:$0x3F97];
	s0 =	simm.s32 @p1 $0x1  }
0x15: {  	[smem:$0x3FB4] =	sst s0;
	s0 =	simm.s32 @!p2 $0x0  }
0x16: {  	s3 =	sld [smem:$0x3FDB];
	s0 =	simm.s32 @p2 $0x1  }
0x17: {  	s4 =	simm.s32 $0x1BF5;
	[smem:$0x3FB6] =	sst s0  }
0x18: {  	s0 =	sld [smem:$0x3F99];
	_ =	swait.ge [sflag:s4], $0x0  }
0x19: {  	s7 =	sld [smem:$0x3F9A]  }
0x1a: {  	s8 =	sadd.s32 $0xFFFFE003, lr  }
0x1b: {  	s9 =	sadd.s32 $0xFFFFFEF7, lr;
	s5 =	simm.s32 $0xFFFFFFFF;
	p2 =	slt.u32 s8, $0xFFFFF086  }
0x1c: {  	p1 =	slt.u32 s9, $0xF7A;
	s5 =	simm.s32 @!p2 $0x0  }
0x1d: {  	s5 =	simm.s32 @p1 $0x1;
	p0 =	seq.s32 s7, s2  }
0x1e: {  	s7 =	smul.u32 @!p0 $0xF7A, s2;
	p2 =	seq.s32 @!p0 s5, $0x0  }
0x1f: {  	s9 =	smul.u32 $0xF7A, s1;
	s8 =	simm.s32 @!p0 $0x1BF5;
	p2 =	por !p2, p0  }
0x20: {  	[sflag:s8] =	ssyncset.s32 @!p0 $0xFFFFF086;
	s6 =	sadd.s32 @!p0 s3, s7;
	s7 =	simm.s32 @!p0 $0x108  }
0x21: {  	s3 =	sadd.s32 s3, s9;
	s6 =	sadd.s32 @!p0 $0x88, s6;
	s7 =	simm.s32 @p2 $0x1082  }
0x22: {  	[simem:s7], [sflag:s8] =	dma.local @!p0 [hbm:s6], $0xF7A  }
0x23: {  	s9 =	sor.u32 $0xD0000000, s2;
	s6 =	simm.s32 $0x108;
	_ =	swait.ge @!p0 [sflag:s8], $0x0  }
0x24: {  	s3 =	sadd.s32 $0x88, s3;
	s6 =	simm.s32 @!p1 $0x1082;
	[sflag:s4] =	ssyncset.s32 $0xFFFFF086  }
0x25: {  	[simem:s6], [sflag:s4] =	dma.local [hbm:s3], $0xF7A  }
0x26: {  	[smem:$0x3F9A] =	sst s1;
	(tag) =	ssettag s2;
	_ =	strace s9  }
0x27: {  	s1 =	sld [smem:$0x3FAA]  }
0x28: {  	s2 =	sld [smem:$0x3FAB]  }
0x29: {  	s4 =	sld [smem:$0x3FAD]  }
0x2a: {  	p0 =	seq.s32 s5, $0x0;
	s5 =	sld [smem:$0x3FAE]  }
0x2b: {  	s6 =	sld [smem:$0x3FAF]  }
0x2c: {  	s7 =	sld [smem:$0x3FB0]  }
0x2d: {  	s3 =	simm.s32 $0x108;
	s8 =	sld [smem:$0x3FB1]  }
0x2e: {  	s3 =	simm.s32 @!p0 $0x1082;
	s9 =	sld [smem:$0x3FB2]  }
0x2f: {  	lr =	sadd.s32 s0, s3;
	s0 =	sld [smem:$0x3FA9]  }
0x30: {  	s3 =	sld [smem:$0x3FAC]  }
0x31: {  	[smem:$0x3FB5] =	sst s10  }
0x32: {  	s10 =	sld [smem:$0x3FB3];
	_ =	sdelay $0x3  }
0x33: {  	p0 =	seq.s32 s10, $0x1;
	s10 =	sld [smem:$0x3FB5];
	_ =	sdelay $0x3  }
0x34: {  	[smem:$0x3FB5] =	sst s10  }
0x35: {  	s10 =	sld [smem:$0x3FB4];
	_ =	sdelay $0x3  }
0x36: {  	p1 =	seq.s32 s10, $0x1;
	s10 =	sld [smem:$0x3FB5];
	_ =	sdelay $0x3  }
0x37: {  	[smem:$0x3FB5] =	sst s10  }
0x38: {  	s10 =	sld [smem:$0x3FB6]  }
0x39: {  	_ = 	snop;
	(pc) =	sbr.ind lr, $3  }
0x3a: {  	_ = 	snop  }
0x3b: {  	_ = 	snop  }
0x3c: {  	p2 =	seq.s32 s10, $0x1;
	s10 =	sld [smem:$0x3FB5]  }
0x3d: {  	_ =	shalt  }
0x3e: {  	_ =	shalt  }
0x3f: {  	_ =	shalt  }
0x40: {  	_ =	shalt  }
0x41: {  	_ =	shalt  }
0x42: {  	_ =	shalt  }
0x43: {  	_ =	shalt  }
0x44: {  	_ =	shalt  }
0x45: {  	_ =	shalt  }
0x46: {  	_ =	shalt  }
0x47: {  	_ =	shalt  }
0x48: {  	_ =	shalt  }
0x49: {  	_ =	shalt  }
0x4a: {  	_ =	shalt  }
0x4b: {  	_ =	shalt  }
0x4c: {  	_ =	shalt  }
0x4d: {  	_ =	shalt  }
0x4e: {  	_ =	shalt  }
0x4f: {  	_ =	shalt  }
0x50: {  	_ =	shalt  }
0x51: {  	_ =	shalt  }
0x52: {  	_ =	shalt  }
0x53: {  	_ =	shalt  }
0x54: {  	_ =	shalt  }
0x55: {  	_ =	shalt  }
0x56: {  	_ =	shalt  }
0x57: {  	_ =	shalt  }
0x58: {  	_ =	shalt  }
0x59: {  	_ =	shalt  }
0x5a: {  	_ =	shalt  }
0x5b: {  	_ =	shalt  }
0x5c: {  	_ =	shalt  }
0x5d: {  	_ =	shalt  }
0x5e: {  	_ =	shalt  }
0x5f: {  	_ =	shalt  }
0x60: {  	_ =	shalt  }
0x61: {  	_ =	shalt  }
0x62: {  	_ =	shalt  }
0x63: {  	_ =	shalt  }
0x64: {  	_ =	shalt  }
0x65: {  	_ =	shalt  }
0x66: {  	_ =	shalt  }
0x67: {  	_ =	shalt  }
0x68: {  	_ =	shalt  }
0x69: {  	_ =	shalt  }
0x6a: {  	_ =	shalt  }
0x6b: {  	_ =	shalt  }
0x6c: {  	_ =	shalt  }
0x6d: {  	_ =	shalt  }
0x6e: {  	_ =	shalt  }
0x6f: {  	_ =	shalt  }
0x70: {  	_ =	shalt  }
0x71: {  	_ =	shalt  }
0x72: {  	_ =	shalt  }
0x73: {  	_ =	shalt  }
0x74: {  	_ =	shalt  }
0x75: {  	_ =	shalt  }
0x76: {  	_ =	shalt  }
0x77: {  	_ =	shalt  }
0x78: {  	_ =	shalt  }
0x79: {  	_ =	shalt  }
0x7a: {  	_ =	shalt  }
0x7b: {  	_ =	shalt  }
0x7c: {  	_ =	shalt  }
0x7d: {  	_ =	shalt  }
0x7e: {  	_ =	shalt  }
0x7f: {  	_ =	shalt  }
0x80: {  	_ =	shalt  }
0x81: {  	_ =	shalt  }
0x82: {  	_ =	shalt  }
0x83: {  	_ =	shalt  }
0x84: {  	_ =	shalt  }
0x85: {  	_ =	shalt  }
0x86: {  	_ =	shalt  }
0x87: {  	_ =	shalt  }
.Lfunc_end0:
.L_simem_size_0:
called_computation.1_lowered:
.L_overlay_start_0:
0x88: {  	s2 =	sld [smem:$0x3FD9]  }
0x89: {  	s3 =	sld [smem:$0x3FFE];
	_ =	sdelay $0x1  }
0x8a: {  	s1 =	srdreg.scid  }
0x8b: {  	s0 =	sand.u32 $0x1, s1  }
0x8c: {  	s16 =	sshll.u32 s0, $0xA;
	s2 =	sadd.s32 s3, s2  }
0x8d: {  	s2 =	sadd.s32 s2, s16  }
0x8e: {  	[smem:$0x3FC1] =	sst s2  }
0x8f: {  	_ = 	snop  }
0x90: {  	(tm) =	ssettm $0x1  }
0x91: {  	s17 =	sld [smem:$0x3FFB];
	_ =	sdelay $0x3  }
0x92: {  	_ =	strace s17  }
0x93: {  	s2 =	sld [smem:$0x3FFC];
	_ =	sdelay $0x3  }
0x94: {  	_ =	strace s2  }
0x95: {  	s2 =	sld [smem:$0x3FFD];
	_ =	sdelay $0x3  }
0x96: {  	_ =	strace s2  }
0x97: {  	_ =	strace $0x8FFFFFFF  }
0x98: {  	s18 =	sld [smem:$0x3FDB];
	_ =	sdelay $0x1  }
0x99: {  	s19 =	simm.s32 $_scs_section_size  }
0x9a: {  	s4 =	simm.s32 $_size__tile_overlayer_lowered;
	s5 =	simm.s32 $_tile_overlayer_lowered  }
0x9b: {  	s22 =	simm.s32 $0x1BFF;
	s21 =	sshll.u32 s5, $0x1;
	s2 =	sadd.s32 s19, s18  }
0x9c: {  	s6 =	simm.s32 $0x0;
	s20 =	sshll.u32 s4, $0x1;
	s4 =	sadd.s32 s21, s2  }
0x9d: {  	[timem:s6], [sflag:s22] =	dma.local [hbm:s4], s20  }
0x9e: {  	_ =	swait.ge [sflag:s22], s20  }
0x9f: {  	s3 =	ssub.s32 $0x0, s20;
	[sflag:s22] =	ssyncset.done $0x0  }
0xa0: {  	[sflag:s22] =	ssyncadd.s32 s3;
	_ =	sdelay $0x1  }
0xa1: {  	s23 =	simm.s32 $0x1B8B  }
0xa2: {  	_ =	swait.ge [sflag:s23], $0x1  }
0xa3: {  	[sflag:s23] =	ssyncset.done $0x0  }
0xa4: {  	s25 =	simm.s32 $0x1B8E;
	s24 =	sld [smem:$0x3FFE];
	[sflag:s23] =	ssyncadd.s32 $0xFFFFFFFF  }
0xa5: {  	s26 =	simm.s32 $execute0_lowered;
	[smem:$0x3FD2] =	sst s25  }
0xa6: {  	s4 =	sshll.u32 s26, $0x1;
	_ =	strace $0x8000004F;
	[dreg:$0x1] =	wrdreg $0xFFFFFFFF  }
0xa7: {  	s28 =	simm.s32 $_size_execute0_lowered;
	s2 =	sadd.s32 s2, s4;
	[dreg:$0x0] =	wrdreg $0x0  }
0xa8: {  	s4 =	sshll.u32 s28, $0x1;
	[dreg:$0x2] =	wrdreg s2  }
0xa9: {  	[dreg:$0x3] =	wrdreg s4  }
0xaa: {  	[dreg:$0x4] =	wrdreg $0xC0  }
0xab: {  	_ =	task [dreg:s6], $0x5FFFF  }
0xac: {  	[dreg:$0x1] =	wrdreg $0xFFFFFFFF  }
0xad: {  	[dreg:$0x0] =	wrdreg $0x60  }
0xae: {  	[dreg:$0x2] =	wrdreg s24  }
0xaf: {  	[dreg:$0x3] =	wrdreg $0x0  }
0xb0: {  	[dreg:$0x4] =	wrdreg $0x9  }
0xb1: {  	_ =	task.clear_ibuf [dreg:s6], $0x5FFFF;
	_ =	strace $0x9000004F  }
0xb2: {  	s29 =	simm.s32 $0x9;
	_ =	strace $0x80000057  }
0xb3: {  	_ =	swait.ge [sflag:s29], $0x1  }
0xb4: {  	[sflag:s29] =	ssyncadd.s32 $0xFFFFFFFF  }
0xb5: {  	_ =	strace $0x90000057  }
0xb6: {  	_ =	sfence  }
0xb7: {  	s30 =	sld [smem:$0x0];
	_ =	sdelay $0x2  }
0xb8: {  	s31 =	sshll.u32 s1, $0xD;
	s1 =	sshrl.u32 s1, $0x2  }
0xb9: {  	s3 =	sand.u32 $0x4000, s31;
	s1 =	sadd.s32 s1, s30  }
0xba: {  	s0 =	sor.u32 s3, s0;
	s1 =	sshll.u32 s1, $0x11  }
0xbb: {  	s0 =	sor.u32 s1, s0  }
0xbc: {  	s0 =	sadd.s32 $0x8F2B, s0  }
0xbd: {  	[sflag:s0] =	ssyncadd.remote.s32 $0x1  }
0xbe: {  	_ =	sfence.sel $0xFFFF  }
0xbf: {  	[dreg:$0x0] =	wrdreg $0xFFFFFFFF;
	(pc) =	sbr.abs _section_cstart, $3  }
0xc0: {  	[dreg:$0x1] =	wrdreg $0xFFFFFFFF  }
0xc1: {  	_ =	task.clear_ibuf [dreg:s6], $0x2FFFF;
	_ =	strace $0x9FFFFFFF  }
0xc2: {  	(tm) =	ssettm $0x7FFFFFFF  }
0xc3: {  	_ =	shalt  }
tec
execute0_lowered:
.L_overlay_start_1:
0x0: {  	(tag) =	ssettag $0x1  }
0x1: {  	s0 =	rddreg [dreg:$0x0];
	s11 =	stileid.u32  }
0x2: {  	s1 =	rddreg [dreg:$0x1];
	s7 =	smul.u32 $0x4F00, s11  }
0x3: {  	s2 =	simm.s32 $0x0;
	s3 =	srdreg.scid;
	s8 =	smul.u32 $0x300, s11  }
0x4: {  	[smem:$0x7FF] =	sst s2;
	s3 =	sand.u32 $0x1, s3;
	s17 =	smul.u32 $0x50000, s11  }
0x5: {  	s4 =	sadd.s32 $0xD400, s0;
	s5 =	sadd.s32 $0x3600, s0;
	s10 =	smul.u32 $0x4F, s11  }
0x6: {  	s6 =	smul.u32 $0x28000, s3;
	_ =	strace $0x80000050;
	s3 =	ssub.s32 $0x2, s3  }
0x7: {  	s9 =	sshrl.u32 s3, $0x1;
	s7 =	sand.u32 $0x7FC00, s7;
	s8 =	sand.u32 $0x300, s8  }
0x8: {  	[dreg:$0x3] =	wrdreg s10;
	s7 =	sor.u32 s8, s7;
	s3 =	ssub.s32 s3, s9  }
0x9: {  	s0 =	sadd.s32 s6, s0;
	s7 =	sshrl.u32 s7, $0x3;
	s3 =	smax.u32 s3, $0x1  }
0xa: {  	s6 =	sshrl.u32 s17, $0x2;
	s18 =	sadd.s32 s4, s7;
	[dreg:$0x6] =	wrdreg s3  }
0xb: {  	s6 =	sadd.s32 s6, s1;
	s7 =	sadd.s32 s5, s7;
	[dreg:$0x4] =	wrdreg s18  }
0xc: {  	s21 =	sadd.s32 $0x2000, s6;
	[dreg:$0x5] =	wrdreg s7  }
0xd: {  	s22 =	sadd.s32 $0x4000, s6;
	[dreg:$0x7] =	wrdreg s21  }
0xe: {  	s23 =	sadd.s32 $0x6000, s6;
	[dreg:$0x8] =	wrdreg s22  }
0xf: {  	s24 =	sadd.s32 $0x8000, s6;
	[dreg:$0x9] =	wrdreg s23  }
0x10: {  	s25 =	sadd.s32 $0xA000, s6;
	[dreg:$0xa] =	wrdreg s24  }
0x11: {  	s20 =	simm.s32 $0x18000;
	s26 =	sadd.s32 $0xC000, s6;
	[dreg:$0xb] =	wrdreg s25  }
0x12: {  	s28 =	simm.s32 $0x1;
	s29 =	sadd.s32 $0xE000, s6;
	[dreg:$0xc] =	wrdreg s26  }
0x13: {  	s19 =	smul.u32 $0x2800, s11;
	s30 =	sadd.s32 $0x10000, s6;
	[dreg:$0xd] =	wrdreg s29  }
0x14: {  	s9 =	sadd.s32 $0x68200, s0;
	s31 =	sadd.s32 $0x12000, s6;
	[dreg:$0xe] =	wrdreg s30  }
0x15: {  	s0 =	sadd.s32 $0xB8200, s0;
	[dreg:$0xf] =	wrdreg s31;
	s23 =	simm.s32 $0x80  }
0x16: {  	v0 =	vimm.f32 $0.0e+00;
	s24 =	sadd.s32 s19, s0;
	s25 =	simm.s32 $0x14000;
	s26 =	simm.s32 $0x5  }
.LBB2_1:
0x17: {  	s0 =	simm.s32 $0x0;
	s3 =	simm.s32 $0x200  }
.LBB2_2:
0x18: {  	p0 =	sne.s32 s3, $0x7E00;
	[tilespmem:s0+$0x18070] =	vst v0  }
0x19: {  	[tilespmem:s0+$0x18000] =	vst v0  }
0x1a: {  	[tilespmem:s0+$0x18010] =	vst v0  }
.Ltmp0:
0x1b: {  	[tilespmem:s0+$0x18020] =	vst v0;
	(pc) =	sbr.rel @p0 .LBB2_2-.Ltmp0, $4  }
0x1c: {  	[tilespmem:s0+$0x18030] =	vst v0  }
0x1d: {  	[tilespmem:s0+$0x18040] =	vst v0  }
0x1e: {  	[tilespmem:s0+$0x18050] =	vst v0  }
0x1f: {  	[tilespmem:s0+$0x18060] =	vst v0;
	s0 =	sshra.s32 s3, $0x2;
	s3 =	sadd.s32 $0x200, s3  }
0x20: {  	[tilespmem:s0+$0x18070] =	vst v0  }
0x21: {  	[tilespmem:s0+$0x18000] =	vst v0  }
0x22: {  	[tilespmem:s0+$0x18010] =	vst v0  }
0x23: {  	[tilespmem:s0+$0x18020] =	vst v0  }
0x24: {  	[tilespmem:s0+$0x18030] =	vst v0  }
0x25: {  	[tilespmem:s0+$0x18040] =	vst v0  }
0x26: {  	[tilespmem:s0+$0x18050] =	vst v0  }
0x27: {  	[tilespmem:s0+$0x18060] =	vst v0;
	s7 =	simm.s32 $0x1  }
0x28: {  	[spmem:s6] =	stream.linear.scatter [tilespmem:s20], [sflag:$0x1], $0x2000, $0x38;
	[tilespmem:$0x1A400] =	vst v63  }
0x29: {  	_ =	swait.ge [sflag:s7], $0x2000  }
0x2a: {  	[sflag:s7] =	ssyncset.done $0x0  }
0x2b: {  	s10 =	rddreg [dreg:$0x7];
	[sflag:s7] =	ssyncadd.s32 $0xFFFFE000  }
0x2c: {  	[spmem:s10] =	stream.linear.scatter [tilespmem:s20], [sflag:$0x1], $0x2000, $0x38;
	[tilespmem:$0x1A400] =	vst v63  }
0x2d: {  	_ =	swait.ge [sflag:s7], $0x2000  }
0x2e: {  	[sflag:s7] =	ssyncset.done $0x0  }
0x2f: {  	s11 =	rddreg [dreg:$0x8];
	[sflag:s7] =	ssyncadd.s32 $0xFFFFE000  }
0x30: {  	[spmem:s11] =	stream.linear.scatter [tilespmem:s20], [sflag:$0x1], $0x2000, $0x38;
	[tilespmem:$0x1A400] =	vst v63  }
0x31: {  	_ =	swait.ge [sflag:s7], $0x2000  }
0x32: {  	[sflag:s7] =	ssyncset.done $0x0  }
0x33: {  	s12 =	rddreg [dreg:$0x9];
	[sflag:s7] =	ssyncadd.s32 $0xFFFFE000  }
0x34: {  	[spmem:s12] =	stream.linear.scatter [tilespmem:s20], [sflag:$0x1], $0x2000, $0x38;
	[tilespmem:$0x1A400] =	vst v63  }
0x35: {  	_ =	swait.ge [sflag:s7], $0x2000  }
0x36: {  	[sflag:s7] =	ssyncset.done $0x0  }
0x37: {  	s13 =	rddreg [dreg:$0xa];
	[sflag:s7] =	ssyncadd.s32 $0xFFFFE000  }
0x38: {  	[spmem:s13] =	stream.linear.scatter [tilespmem:s20], [sflag:$0x1], $0x2000, $0x38;
	[tilespmem:$0x1A400] =	vst v63  }
0x39: {  	_ =	swait.ge [sflag:s7], $0x2000  }
0x3a: {  	[sflag:s7] =	ssyncset.done $0x0  }
0x3b: {  	s14 =	rddreg [dreg:$0xb];
	[sflag:s7] =	ssyncadd.s32 $0xFFFFE000  }
0x3c: {  	[spmem:s14] =	stream.linear.scatter [tilespmem:s20], [sflag:$0x1], $0x2000, $0x38;
	[tilespmem:$0x1A400] =	vst v63  }
0x3d: {  	_ =	swait.ge [sflag:s7], $0x2000  }
0x3e: {  	[sflag:s7] =	ssyncset.done $0x0  }
0x3f: {  	s15 =	rddreg [dreg:$0xc];
	[sflag:s7] =	ssyncadd.s32 $0xFFFFE000  }
0x40: {  	[spmem:s15] =	stream.linear.scatter [tilespmem:s20], [sflag:$0x1], $0x2000, $0x38;
	[tilespmem:$0x1A400] =	vst v63  }
0x41: {  	_ =	swait.ge [sflag:s7], $0x2000  }
0x42: {  	[sflag:s7] =	ssyncset.done $0x0  }
0x43: {  	s16 =	rddreg [dreg:$0xd];
	[sflag:s7] =	ssyncadd.s32 $0xFFFFE000  }
0x44: {  	[spmem:s16] =	stream.linear.scatter [tilespmem:s20], [sflag:$0x1], $0x2000, $0x38;
	[tilespmem:$0x1A400] =	vst v63  }
0x45: {  	_ =	swait.ge [sflag:s7], $0x2000  }
0x46: {  	[sflag:s7] =	ssyncset.done $0x0  }
0x47: {  	s17 =	rddreg [dreg:$0xe];
	[sflag:s7] =	ssyncadd.s32 $0xFFFFE000  }
0x48: {  	[spmem:s17] =	stream.linear.scatter [tilespmem:s20], [sflag:$0x1], $0x2000, $0x38;
	[tilespmem:$0x1A400] =	vst v63  }
0x49: {  	_ =	swait.ge [sflag:s7], $0x2000  }
0x4a: {  	[sflag:s7] =	ssyncset.done $0x0  }
0x4b: {  	s18 =	rddreg [dreg:$0xf];
	[sflag:s7] =	ssyncadd.s32 $0xFFFFE000  }
0x4c: {  	[spmem:s18] =	stream.linear.scatter [tilespmem:s20], [sflag:$0x1], $0x2000, $0x38;
	[tilespmem:$0x1A400] =	vst v63  }
0x4d: {  	_ =	swait.ge [sflag:s7], $0x2000  }
0x4e: {  	[sflag:s7] =	ssyncset.done $0x0  }
0x4f: {  	[sflag:s7] =	ssyncadd.s32 $0xFFFFE000  }
0x50: {  	[bflag:$0x0] =	sbarrier.arrive $0xFFFF  }
0x51: {  	_ =	strace $0x80000051  }
0x52: {  	s19 =	simm.s32 $0x0;
	s8 =	simm.s32 $0x1A000;
	s3 =	rddreg [dreg:$0x4]  }
0x53: {  	[tilespmem:s8], [sflag:$0x1] =	stream.linear.gather [hbm4b:s3+s19], $0x100, $0x200038;
	[tilespmem:$0x1A400] =	vst v63  }
0x54: {  	p0 =	por $0x0, $0x0;
	s13 =	simm.s32 $0x1A200;
	s3 =	simm.s32 $0x1  }
0x55: {  	s12 =	rddreg [dreg:$0x5];
	s3 =	simm.s32 @p0 $0x0;
	p0 =	por $0x0, $0x0  }
0x56: {  	[tilespmem:s13], [sflag:$0x3] =	stream.linear.gather [hbm4b:s12+s19], $0x100, $0x200038;
	[tilespmem:$0x1A400] =	vst v63  }
0x57: {  	p2 =	seq.s32 @!p0 s3, $0x0;
	_ =	strace $0x90000051  }
0x58: {  	p1 =	por p2, p0;
	s8 =	rddreg [dreg:$0x3]  }
0x59: {  	s8 =	sadd.s32 @!p1 s8, s3  }
0x5a: {  	s10 =	sand.u32 @!p1 $0x1, s7;
	_ =	strace @!p1 $0x80000052;
	s8 =	sshll.u32 @!p1 s8, $0x5  }
0x5b: {  	s22 =	simm.s32 @!p1 $0x0;
	s11 =	sshll.u32 @!p1 s10, $0x8;
	s8 =	sand.u32 @!p1 $0x1FFFFFE0, s8  }
0x5c: {  	s12 =	sadd.s32 @!p1 $0x1, s10;
	s13 =	sor.u32 @!p1 $0x1A000, s11;
	s21 =	sadd.s32 @!p1 s4, s8  }
0x5d: {  	[tilespmem:s13], [sflag:s12] =	stream.linear.gather @!p1 [hbm4b:s21+s22], $0x100, $0x200038;
	[tilespmem:$0x1A400] =	vst v63  }
0x5e: {  	s10 =	sadd.s32 @!p1 $0x3, s10;
	_ =	strace @!p1 $0x90000052  }
0x5f: {  	s11 =	sor.u32 @!p1 $0x1A200, s11;
	s8 =	sadd.s32 @!p1 s5, s8;
	_ =	strace @!p1 $0x80000053  }
0x60: {  	[tilespmem:s11], [sflag:s10] =	stream.linear.gather @!p1 [hbm4b:s8+s22], $0x100, $0x200038;
	[tilespmem:$0x1A400] =	vst v63  }
0x61: {  	s0 =	sand.u32 $0x1, s19;
	_ =	strace @!p1 $0x90000053  }
0x62: {  	s14 =	sadd.s32 $0x1, s0;
	_ =	strace $0x80000054  }
0x63: {  	_ =	swait.ge [sflag:s14], $0x100  }
0x64: {  	[sflag:s14] =	ssyncset.done $0x0  }
0x65: {  	[sflag:s14] =	ssyncadd.s32 $0xFFFFFF00  }
0x66: {  	_ =	strace $0x90000054  }
0x67: {  	s0 =	sadd.s32 $0x3, s0;
	_ =	strace $0x80000055  }
0x68: {  	_ =	swait.ge [sflag:s0], $0x100  }
0x69: {  	[sflag:s0] =	ssyncset.done $0x0  }
0x6a: {  	s15 =	simm.s32 $0x0;
	[sflag:s0] =	ssyncadd.s32 $0xFFFFFF00  }
0x6b: {  	s31 =	simm.s32 $0x4D;
	s8 =	sand.u32 $0x100, s15;
	_ =	strace $0x90000055  }
0x6c: {  	p3 =	sne.s32 s3, $0x0;
	s16 =	sor.u32 $0x1A200, s8;
	_ =	strace $0x80000056  }
0x6d: {  	[tilespmem:s25], [sflag:$0x5] =	stream.indirect.gather [hbm4b:s9+s23], $0x80, s16, s23, $0x2000b8;
	[tilespmem:$0x1A400] =	vst v63  }
0x6e: {  	p4 =	por !p2, p0;
	p2 =	por p0, p3;
	_ =	swait.ge [sflag:s26], $0x4000  }
0x6f: {  	s12 =	simm.s32 $0x4E;
	s10 =	simm.s32 @!p1 $0x2;
	[sflag:s26] =	ssyncset.done $0x0  }
0x70: {  	s11 =	simm.s32 $0x0;
	s17 =	sor.u32 $0x1A000, s8;
	[sflag:s26] =	ssyncadd.s32 $0xFFFFC000  }
0x71: {  	[spmem:s1] =	stream.indirect.scatter.add.f32 [tilespmem:s25], [sflag:$0x5], $0x80, s17, s23, $0x2000b8;
	[tilespmem:$0x1A400] =	vst v63  }
0x72: {  	s11 =	simm.s32 @p4 $0x1;
	s18 =	sor.u32 $0x1A280, s8;
	_ =	swait.ge [sflag:s26], $0x4000  }
0x73: {  	s19 =	sor.u32 $0x1A080, s8;
	s0 =	simm.s32 $0x1;
	[sflag:s26] =	ssyncset.done $0x0  }
0x74: {  	s8 =	sadd.s32 $0x1, s3;
	s0 =	smov.u32 @p4 s10;
	[sflag:s26] =	ssyncadd.s32 $0xFFFFC000  }
0x75: {  	[tilespmem:s25], [sflag:$0x5] =	stream.indirect.gather [hbm4b:s9+s23], $0x80, s18, s23, $0x2000b8;
	[tilespmem:$0x1A400] =	vst v63  }
0x76: {  	s0 =	smov.u32 @p0 s7;
	s7 =	simm.s32 $0x1;
	_ =	swait.ge [sflag:s26], $0x4000  }
0x77: {  	s11 =	simm.s32 @p0 $0x0;
	s7 =	simm.s32 @!p2 $0x0;
	[sflag:s26] =	ssyncset.done $0x0  }
0x78: {  	s22 =	sadd.s32 $0x1, s11;
	s10 =	sadd.s32 $0x0, s7;
	[sflag:s26] =	ssyncadd.s32 $0xFFFFC000  }
0x79: {  	[spmem:s1] =	stream.indirect.scatter.add.f32 [tilespmem:s25], [sflag:$0x5], $0x80, s19, s23, $0x2000b8;
	[tilespmem:$0x1A400] =	vst v63  }
0x7a: {  	s21 =	sshll.u32 s10, $0x8;
	s11 =	sand.u32 $0x1, s10;
	_ =	swait.ge [sflag:s26], $0x4000  }
0x7b: {  	s7 =	smov.u32 s10;
	s29 =	sand.u32 $0x100, s21;
	[sflag:s26] =	ssyncset.done $0x0  }
0x7c: {  	s21 =	sand.u32 $0x1, s10;
	s30 =	smov.u32 s29;
	[sflag:s26] =	ssyncadd.s32 $0xFFFFC000  }
.LBB2_4:
0x7d: {  	p0 =	seq.s32 s8, $0x4F  }
0x7e: {  	s8 =	simm.s32 @p0 $0x0;
	p0 =	seq.s32 s12, $0x1  }
0x7f: {  	_ =	strace $0x90000056;
	p1 =	seq.s32 @!p0 s3, s8  }
0x80: {  	s12 =	rddreg [dreg:$0x3];
	p4 =	sne.s32 s3, s8;
	p3 =	por p1, p0  }
0x81: {  	s3 =	sadd.s32 $0x1, s11;
	s11 =	sadd.s32 @!p3 s12, s8;
	s12 =	sand.u32 @!p3 $0x1, s0  }
0x82: {  	s15 =	sand.u32 @!p3 $0x1, s22;
	_ =	strace @!p3 $0x80000052;
	s11 =	sshll.u32 @!p3 s11, $0x5  }
0x83: {  	s19 =	simm.s32 @!p3 $0x0;
	s16 =	sshll.u32 @!p3 s12, $0x8;
	s11 =	sand.u32 @!p3 $0x1FFFFFE0, s11  }
0x84: {  	s12 =	sadd.s32 @!p3 $0x1, s12;
	s16 =	sor.u32 @!p3 $0x1A000, s16;
	s18 =	sadd.s32 @!p3 s4, s11  }
0x85: {  	[tilespmem:s16], [sflag:s12] =	stream.linear.gather @!p3 [hbm4b:s18+s19], $0x100, $0x200038;
	[tilespmem:$0x1A400] =	vst v63  }
0x86: {  	s17 =	sshll.u32 @!p3 s15, $0x8;
	s15 =	sadd.s32 @!p3 $0x3, s15;
	_ =	strace @!p3 $0x90000052  }
0x87: {  	s11 =	sadd.s32 @!p3 s5, s11;
	s12 =	sor.u32 @!p3 $0x1A200, s17;
	_ =	strace @!p3 $0x80000053  }
0x88: {  	[tilespmem:s12], [sflag:s15] =	stream.linear.gather @!p3 [hbm4b:s11+s19], $0x100, $0x200038;
	[tilespmem:$0x1A400] =	vst v63  }
0x89: {  	_ =	strace @!p3 $0x90000053  }
0x8a: {  	_ =	strace $0x80000054  }
0x8b: {  	_ =	swait.ge [sflag:s3], $0x100  }
0x8c: {  	[sflag:s3] =	ssyncset.done $0x0  }
0x8d: {  	[sflag:s3] =	ssyncadd.s32 $0xFFFFFF00  }
0x8e: {  	_ =	strace $0x90000054  }
0x8f: {  	s21 =	sadd.s32 $0x3, s21;
	_ =	strace $0x80000055  }
0x90: {  	s14 =	smov.u32 s0;
	p2 =	por !p1, p0;
	_ =	swait.ge [sflag:s21], $0x100  }
0x91: {  	p1 =	por p0, p4;
	s16 =	sadd.s32 @!p3 $0x1, s0;
	[sflag:s21] =	ssyncset.done $0x0  }
0x92: {  	s0 =	smov.u32 @p2 s16;
	s11 =	simm.s32 $0x0;
	[sflag:s21] =	ssyncadd.s32 $0xFFFFFF00  }
0x93: {  	s0 =	smov.u32 @p0 s14;
	s11 =	simm.s32 @p2 $0x1;
	_ =	strace $0x90000055  }
0x94: {  	s14 =	sor.u32 $0x1A200, s29;
	s11 =	simm.s32 @p0 $0x0;
	_ =	strace $0x80000056  }
0x95: {  	[tilespmem:s25], [sflag:$0x5] =	stream.indirect.gather [hbm4b:s9+s23], $0x80, s14, s23, $0x2000b8;
	[tilespmem:$0x1A400] =	vst v63  }
0x96: {  	s22 =	sadd.s32 s22, s11;
	s11 =	simm.s32 $0x1;
	_ =	swait.ge [sflag:s26], $0x4000  }
0x97: {  	s13 =	smov.u32 s31;
	s11 =	simm.s32 @!p1 $0x0;
	[sflag:s26] =	ssyncset.done $0x0  }
0x98: {  	s16 =	sor.u32 $0x1A000, s30;
	s7 =	sadd.s32 s11, s7;
	[sflag:s26] =	ssyncadd.s32 $0xFFFFC000  }
0x99: {  	[spmem:s1] =	stream.indirect.scatter.add.f32 [tilespmem:s25], [sflag:$0x5], $0x80, s16, s23, $0x2000b8;
	[tilespmem:$0x1A400] =	vst v63  }
0x9a: {  	s10 =	sadd.s32 s11, s10;
	s17 =	sshll.u32 s7, $0x8;
	_ =	swait.ge [sflag:s26], $0x4000  }
0x9b: {  	s18 =	sshll.u32 s10, $0x8;
	s19 =	sand.u32 $0x100, s17;
	[sflag:s26] =	ssyncset.done $0x0  }
0x9c: {  	s17 =	sand.u32 $0x100, s18;
	s18 =	sor.u32 $0x1A280, s29;
	[sflag:s26] =	ssyncadd.s32 $0xFFFFC000  }
0x9d: {  	[tilespmem:s25], [sflag:$0x5] =	stream.indirect.gather [hbm4b:s9+s23], $0x80, s18, s23, $0x2000b8;
	[tilespmem:$0x1A400] =	vst v63  }
0x9e: {  	s31 =	sadd.s32 $0xFFFFFFFF, s31;
	s12 =	smov.u32 s13;
	_ =	swait.ge [sflag:s26], $0x4000  }
0x9f: {  	p0 =	sne.s32 s31, $0x0;
	s29 =	smov.u32 s19;
	[sflag:s26] =	ssyncset.done $0x0  }
.Ltmp1:
0xa0: {  	s19 =	sor.u32 $0x1A080, s30;
	[sflag:s26] =	ssyncadd.s32 $0xFFFFC000;
	(pc) =	sbr.rel @p0 .LBB2_4-.Ltmp1, $4  }
0xa1: {  	[spmem:s1] =	stream.indirect.scatter.add.f32 [tilespmem:s25], [sflag:$0x5], $0x80, s19, s23, $0x2000b8;
	[tilespmem:$0x1A400] =	vst v63  }
0xa2: {  	s3 =	smov.u32 s8;
	s8 =	sadd.s32 $0x1, s8;
	_ =	swait.ge [sflag:s26], $0x4000  }
0xa3: {  	s11 =	sand.u32 $0x1, s10;
	s15 =	sand.u32 $0x1, s7;
	[sflag:s26] =	ssyncset.done $0x0  }
0xa4: {  	s30 =	smov.u32 s17;
	s21 =	smov.u32 s15;
	[sflag:s26] =	ssyncadd.s32 $0xFFFFC000  }
0xa5: {  	p0 =	seq.s32 s8, $0x4F  }
0xa6: {  	s8 =	simm.s32 @p0 $0x0;
	p0 =	seq.s32 s12, $0x1  }
0xa7: {  	_ =	strace $0x90000056;
	p1 =	seq.s32 @!p0 s3, s8  }
0xa8: {  	s7 =	rddreg [dreg:$0x3];
	p0 =	por p1, p0  }
0xa9: {  	s3 =	sadd.s32 @!p0 s7, s8;
	s0 =	sand.u32 @!p0 $0x1, s0  }
0xaa: {  	s7 =	sand.u32 @!p0 $0x1, s22;
	_ =	strace @!p0 $0x80000052;
	s3 =	sshll.u32 @!p0 s3, $0x5  }
0xab: {  	s13 =	simm.s32 @!p0 $0x0;
	s8 =	sshll.u32 @!p0 s0, $0x8;
	s3 =	sand.u32 @!p0 $0x1FFFFFE0, s3  }
0xac: {  	s0 =	sadd.s32 @!p0 $0x1, s0;
	s8 =	sor.u32 @!p0 $0x1A000, s8;
	s12 =	sadd.s32 @!p0 s4, s3  }
0xad: {  	[tilespmem:s8], [sflag:s0] =	stream.linear.gather @!p0 [hbm4b:s12+s13], $0x100, $0x200038;
	[tilespmem:$0x1A400] =	vst v63  }
0xae: {  	s10 =	sshll.u32 @!p0 s7, $0x8;
	s7 =	sadd.s32 @!p0 $0x3, s7;
	_ =	strace @!p0 $0x90000052  }
0xaf: {  	s3 =	sadd.s32 @!p0 s5, s3;
	s0 =	sor.u32 @!p0 $0x1A200, s10;
	_ =	strace @!p0 $0x80000053  }
0xb0: {  	[tilespmem:s0], [sflag:s7] =	stream.linear.gather @!p0 [hbm4b:s3+s13], $0x100, $0x200038;
	[tilespmem:$0x1A400] =	vst v63  }
0xb1: {  	_ =	strace @!p0 $0x90000053  }
0xb2: {  	s16 =	sadd.s32 $0x1, s11;
	_ =	strace $0x80000054  }
0xb3: {  	_ =	swait.ge [sflag:s16], $0x100  }
0xb4: {  	[sflag:s16] =	ssyncset.done $0x0  }
0xb5: {  	[sflag:s16] =	ssyncadd.s32 $0xFFFFFF00  }
0xb6: {  	_ =	strace $0x90000054  }
0xb7: {  	s17 =	sadd.s32 $0x3, s21;
	_ =	strace $0x80000055  }
0xb8: {  	_ =	swait.ge [sflag:s17], $0x100  }
0xb9: {  	[sflag:s17] =	ssyncset.done $0x0  }
0xba: {  	[sflag:s17] =	ssyncadd.s32 $0xFFFFFF00  }
0xbb: {  	_ =	strace $0x90000055  }
0xbc: {  	s18 =	sor.u32 $0x1A200, s29;
	_ =	strace $0x80000056  }
0xbd: {  	[tilespmem:s25], [sflag:$0x5] =	stream.indirect.gather [hbm4b:s9+s23], $0x80, s18, s23, $0x2000b8;
	[tilespmem:$0x1A400] =	vst v63  }
0xbe: {  	_ =	swait.ge [sflag:s26], $0x4000  }
0xbf: {  	[sflag:s26] =	ssyncset.done $0x0  }
0xc0: {  	s19 =	sor.u32 $0x1A000, s30;
	[sflag:s26] =	ssyncadd.s32 $0xFFFFC000  }
0xc1: {  	[spmem:s1] =	stream.indirect.scatter.add.f32 [tilespmem:s25], [sflag:$0x5], $0x80, s19, s23, $0x2000b8;
	[tilespmem:$0x1A400] =	vst v63  }
0xc2: {  	_ =	swait.ge [sflag:s26], $0x4000  }
0xc3: {  	[sflag:s26] =	ssyncset.done $0x0  }
0xc4: {  	s21 =	sor.u32 $0x1A280, s29;
	[sflag:s26] =	ssyncadd.s32 $0xFFFFC000  }
0xc5: {  	[tilespmem:s25], [sflag:$0x5] =	stream.indirect.gather [hbm4b:s9+s23], $0x80, s21, s23, $0x2000b8;
	[tilespmem:$0x1A400] =	vst v63  }
0xc6: {  	_ =	swait.ge [sflag:s26], $0x4000  }
0xc7: {  	[sflag:s26] =	ssyncset.done $0x0  }
0xc8: {  	s22 =	sor.u32 $0x1A080, s30;
	[sflag:s26] =	ssyncadd.s32 $0xFFFFC000  }
0xc9: {  	[spmem:s1] =	stream.indirect.scatter.add.f32 [tilespmem:s25], [sflag:$0x5], $0x80, s22, s23, $0x2000b8;
	[tilespmem:$0x1A400] =	vst v63  }
0xca: {  	_ =	swait.ge [sflag:s26], $0x4000  }
0xcb: {  	[sflag:s26] =	ssyncset.done $0x0  }
0xcc: {  	s29 =	stileid.u32;
	[sflag:s26] =	ssyncadd.s32 $0xFFFFC000  }
0xcd: {  	s0 =	sshll.u32 s29, $0x6;
	_ =	strace $0x90000056  }
0xce: {  	s30 =	sshrl.u32 s6, $0x3;
	s0 =	sor.u32 $0x1C01, s0;
	[bflag:$0x0] =	sbarrier.arrive $0xFFFF  }
0xcf: {  	[hbm:s24], [sflag:s0] =	dma.local [spmem:s30], $0x2800  }
0xd0: {  	_ =	swait.ge [sflag:s28], $0x2800  }
0xd1: {  	s2 =	sadd.s32 $0x1, s2;
	s31 =	rddreg [dreg:$0x6]  }
0xd2: {  	p0 =	sne.s32 s2, s31  }
.Ltmp2:
0xd3: {  	_ = 	snop;
	(pc) =	sbr.rel @p0 .LBB2_1-.Ltmp2, $3  }
0xd4: {  	_ =	sdelay $0x1  }
0xd5: {  	[sflag:s28] =	ssyncset.done $0x0  }
0xd6: {  	[sflag:s28] =	ssyncadd.s32 $0xFFFFD800  }
0xd7: {  	_ =	sfence.sel $0x180000  }
0xd8: {  	[bflag:$0x0] =	sbarrier.arrive $0xFFFF  }
0xd9: {  	_ =	strace $0x90000050  }
0xda: {  	s0 =	stileid.u32;
	[bflag:$0x2] =	sbarrier.arrive $0xFFFF  }
0xdb: {  	p0 =	sne.s32 s0, $0x0;
	s0 =	rddreg [dreg:$0x2]  }
0xdc: {  	s0 =	sadd.s32 @!p0 $0x100000, s0  }
0xdd: {  	[sflag:s0] =	ssyncadd.tile.s32 @!p0 $0x1;
	_ =	shalt  }
.Lfunc_end2:
_tile_overlayer_lowered:
.L_overlay_start_2:
0xde: {  	(tag) =	ssettag $0x2  }
0xdf: {  	s0 =	rddreg [dreg:$0x0];
	s2 =	stileid.u32  }
0xe0: {  	s1 =	rddreg [dreg:$0x1];
	p0 =	sne.s32 s2, $0x0  }
0xe1: {  	s3 =	rddreg [dreg:$0x2];
	[bflag:$0x3] =	sbarrier.arrive $0xFFFF;
	s2 =	simm.s32 @!p0 $0x1C01  }
0xe2: {  	[timem:s3], [sflag:s2] =	dma.local @!p0 [hbm:s0], s1  }
0xe3: {  	s0 =	simm.s32 @!p0 $0x1  }
0xe4: {  	_ =	swait.ge @!p0 [sflag:s0], s1  }
0xe5: {  	s1 =	ssub.s32 @!p0 $0x0, s1;
	[sflag:s0] =	ssyncset.done @!p0 $0x0  }
0xe6: {  	[sflag:s0] =	ssyncadd.s32 @!p0 s1  }
0xe7: {  	[bflag:$0x3] =	sbarrier.arrive $0xFFFF  }
0xe8: {  	_ =	shalt  }

// kernel: kernel.14.cloned.1.call-start
scs
__scs_entry_jumppad:
0x0: {  	(pc) =	sbr.rel $0x88, $3  }
0x1: {  	(tag) =	ssettag $0x0;
	lr =	simm.s32 $0x1  }
0x2: {  	[smem:$0x3F9A] =	sst lr;
	_ =	strace $0xD0000000  }
0x3: {  	_ = 	snop  }
0x4: {  	_ = 	snop  }
0x5: {  	_ = 	snop  }
0x6: {  	_ = 	snop  }
0x7: {  	_ = 	snop  }
__scs_overlays_trampoline_lowered:
0x8: {  	[smem:$0x3FA9] =	sst s0  }
0x9: {  	[smem:$0x3FAA] =	sst s1  }
0xa: {  	[smem:$0x3FAB] =	sst s2  }
0xb: {  	[smem:$0x3FAC] =	sst s3  }
0xc: {  	[smem:$0x3FAD] =	sst s4  }
0xd: {  	[smem:$0x3FAE] =	sst s5  }
0xe: {  	[smem:$0x3FAF] =	sst s6  }
0xf: {  	[smem:$0x3FB0] =	sst s7  }
0x10: {  	[smem:$0x3FB1] =	sst s8  }
0x11: {  	[smem:$0x3FB2] =	sst s9;
	s0 =	simm.s32 @!p0 $0x0  }
0x12: {  	s1 =	sld [smem:$0x3F98];
	s0 =	simm.s32 @p0 $0x1  }
0x13: {  	[smem:$0x3FB3] =	sst s0;
	s0 =	simm.s32 @!p1 $0x0  }
0x14: {  	s2 =	sld [smem:$0x3F97];
	s0 =	simm.s32 @p1 $0x1  }
0x15: {  	[smem:$0x3FB4] =	sst s0;
	s0 =	simm.s32 @!p2 $0x0  }
0x16: {  	s3 =	sld [smem:$0x3FDB];
	s0 =	simm.s32 @p2 $0x1  }
0x17: {  	s4 =	simm.s32 $0x1BF5;
	[smem:$0x3FB6] =	sst s0  }
0x18: {  	s0 =	sld [smem:$0x3F99];
	_ =	swait.ge [sflag:s4], $0x0  }
0x19: {  	s7 =	sld [smem:$0x3F9A]  }
0x1a: {  	s8 =	sadd.s32 $0xFFFFE003, lr  }
0x1b: {  	s9 =	sadd.s32 $0xFFFFFEF7, lr;
	s5 =	simm.s32 $0xFFFFFFFF;
	p2 =	slt.u32 s8, $0xFFFFF086  }
0x1c: {  	p1 =	slt.u32 s9, $0xF7A;
	s5 =	simm.s32 @!p2 $0x0  }
0x1d: {  	s5 =	simm.s32 @p1 $0x1;
	p0 =	seq.s32 s7, s2  }
0x1e: {  	s7 =	smul.u32 @!p0 $0xF7A, s2;
	p2 =	seq.s32 @!p0 s5, $0x0  }
0x1f: {  	s9 =	smul.u32 $0xF7A, s1;
	s8 =	simm.s32 @!p0 $0x1BF5;
	p2 =	por !p2, p0  }
0x20: {  	[sflag:s8] =	ssyncset.s32 @!p0 $0xFFFFF086;
	s6 =	sadd.s32 @!p0 s3, s7;
	s7 =	simm.s32 @!p0 $0x108  }
0x21: {  	s3 =	sadd.s32 s3, s9;
	s6 =	sadd.s32 @!p0 $0x88, s6;
	s7 =	simm.s32 @p2 $0x1082  }
0x22: {  	[simem:s7], [sflag:s8] =	dma.local @!p0 [hbm:s6], $0xF7A  }
0x23: {  	s9 =	sor.u32 $0xD0000000, s2;
	s6 =	simm.s32 $0x108;
	_ =	swait.ge @!p0 [sflag:s8], $0x0  }
0x24: {  	s3 =	sadd.s32 $0x88, s3;
	s6 =	simm.s32 @!p1 $0x1082;
	[sflag:s4] =	ssyncset.s32 $0xFFFFF086  }
0x25: {  	[simem:s6], [sflag:s4] =	dma.local [hbm:s3], $0xF7A  }
0x26: {  	[smem:$0x3F9A] =	sst s1;
	(tag) =	ssettag s2;
	_ =	strace s9  }
0x27: {  	s1 =	sld [smem:$0x3FAA]  }
0x28: {  	s2 =	sld [smem:$0x3FAB]  }
0x29: {  	s4 =	sld [smem:$0x3FAD]  }
0x2a: {  	p0 =	seq.s32 s5, $0x0;
	s5 =	sld [smem:$0x3FAE]  }
0x2b: {  	s6 =	sld [smem:$0x3FAF]  }
0x2c: {  	s7 =	sld [smem:$0x3FB0]  }
0x2d: {  	s3 =	simm.s32 $0x108;
	s8 =	sld [smem:$0x3FB1]  }
0x2e: {  	s3 =	simm.s32 @!p0 $0x1082;
	s9 =	sld [smem:$0x3FB2]  }
0x2f: {  	lr =	sadd.s32 s0, s3;
	s0 =	sld [smem:$0x3FA9]  }
0x30: {  	s3 =	sld [smem:$0x3FAC]  }
0x31: {  	[smem:$0x3FB5] =	sst s10  }
0x32: {  	s10 =	sld [smem:$0x3FB3];
	_ =	sdelay $0x3  }
0x33: {  	p0 =	seq.s32 s10, $0x1;
	s10 =	sld [smem:$0x3FB5];
	_ =	sdelay $0x3  }
0x34: {  	[smem:$0x3FB5] =	sst s10  }
0x35: {  	s10 =	sld [smem:$0x3FB4];
	_ =	sdelay $0x3  }
0x36: {  	p1 =	seq.s32 s10, $0x1;
	s10 =	sld [smem:$0x3FB5];
	_ =	sdelay $0x3  }
0x37: {  	[smem:$0x3FB5] =	sst s10  }
0x38: {  	s10 =	sld [smem:$0x3FB6]  }
0x39: {  	_ = 	snop;
	(pc) =	sbr.ind lr, $3  }
0x3a: {  	_ = 	snop  }
0x3b: {  	_ = 	snop  }
0x3c: {  	p2 =	seq.s32 s10, $0x1;
	s10 =	sld [smem:$0x3FB5]  }
0x3d: {  	_ =	shalt  }
0x3e: {  	_ =	shalt  }
0x3f: {  	_ =	shalt  }
0x40: {  	_ =	shalt  }
0x41: {  	_ =	shalt  }
0x42: {  	_ =	shalt  }
0x43: {  	_ =	shalt  }
0x44: {  	_ =	shalt  }
0x45: {  	_ =	shalt  }
0x46: {  	_ =	shalt  }
0x47: {  	_ =	shalt  }
0x48: {  	_ =	shalt  }
0x49: {  	_ =	shalt  }
0x4a: {  	_ =	shalt  }
0x4b: {  	_ =	shalt  }
0x4c: {  	_ =	shalt  }
0x4d: {  	_ =	shalt  }
0x4e: {  	_ =	shalt  }
0x4f: {  	_ =	shalt  }
0x50: {  	_ =	shalt  }
0x51: {  	_ =	shalt  }
0x52: {  	_ =	shalt  }
0x53: {  	_ =	shalt  }
0x54: {  	_ =	shalt  }
0x55: {  	_ =	shalt  }
0x56: {  	_ =	shalt  }
0x57: {  	_ =	shalt  }
0x58: {  	_ =	shalt  }
0x59: {  	_ =	shalt  }
0x5a: {  	_ =	shalt  }
0x5b: {  	_ =	shalt  }
0x5c: {  	_ =	shalt  }
0x5d: {  	_ =	shalt  }
0x5e: {  	_ =	shalt  }
0x5f: {  	_ =	shalt  }
0x60: {  	_ =	shalt  }
0x61: {  	_ =	shalt  }
0x62: {  	_ =	shalt  }
0x63: {  	_ =	shalt  }
0x64: {  	_ =	shalt  }
0x65: {  	_ =	shalt  }
0x66: {  	_ =	shalt  }
0x67: {  	_ =	shalt  }
0x68: {  	_ =	shalt  }
0x69: {  	_ =	shalt  }
0x6a: {  	_ =	shalt  }
0x6b: {  	_ =	shalt  }
0x6c: {  	_ =	shalt  }
0x6d: {  	_ =	shalt  }
0x6e: {  	_ =	shalt  }
0x6f: {  	_ =	shalt  }
0x70: {  	_ =	shalt  }
0x71: {  	_ =	shalt  }
0x72: {  	_ =	shalt  }
0x73: {  	_ =	shalt  }
0x74: {  	_ =	shalt  }
0x75: {  	_ =	shalt  }
0x76: {  	_ =	shalt  }
0x77: {  	_ =	shalt  }
0x78: {  	_ =	shalt  }
0x79: {  	_ =	shalt  }
0x7a: {  	_ =	shalt  }
0x7b: {  	_ =	shalt  }
0x7c: {  	_ =	shalt  }
0x7d: {  	_ =	shalt  }
0x7e: {  	_ =	shalt  }
0x7f: {  	_ =	shalt  }
0x80: {  	_ =	shalt  }
0x81: {  	_ =	shalt  }
0x82: {  	_ =	shalt  }
0x83: {  	_ =	shalt  }
0x84: {  	_ =	shalt  }
0x85: {  	_ =	shalt  }
0x86: {  	_ =	shalt  }
0x87: {  	_ =	shalt  }
.Lfunc_end0:
.L_simem_size_0:
called_computation.2_lowered:
.L_overlay_start_0:
0x88: {  	s2 =	sld [smem:$0x3FD9]  }
0x89: {  	s3 =	sld [smem:$0x3FFE];
	_ =	sdelay $0x1  }
0x8a: {  	s1 =	srdreg.scid  }
0x8b: {  	s0 =	sand.u32 $0x1, s1  }
0x8c: {  	s16 =	sshll.u32 s0, $0xA;
	s2 =	sadd.s32 s3, s2  }
0x8d: {  	s2 =	sadd.s32 s2, s16  }
0x8e: {  	[smem:$0x3FC1] =	sst s2  }
0x8f: {  	_ = 	snop  }
0x90: {  	(tm) =	ssettm $0x1  }
0x91: {  	s17 =	sld [smem:$0x3FFB];
	_ =	sdelay $0x3  }
0x92: {  	_ =	strace s17  }
0x93: {  	s2 =	sld [smem:$0x3FFC];
	_ =	sdelay $0x3  }
0x94: {  	_ =	strace s2  }
0x95: {  	s2 =	sld [smem:$0x3FFD];
	_ =	sdelay $0x3  }
0x96: {  	_ =	strace s2  }
0x97: {  	_ =	strace $0x8FFFFFFF  }
0x98: {  	s18 =	sld [smem:$0x3FDB];
	_ =	sdelay $0x1  }
0x99: {  	s19 =	simm.s32 $_scs_section_size  }
0x9a: {  	s4 =	simm.s32 $_size__tile_overlayer_lowered;
	s5 =	simm.s32 $_tile_overlayer_lowered  }
0x9b: {  	s22 =	simm.s32 $0x1BFF;
	s21 =	sshll.u32 s5, $0x1;
	s2 =	sadd.s32 s19, s18  }
0x9c: {  	s6 =	simm.s32 $0x0;
	s20 =	sshll.u32 s4, $0x1;
	s4 =	sadd.s32 s21, s2  }
0x9d: {  	[timem:s6], [sflag:s22] =	dma.local [hbm:s4], s20  }
0x9e: {  	_ =	swait.ge [sflag:s22], s20  }
0x9f: {  	s3 =	ssub.s32 $0x0, s20;
	[sflag:s22] =	ssyncset.done $0x0  }
0xa0: {  	[sflag:s22] =	ssyncadd.s32 s3;
	_ =	sdelay $0x1  }
0xa1: {  	s23 =	simm.s32 $0x1B8B  }
0xa2: {  	_ =	swait.ge [sflag:s23], $0x1  }
0xa3: {  	[sflag:s23] =	ssyncset.done $0x0  }
0xa4: {  	s25 =	simm.s32 $0x1B8E;
	s24 =	sld [smem:$0x3FFE];
	[sflag:s23] =	ssyncadd.s32 $0xFFFFFFFF  }
0xa5: {  	s26 =	simm.s32 $execute0_lowered;
	[smem:$0x3FD2] =	sst s25  }
0xa6: {  	s4 =	sshll.u32 s26, $0x1;
	_ =	strace $0x80000058;
	[dreg:$0x1] =	wrdreg $0xFFFFFFFF  }
0xa7: {  	s28 =	simm.s32 $_size_execute0_lowered;
	s2 =	sadd.s32 s2, s4;
	[dreg:$0x0] =	wrdreg $0x0  }
0xa8: {  	s4 =	sshll.u32 s28, $0x1;
	[dreg:$0x2] =	wrdreg s2  }
0xa9: {  	[dreg:$0x3] =	wrdreg s4  }
0xaa: {  	[dreg:$0x4] =	wrdreg $0xC0  }
0xab: {  	_ =	task [dreg:s6], $0x5FFFF  }
0xac: {  	[dreg:$0x1] =	wrdreg $0xFFFFFFFF  }
0xad: {  	[dreg:$0x0] =	wrdreg $0x60  }
0xae: {  	[dreg:$0x2] =	wrdreg s24  }
0xaf: {  	[dreg:$0x3] =	wrdreg $0x0  }
0xb0: {  	[dreg:$0x4] =	wrdreg $0x9  }
0xb1: {  	_ =	task.clear_ibuf [dreg:s6], $0x5FFFF;
	_ =	strace $0x90000058  }
0xb2: {  	s29 =	simm.s32 $0x9;
	_ =	strace $0x80000060  }
0xb3: {  	_ =	swait.ge [sflag:s29], $0x1  }
0xb4: {  	[sflag:s29] =	ssyncadd.s32 $0xFFFFFFFF  }
0xb5: {  	_ =	strace $0x90000060  }
0xb6: {  	_ =	sfence  }
0xb7: {  	s30 =	sld [smem:$0x0];
	_ =	sdelay $0x2  }
0xb8: {  	s31 =	sshll.u32 s1, $0xD;
	s1 =	sshrl.u32 s1, $0x2  }
0xb9: {  	s3 =	sand.u32 $0x4000, s31;
	s1 =	sadd.s32 s1, s30  }
0xba: {  	s0 =	sor.u32 s3, s0;
	s1 =	sshll.u32 s1, $0x11  }
0xbb: {  	s0 =	sor.u32 s1, s0  }
0xbc: {  	s0 =	sadd.s32 $0x8F2B, s0  }
0xbd: {  	[sflag:s0] =	ssyncadd.remote.s32 $0x1  }
0xbe: {  	_ =	sfence.sel $0xFFFF  }
0xbf: {  	[dreg:$0x0] =	wrdreg $0xFFFFFFFF;
	(pc) =	sbr.abs _section_cstart, $3  }
0xc0: {  	[dreg:$0x1] =	wrdreg $0xFFFFFFFF  }
0xc1: {  	_ =	task.clear_ibuf [dreg:s6], $0x2FFFF;
	_ =	strace $0x9FFFFFFF  }
0xc2: {  	(tm) =	ssettm $0x7FFFFFFF  }
0xc3: {  	_ =	shalt  }
tec
execute0_lowered:
.L_overlay_start_1:
0x0: {  	(tag) =	ssettag $0x1  }
0x1: {  	s0 =	rddreg [dreg:$0x0];
	s2 =	srdreg.scid  }
0x2: {  	s1 =	rddreg [dreg:$0x1];
	s12 =	stileid.u32;
	s2 =	sand.u32 $0x1, s2  }
0x3: {  	s3 =	simm.s32 $0x0;
	s19 =	smul.u32 $0x50000, s12;
	s4 =	sshll.u32 s2, $0x4  }
0x4: {  	[smem:$0x7FF] =	sst s3;
	s7 =	smul.u32 $0x28000, s2;
	s8 =	sor.u32 s12, s4  }
0x5: {  	s5 =	sadd.s32 $0xD400, s0;
	s6 =	sadd.s32 $0x3600, s0;
	s9 =	smul.u32 $0x2780, s8  }
0x6: {  	_ =	strace $0x80000059;
	s2 =	ssub.s32 $0x2, s2;
	s10 =	smul.u32 $0x380, s8  }
0x7: {  	s4 =	sadd.s32 $0x68200, s0;
	s11 =	sshrl.u32 s2, $0x1;
	s8 =	smul.u32 $0x4F, s8  }
0x8: {  	s0 =	sadd.s32 s7, s0;
	s2 =	ssub.s32 s2, s11;
	s7 =	sshrl.u32 s19, $0x2  }
0x9: {  	s7 =	sadd.s32 s7, s1;
	s2 =	smax.u32 s2, $0x1;
	[dreg:$0x3] =	wrdreg s8  }
0xa: {  	s28 =	simm.s32 $0x1;
	[dreg:$0x6] =	wrdreg s2;
	s23 =	sadd.s32 $0x2000, s7  }
0xb: {  	s22 =	smul.u32 $0x2800, s12;
	s24 =	sadd.s32 $0x4000, s7;
	[dreg:$0x7] =	wrdreg s23  }
0xc: {  	s0 =	sadd.s32 $0x90200, s0;
	s25 =	sadd.s32 $0x6000, s7;
	[dreg:$0x8] =	wrdreg s24  }
0xd: {  	s9 =	sand.u32 $0x7FC00, s9;
	s26 =	sadd.s32 $0x8000, s7;
	[dreg:$0x9] =	wrdreg s25  }
0xe: {  	s10 =	sand.u32 $0x380, s10;
	s29 =	sadd.s32 $0xA000, s7;
	[dreg:$0xa] =	wrdreg s26  }
0xf: {  	s30 =	sadd.s32 $0xC000, s7;
	s31 =	sadd.s32 $0xE000, s7;
	[dreg:$0xb] =	wrdreg s29  }
0x10: {  	s18 =	sadd.s32 $0x10000, s7;
	s9 =	sor.u32 s10, s9;
	[dreg:$0xc] =	wrdreg s30  }
0x11: {  	s19 =	sadd.s32 $0x12000, s7;
	[dreg:$0xd] =	wrdreg s31;
	s9 =	sshrl.u32 s9, $0x3  }
0x12: {  	s23 =	simm.s32 $0x80;
	s24 =	sadd.s32 s22, s0;
	s20 =	sadd.s32 s5, s9  }
0x13: {  	s25 =	simm.s32 $0x14000;
	s21 =	sadd.s32 s6, s9;
	[dreg:$0x4] =	wrdreg s20  }
0x14: {  	v0 =	vimm.f32 $0.0e+00;
	s26 =	simm.s32 $0x5;
	[dreg:$0x5] =	wrdreg s21;
	s20 =	simm.s32 $0x18000  }
.LBB2_1:
0x15: {  	s0 =	simm.s32 $0x0;
	s2 =	simm.s32 $0x200  }
.LBB2_2:
0x16: {  	p0 =	sne.s32 s2, $0x7E00;
	[tilespmem:s0+$0x18070] =	vst v0  }
0x17: {  	[tilespmem:s0+$0x18000] =	vst v0  }
0x18: {  	[tilespmem:s0+$0x18010] =	vst v0  }
.Ltmp0:
0x19: {  	[tilespmem:s0+$0x18020] =	vst v0;
	(pc) =	sbr.rel @p0 .LBB2_2-.Ltmp0, $4  }
0x1a: {  	[tilespmem:s0+$0x18030] =	vst v0  }
0x1b: {  	[tilespmem:s0+$0x18040] =	vst v0  }
0x1c: {  	[tilespmem:s0+$0x18050] =	vst v0  }
0x1d: {  	[tilespmem:s0+$0x18060] =	vst v0;
	s0 =	sshra.s32 s2, $0x2;
	s2 =	sadd.s32 $0x200, s2  }
0x1e: {  	[tilespmem:s0+$0x18070] =	vst v0  }
0x1f: {  	[tilespmem:s0+$0x18000] =	vst v0  }
0x20: {  	[tilespmem:s0+$0x18010] =	vst v0  }
0x21: {  	[tilespmem:s0+$0x18020] =	vst v0  }
0x22: {  	[tilespmem:s0+$0x18030] =	vst v0  }
0x23: {  	[tilespmem:s0+$0x18040] =	vst v0  }
0x24: {  	[tilespmem:s0+$0x18050] =	vst v0  }
0x25: {  	[tilespmem:s0+$0x18060] =	vst v0;
	s0 =	simm.s32 $0x1  }
0x26: {  	[spmem:s7] =	stream.linear.scatter [tilespmem:s20], [sflag:$0x1], $0x2000, $0x38;
	[tilespmem:$0x1A200] =	vst v63  }
0x27: {  	_ =	swait.ge [sflag:s0], $0x2000  }
0x28: {  	[sflag:s0] =	ssyncset.done $0x0  }
0x29: {  	s2 =	rddreg [dreg:$0x7];
	[sflag:s0] =	ssyncadd.s32 $0xFFFFE000  }
0x2a: {  	[spmem:s2] =	stream.linear.scatter [tilespmem:s20], [sflag:$0x1], $0x2000, $0x38;
	[tilespmem:$0x1A200] =	vst v63  }
0x2b: {  	_ =	swait.ge [sflag:s0], $0x2000  }
0x2c: {  	[sflag:s0] =	ssyncset.done $0x0  }
0x2d: {  	s21 =	rddreg [dreg:$0x8];
	[sflag:s0] =	ssyncadd.s32 $0xFFFFE000  }
0x2e: {  	[spmem:s21] =	stream.linear.scatter [tilespmem:s20], [sflag:$0x1], $0x2000, $0x38;
	[tilespmem:$0x1A200] =	vst v63  }
0x2f: {  	_ =	swait.ge [sflag:s0], $0x2000  }
0x30: {  	[sflag:s0] =	ssyncset.done $0x0  }
0x31: {  	s22 =	rddreg [dreg:$0x9];
	[sflag:s0] =	ssyncadd.s32 $0xFFFFE000  }
0x32: {  	[spmem:s22] =	stream.linear.scatter [tilespmem:s20], [sflag:$0x1], $0x2000, $0x38;
	[tilespmem:$0x1A200] =	vst v63  }
0x33: {  	_ =	swait.ge [sflag:s0], $0x2000  }
0x34: {  	[sflag:s0] =	ssyncset.done $0x0  }
0x35: {  	s8 =	rddreg [dreg:$0xa];
	[sflag:s0] =	ssyncadd.s32 $0xFFFFE000  }
0x36: {  	[spmem:s8] =	stream.linear.scatter [tilespmem:s20], [sflag:$0x1], $0x2000, $0x38;
	[tilespmem:$0x1A200] =	vst v63  }
0x37: {  	_ =	swait.ge [sflag:s0], $0x2000  }
0x38: {  	[sflag:s0] =	ssyncset.done $0x0  }
0x39: {  	s9 =	rddreg [dreg:$0xb];
	[sflag:s0] =	ssyncadd.s32 $0xFFFFE000  }
0x3a: {  	[spmem:s9] =	stream.linear.scatter [tilespmem:s20], [sflag:$0x1], $0x2000, $0x38;
	[tilespmem:$0x1A200] =	vst v63  }
0x3b: {  	_ =	swait.ge [sflag:s0], $0x2000  }
0x3c: {  	[sflag:s0] =	ssyncset.done $0x0  }
0x3d: {  	s10 =	rddreg [dreg:$0xc];
	[sflag:s0] =	ssyncadd.s32 $0xFFFFE000  }
0x3e: {  	[spmem:s10] =	stream.linear.scatter [tilespmem:s20], [sflag:$0x1], $0x2000, $0x38;
	[tilespmem:$0x1A200] =	vst v63  }
0x3f: {  	_ =	swait.ge [sflag:s0], $0x2000  }
0x40: {  	[sflag:s0] =	ssyncset.done $0x0  }
0x41: {  	s11 =	rddreg [dreg:$0xd];
	[sflag:s0] =	ssyncadd.s32 $0xFFFFE000  }
0x42: {  	[spmem:s11] =	stream.linear.scatter [tilespmem:s20], [sflag:$0x1], $0x2000, $0x38;
	[tilespmem:$0x1A200] =	vst v63  }
0x43: {  	_ =	swait.ge [sflag:s0], $0x2000  }
0x44: {  	[sflag:s0] =	ssyncset.done $0x0  }
0x45: {  	[sflag:s0] =	ssyncadd.s32 $0xFFFFE000  }
0x46: {  	[spmem:s18] =	stream.linear.scatter [tilespmem:s20], [sflag:$0x1], $0x2000, $0x38;
	[tilespmem:$0x1A200] =	vst v63  }
0x47: {  	_ =	swait.ge [sflag:s0], $0x2000  }
0x48: {  	[sflag:s0] =	ssyncset.done $0x0  }
0x49: {  	[sflag:s0] =	ssyncadd.s32 $0xFFFFE000  }
0x4a: {  	[spmem:s19] =	stream.linear.scatter [tilespmem:s20], [sflag:$0x1], $0x2000, $0x38;
	[tilespmem:$0x1A200] =	vst v63  }
0x4b: {  	_ =	swait.ge [sflag:s0], $0x2000  }
0x4c: {  	[sflag:s0] =	ssyncset.done $0x0  }
0x4d: {  	[sflag:s0] =	ssyncadd.s32 $0xFFFFE000  }
0x4e: {  	[bflag:$0x0] =	sbarrier.arrive $0xFFFF  }
0x4f: {  	s12 =	simm.s32 $0x0;
	_ =	strace $0x8000005A  }
0x50: {  	s14 =	simm.s32 $0x1A100;
	s9 =	simm.s32 $0x1A000;
	s8 =	rddreg [dreg:$0x4]  }
0x51: {  	[tilespmem:s9], [sflag:$0x1] =	stream.linear.gather [hbm4b:s8+s12], $0x80, $0x200038;
	[tilespmem:$0x1A200] =	vst v63  }
0x52: {  	s30 =	simm.s32 $0x1;
	p0 =	por $0x0, $0x0;
	s13 =	rddreg [dreg:$0x5]  }
0x53: {  	[tilespmem:s14], [sflag:$0x3] =	stream.linear.gather [hbm4b:s13+s12], $0x80, $0x200038;
	[tilespmem:$0x1A200] =	vst v63  }
0x54: {  	s30 =	simm.s32 @p0 $0x0;
	_ =	strace $0x9000005A  }
0x55: {  	p0 =	seq.s32 s30, $0x0;
	s8 =	rddreg [dreg:$0x3]  }
0x56: {  	s8 =	sadd.s32 @!p0 s8, s30  }
0x57: {  	s29 =	simm.s32 @!p0 $0x0;
	s9 =	sand.u32 @!p0 $0x1, s0;
	s8 =	sshll.u32 @!p0 s8, $0x4  }
0x58: {  	s10 =	sshll.u32 @!p0 s9, $0x7;
	s11 =	sadd.s32 @!p0 $0x1, s9;
	s8 =	sand.u32 @!p0 $0x1FFFFFF0, s8  }
0x59: {  	s21 =	sor.u32 @!p0 $0x1A000, s10;
	_ =	strace @!p0 $0x8000005B;
	s22 =	sadd.s32 @!p0 s5, s8  }
0x5a: {  	[tilespmem:s21], [sflag:s11] =	stream.linear.gather @!p0 [hbm4b:s22+s29], $0x80, $0x200038;
	[tilespmem:$0x1A200] =	vst v63  }
0x5b: {  	s9 =	sadd.s32 @!p0 $0x3, s9;
	_ =	strace @!p0 $0x9000005B  }
0x5c: {  	s10 =	sor.u32 @!p0 $0x1A100, s10;
	s8 =	sadd.s32 @!p0 s6, s8;
	_ =	strace @!p0 $0x8000005C  }
0x5d: {  	[tilespmem:s10], [sflag:s9] =	stream.linear.gather @!p0 [hbm4b:s8+s29], $0x80, $0x200038;
	[tilespmem:$0x1A200] =	vst v63  }
0x5e: {  	s2 =	sand.u32 $0x1, s12;
	_ =	strace @!p0 $0x9000005C  }
0x5f: {  	s15 =	sadd.s32 $0x1, s2;
	_ =	strace $0x8000005D  }
0x60: {  	_ =	swait.ge [sflag:s15], $0x80  }
0x61: {  	[sflag:s15] =	ssyncset.done $0x0  }
0x62: {  	[sflag:s15] =	ssyncadd.s32 $0xFFFFFF80  }
0x63: {  	_ =	strace $0x9000005D  }
0x64: {  	s2 =	sadd.s32 $0x3, s2;
	_ =	strace $0x8000005E  }
0x65: {  	s16 =	simm.s32 $0x0;
	_ =	swait.ge [sflag:s2], $0x80  }
0x66: {  	p1 =	sne.s32 s30, $0x0;
	s11 =	simm.s32 @!p0 $0x2;
	[sflag:s2] =	ssyncset.done $0x0  }
0x67: {  	s11 =	smov.u32 @p0 s0;
	s8 =	sand.u32 $0x80, s16;
	[sflag:s2] =	ssyncadd.s32 $0xFFFFFF80  }
0x68: {  	s9 =	simm.s32 @!p0 $0x1;
	s10 =	simm.s32 $0x1;
	_ =	strace $0x9000005E  }
0x69: {  	s17 =	sor.u32 $0x1A100, s8;
	s10 =	simm.s32 @!p1 $0x0;
	_ =	strace $0x8000005F  }
0x6a: {  	[tilespmem:s25], [sflag:$0x5] =	stream.indirect.gather [hbm4b:s4+s23], $0x80, s17, s23, $0x2000b8;
	[tilespmem:$0x1A200] =	vst v63  }
0x6b: {  	s8 =	sor.u32 $0x1A000, s8;
	s29 =	sadd.s32 $0x0, s10;
	_ =	swait.ge [sflag:s26], $0x4000  }
0x6c: {  	s9 =	simm.s32 @p0 $0x0;
	s21 =	sshll.u32 s29, $0x7;
	[sflag:s26] =	ssyncset.done $0x0  }
0x6d: {  	s22 =	sand.u32 $0x1, s29;
	s31 =	smov.u32 s29;
	[sflag:s26] =	ssyncadd.s32 $0xFFFFC000  }
0x6e: {  	[spmem:s1] =	stream.indirect.scatter.add.f32 [tilespmem:s25], [sflag:$0x5], $0x80, s8, s23, $0x2000b8;
	[tilespmem:$0x1A200] =	vst v63  }
0x6f: {  	s21 =	sand.u32 $0x80, s21;
	s10 =	smov.u32 s22;
	_ =	swait.ge [sflag:s26], $0x4000  }
0x70: {  	s0 =	smov.u32 s21;
	s2 =	simm.s32 $0x4C;
	[sflag:s26] =	ssyncset.done $0x0  }
0x71: {  	s8 =	sadd.s32 $0x1, s9;
	s9 =	smov.u32 s30;
	[sflag:s26] =	ssyncadd.s32 $0xFFFFC000  }
.LBB2_4:
0x72: {  	s30 =	sadd.s32 $0x1, s30  }
0x73: {  	p1 =	seq.s32 s30, $0x4F  }
0x74: {  	s12 =	smov.u32 s11;
	_ =	strace $0x9000005F;
	s30 =	simm.s32 @p1 $0x0  }
0x75: {  	s11 =	rddreg [dreg:$0x3];
	p1 =	seq.s32 s9, s30;
	p2 =	sne.s32 s9, s30  }
0x76: {  	s9 =	sadd.s32 $0x1, s22;
	s11 =	sadd.s32 @!p1 s11, s30;
	s22 =	sand.u32 @!p1 $0x1, s12  }
0x77: {  	s13 =	sand.u32 @!p1 $0x1, s8;
	_ =	strace @!p1 $0x8000005B;
	s11 =	sshll.u32 @!p1 s11, $0x4  }
0x78: {  	s17 =	simm.s32 @!p1 $0x0;
	s14 =	sshll.u32 @!p1 s22, $0x7;
	s11 =	sand.u32 @!p1 $0x1FFFFFF0, s11  }
0x79: {  	s22 =	sadd.s32 @!p1 $0x1, s22;
	s14 =	sor.u32 @!p1 $0x1A000, s14;
	s16 =	sadd.s32 @!p1 s5, s11  }
0x7a: {  	[tilespmem:s14], [sflag:s22] =	stream.linear.gather @!p1 [hbm4b:s16+s17], $0x80, $0x200038;
	[tilespmem:$0x1A200] =	vst v63  }
0x7b: {  	s15 =	sshll.u32 @!p1 s13, $0x7;
	s13 =	sadd.s32 @!p1 $0x3, s13;
	_ =	strace @!p1 $0x9000005B  }
0x7c: {  	s11 =	sadd.s32 @!p1 s6, s11;
	s14 =	sor.u32 @!p1 $0x1A100, s15;
	_ =	strace @!p1 $0x8000005C  }
0x7d: {  	[tilespmem:s14], [sflag:s13] =	stream.linear.gather @!p1 [hbm4b:s11+s17], $0x80, $0x200038;
	[tilespmem:$0x1A200] =	vst v63  }
0x7e: {  	_ =	strace @!p1 $0x9000005C  }
0x7f: {  	_ =	strace $0x8000005D  }
0x80: {  	_ =	swait.ge [sflag:s9], $0x80  }
0x81: {  	[sflag:s9] =	ssyncset.done $0x0  }
0x82: {  	[sflag:s9] =	ssyncadd.s32 $0xFFFFFF80  }
0x83: {  	s2 =	sadd.s32 $0xFFFFFFFF, s2;
	_ =	strace $0x9000005D  }
0x84: {  	s0 =	sor.u32 $0x1A000, s0;
	s16 =	sadd.s32 $0x3, s10;
	_ =	strace $0x8000005E  }
0x85: {  	p0 =	sne.s32 s2, $0x0;
	s13 =	simm.s32 $0x1;
	_ =	swait.ge [sflag:s16], $0x80  }
0x86: {  	s15 =	simm.s32 @!p1 $0x1;
	s13 =	simm.s32 @!p2 $0x0;
	[sflag:s16] =	ssyncset.done $0x0  }
0x87: {  	s15 =	simm.s32 @p1 $0x0;
	s29 =	sadd.s32 s13, s29;
	[sflag:s16] =	ssyncadd.s32 $0xFFFFFF80  }
0x88: {  	s8 =	sadd.s32 s8, s15;
	s17 =	sand.u32 $0x1, s29;
	_ =	strace $0x9000005E  }
0x89: {  	s10 =	smov.u32 s17;
	s17 =	sor.u32 $0x1A100, s21;
	_ =	strace $0x8000005F  }
0x8a: {  	[tilespmem:s25], [sflag:$0x5] =	stream.indirect.gather [hbm4b:s4+s23], $0x80, s17, s23, $0x2000b8;
	[tilespmem:$0x1A200] =	vst v63  }
0x8b: {  	s11 =	sadd.s32 @!p1 $0x1, s12;
	s31 =	sadd.s32 s13, s31;
	_ =	swait.ge [sflag:s26], $0x4000  }
0x8c: {  	s11 =	smov.u32 @p1 s12;
	s22 =	sand.u32 $0x1, s31;
	[sflag:s26] =	ssyncset.done $0x0  }
.Ltmp1:
0x8d: {  	s14 =	sshll.u32 s29, $0x7;
	[sflag:s26] =	ssyncadd.s32 $0xFFFFC000;
	(pc) =	sbr.rel @p0 .LBB2_4-.Ltmp1, $4  }
0x8e: {  	[spmem:s1] =	stream.indirect.scatter.add.f32 [tilespmem:s25], [sflag:$0x5], $0x80, s0, s23, $0x2000b8;
	[tilespmem:$0x1A200] =	vst v63  }
0x8f: {  	s15 =	sshll.u32 s31, $0x7;
	s13 =	sand.u32 $0x80, s14;
	_ =	swait.ge [sflag:s26], $0x4000  }
0x90: {  	s14 =	sand.u32 $0x80, s15;
	s9 =	smov.u32 s30;
	[sflag:s26] =	ssyncset.done $0x0  }
0x91: {  	s21 =	smov.u32 s13;
	s0 =	smov.u32 s14;
	[sflag:s26] =	ssyncadd.s32 $0xFFFFC000  }
0x92: {  	s2 =	sadd.s32 $0x1, s30  }
0x93: {  	p0 =	seq.s32 s2, $0x4F  }
0x94: {  	_ =	strace $0x9000005F;
	s2 =	simm.s32 @p0 $0x0  }
0x95: {  	s12 =	rddreg [dreg:$0x3];
	p0 =	seq.s32 s9, s2  }
0x96: {  	s12 =	sadd.s32 @!p0 s12, s2;
	s11 =	sand.u32 @!p0 $0x1, s11  }
0x97: {  	_ =	strace @!p0 $0x8000005B;
	s15 =	simm.s32 @!p0 $0x0;
	s12 =	sshll.u32 @!p0 s12, $0x4  }
0x98: {  	s8 =	sand.u32 @!p0 $0x1, s8;
	s13 =	sshll.u32 @!p0 s11, $0x7;
	s12 =	sand.u32 @!p0 $0x1FFFFFF0, s12  }
0x99: {  	s11 =	sadd.s32 @!p0 $0x1, s11;
	s13 =	sor.u32 @!p0 $0x1A000, s13;
	s14 =	sadd.s32 @!p0 s5, s12  }
0x9a: {  	[tilespmem:s13], [sflag:s11] =	stream.linear.gather @!p0 [hbm4b:s14+s15], $0x80, $0x200038;
	[tilespmem:$0x1A200] =	vst v63  }
0x9b: {  	s12 =	sadd.s32 @!p0 s6, s12;
	s11 =	sshll.u32 @!p0 s8, $0x7;
	_ =	strace @!p0 $0x9000005B  }
0x9c: {  	s8 =	sadd.s32 @!p0 $0x3, s8;
	s11 =	sor.u32 @!p0 $0x1A100, s11;
	_ =	strace @!p0 $0x8000005C  }
0x9d: {  	[tilespmem:s11], [sflag:s8] =	stream.linear.gather @!p0 [hbm4b:s12+s15], $0x80, $0x200038;
	[tilespmem:$0x1A200] =	vst v63  }
0x9e: {  	_ =	strace @!p0 $0x9000005C  }
0x9f: {  	s13 =	sadd.s32 $0x1, s22;
	_ =	strace $0x8000005D  }
0xa0: {  	_ =	swait.ge [sflag:s13], $0x80  }
0xa1: {  	[sflag:s13] =	ssyncset.done $0x0  }
0xa2: {  	[sflag:s13] =	ssyncadd.s32 $0xFFFFFF80  }
0xa3: {  	_ =	strace $0x9000005D  }
0xa4: {  	s14 =	sadd.s32 $0x3, s10;
	_ =	strace $0x8000005E  }
0xa5: {  	_ =	swait.ge [sflag:s14], $0x80  }
0xa6: {  	[sflag:s14] =	ssyncset.done $0x0  }
0xa7: {  	[sflag:s14] =	ssyncadd.s32 $0xFFFFFF80  }
0xa8: {  	_ =	strace $0x9000005E  }
0xa9: {  	s15 =	sor.u32 $0x1A100, s21;
	_ =	strace $0x8000005F  }
0xaa: {  	[tilespmem:s25], [sflag:$0x5] =	stream.indirect.gather [hbm4b:s4+s23], $0x80, s15, s23, $0x2000b8;
	[tilespmem:$0x1A200] =	vst v63  }
0xab: {  	_ =	swait.ge [sflag:s26], $0x4000  }
0xac: {  	[sflag:s26] =	ssyncset.done $0x0  }
0xad: {  	s0 =	sor.u32 $0x1A000, s0;
	[sflag:s26] =	ssyncadd.s32 $0xFFFFC000  }
0xae: {  	[spmem:s1] =	stream.indirect.scatter.add.f32 [tilespmem:s25], [sflag:$0x5], $0x80, s0, s23, $0x2000b8;
	[tilespmem:$0x1A200] =	vst v63  }
0xaf: {  	p0 =	sne.s32 s9, s2;
	s0 =	simm.s32 $0x1;
	_ =	swait.ge [sflag:s26], $0x4000  }
0xb0: {  	s0 =	simm.s32 @!p0 $0x0;
	[sflag:s26] =	ssyncset.done $0x0  }
0xb1: {  	s16 =	sadd.s32 s0, s31;
	[sflag:s26] =	ssyncadd.s32 $0xFFFFC000  }
0xb2: {  	s17 =	sand.u32 $0x1, s16;
	_ =	strace $0x9000005F  }
0xb3: {  	s8 =	sadd.s32 $0x1, s17;
	_ =	strace $0x8000005D  }
0xb4: {  	_ =	swait.ge [sflag:s8], $0x80  }
0xb5: {  	[sflag:s8] =	ssyncset.done $0x0  }
0xb6: {  	s0 =	sadd.s32 s0, s29;
	[sflag:s8] =	ssyncadd.s32 $0xFFFFFF80  }
0xb7: {  	s21 =	sand.u32 $0x1, s0;
	_ =	strace $0x9000005D  }
0xb8: {  	s8 =	sadd.s32 $0x3, s21;
	_ =	strace $0x8000005E  }
0xb9: {  	_ =	swait.ge [sflag:s8], $0x80  }
0xba: {  	[sflag:s8] =	ssyncset.done $0x0  }
0xbb: {  	s0 =	sshll.u32 s0, $0x7;
	[sflag:s8] =	ssyncadd.s32 $0xFFFFFF80  }
0xbc: {  	s0 =	sand.u32 $0x80, s0;
	_ =	strace $0x9000005E  }
0xbd: {  	s0 =	sor.u32 $0x1A100, s0;
	_ =	strace $0x8000005F  }
0xbe: {  	[tilespmem:s25], [sflag:$0x5] =	stream.indirect.gather [hbm4b:s4+s23], $0x80, s0, s23, $0x2000b8;
	[tilespmem:$0x1A200] =	vst v63  }
0xbf: {  	s22 =	sshll.u32 s16, $0x7;
	_ =	swait.ge [sflag:s26], $0x4000  }
0xc0: {  	s0 =	sand.u32 $0x80, s22;
	[sflag:s26] =	ssyncset.done $0x0  }
0xc1: {  	s0 =	sor.u32 $0x1A000, s0;
	[sflag:s26] =	ssyncadd.s32 $0xFFFFC000  }
0xc2: {  	[spmem:s1] =	stream.indirect.scatter.add.f32 [tilespmem:s25], [sflag:$0x5], $0x80, s0, s23, $0x2000b8;
	[tilespmem:$0x1A200] =	vst v63  }
0xc3: {  	_ =	swait.ge [sflag:s26], $0x4000  }
0xc4: {  	[sflag:s26] =	ssyncset.done $0x0  }
0xc5: {  	s29 =	stileid.u32;
	[sflag:s26] =	ssyncadd.s32 $0xFFFFC000  }
0xc6: {  	s0 =	sshll.u32 s29, $0x6;
	_ =	strace $0x9000005F  }
0xc7: {  	s30 =	sshrl.u32 s7, $0x3;
	s0 =	sor.u32 $0x1C01, s0;
	[bflag:$0x0] =	sbarrier.arrive $0xFFFF  }
0xc8: {  	[hbm:s24], [sflag:s0] =	dma.local [spmem:s30], $0x2800  }
0xc9: {  	_ =	swait.ge [sflag:s28], $0x2800  }
0xca: {  	s3 =	sadd.s32 $0x1, s3;
	s31 =	rddreg [dreg:$0x6]  }
0xcb: {  	p0 =	sne.s32 s3, s31  }
.Ltmp2:
0xcc: {  	_ = 	snop;
	(pc) =	sbr.rel @p0 .LBB2_1-.Ltmp2, $3  }
0xcd: {  	_ =	sdelay $0x1  }
0xce: {  	[sflag:s28] =	ssyncset.done $0x0  }
0xcf: {  	[sflag:s28] =	ssyncadd.s32 $0xFFFFD800  }
0xd0: {  	_ =	sfence.sel $0x180000  }
0xd1: {  	[bflag:$0x0] =	sbarrier.arrive $0xFFFF  }
0xd2: {  	_ =	strace $0x90000059  }
0xd3: {  	s0 =	stileid.u32;
	[bflag:$0x2] =	sbarrier.arrive $0xFFFF  }
0xd4: {  	p0 =	sne.s32 s0, $0x0;
	s0 =	rddreg [dreg:$0x2]  }
0xd5: {  	s0 =	sadd.s32 @!p0 $0x100000, s0  }
0xd6: {  	[sflag:s0] =	ssyncadd.tile.s32 @!p0 $0x1;
	_ =	shalt  }
.Lfunc_end2:
_tile_overlayer_lowered:
.L_overlay_start_2:
0xd7: {  	(tag) =	ssettag $0x2  }
0xd8: {  	s0 =	rddreg [dreg:$0x0];
	s2 =	stileid.u32  }
0xd9: {  	s1 =	rddreg [dreg:$0x1];
	p0 =	sne.s32 s2, $0x0  }
0xda: {  	s3 =	rddreg [dreg:$0x2];
	[bflag:$0x3] =	sbarrier.arrive $0xFFFF;
	s2 =	simm.s32 @!p0 $0x1C01  }
0xdb: {  	[timem:s3], [sflag:s2] =	dma.local @!p0 [hbm:s0], s1  }
0xdc: {  	s0 =	simm.s32 @!p0 $0x1  }
0xdd: {  	_ =	swait.ge @!p0 [sflag:s0], s1  }
0xde: {  	s1 =	ssub.s32 @!p0 $0x0, s1;
	[sflag:s0] =	ssyncset.done @!p0 $0x0  }
0xdf: {  	[sflag:s0] =	ssyncadd.s32 @!p0 s1  }
0xe0: {  	[bflag:$0x3] =	sbarrier.arrive $0xFFFF  }
0xe1: {  	_ =	shalt  }

// kernel: kernel.8.cloned.1.call-start
scs
__scs_entry_jumppad:
0x0: {  	(pc) =	sbr.rel $0x88, $3  }
0x1: {  	(tag) =	ssettag $0x0;
	lr =	simm.s32 $0x1  }
0x2: {  	[smem:$0x3F9A] =	sst lr;
	_ =	strace $0xD0000000  }
0x3: {  	_ = 	snop  }
0x4: {  	_ = 	snop  }
0x5: {  	_ = 	snop  }
0x6: {  	_ = 	snop  }
0x7: {  	_ = 	snop  }
__scs_overlays_trampoline_lowered:
0x8: {  	[smem:$0x3FA9] =	sst s0  }
0x9: {  	[smem:$0x3FAA] =	sst s1  }
0xa: {  	[smem:$0x3FAB] =	sst s2  }
0xb: {  	[smem:$0x3FAC] =	sst s3  }
0xc: {  	[smem:$0x3FAD] =	sst s4  }
0xd: {  	[smem:$0x3FAE] =	sst s5  }
0xe: {  	[smem:$0x3FAF] =	sst s6  }
0xf: {  	[smem:$0x3FB0] =	sst s7  }
0x10: {  	[smem:$0x3FB1] =	sst s8  }
0x11: {  	[smem:$0x3FB2] =	sst s9;
	s0 =	simm.s32 @!p0 $0x0  }
0x12: {  	s1 =	sld [smem:$0x3F98];
	s0 =	simm.s32 @p0 $0x1  }
0x13: {  	[smem:$0x3FB3] =	sst s0;
	s0 =	simm.s32 @!p1 $0x0  }
0x14: {  	s2 =	sld [smem:$0x3F97];
	s0 =	simm.s32 @p1 $0x1  }
0x15: {  	[smem:$0x3FB4] =	sst s0;
	s0 =	simm.s32 @!p2 $0x0  }
0x16: {  	s3 =	sld [smem:$0x3FDB];
	s0 =	simm.s32 @p2 $0x1  }
0x17: {  	s4 =	simm.s32 $0x1BF5;
	[smem:$0x3FB6] =	sst s0  }
0x18: {  	s0 =	sld [smem:$0x3F99];
	_ =	swait.ge [sflag:s4], $0x0  }
0x19: {  	s7 =	sld [smem:$0x3F9A]  }
0x1a: {  	s8 =	sadd.s32 $0xFFFFE003, lr  }
0x1b: {  	s9 =	sadd.s32 $0xFFFFFEF7, lr;
	s5 =	simm.s32 $0xFFFFFFFF;
	p2 =	slt.u32 s8, $0xFFFFF086  }
0x1c: {  	p1 =	slt.u32 s9, $0xF7A;
	s5 =	simm.s32 @!p2 $0x0  }
0x1d: {  	s5 =	simm.s32 @p1 $0x1;
	p0 =	seq.s32 s7, s2  }
0x1e: {  	s7 =	smul.u32 @!p0 $0xF7A, s2;
	p2 =	seq.s32 @!p0 s5, $0x0  }
0x1f: {  	s9 =	smul.u32 $0xF7A, s1;
	s8 =	simm.s32 @!p0 $0x1BF5;
	p2 =	por !p2, p0  }
0x20: {  	[sflag:s8] =	ssyncset.s32 @!p0 $0xFFFFF086;
	s6 =	sadd.s32 @!p0 s3, s7;
	s7 =	simm.s32 @!p0 $0x108  }
0x21: {  	s3 =	sadd.s32 s3, s9;
	s6 =	sadd.s32 @!p0 $0x88, s6;
	s7 =	simm.s32 @p2 $0x1082  }
0x22: {  	[simem:s7], [sflag:s8] =	dma.local @!p0 [hbm:s6], $0xF7A  }
0x23: {  	s9 =	sor.u32 $0xD0000000, s2;
	s6 =	simm.s32 $0x108;
	_ =	swait.ge @!p0 [sflag:s8], $0x0  }
0x24: {  	s3 =	sadd.s32 $0x88, s3;
	s6 =	simm.s32 @!p1 $0x1082;
	[sflag:s4] =	ssyncset.s32 $0xFFFFF086  }
0x25: {  	[simem:s6], [sflag:s4] =	dma.local [hbm:s3], $0xF7A  }
0x26: {  	[smem:$0x3F9A] =	sst s1;
	(tag) =	ssettag s2;
	_ =	strace s9  }
0x27: {  	s1 =	sld [smem:$0x3FAA]  }
0x28: {  	s2 =	sld [smem:$0x3FAB]  }
0x29: {  	s4 =	sld [smem:$0x3FAD]  }
0x2a: {  	p0 =	seq.s32 s5, $0x0;
	s5 =	sld [smem:$0x3FAE]  }
0x2b: {  	s6 =	sld [smem:$0x3FAF]  }
0x2c: {  	s7 =	sld [smem:$0x3FB0]  }
0x2d: {  	s3 =	simm.s32 $0x108;
	s8 =	sld [smem:$0x3FB1]  }
0x2e: {  	s3 =	simm.s32 @!p0 $0x1082;
	s9 =	sld [smem:$0x3FB2]  }
0x2f: {  	lr =	sadd.s32 s0, s3;
	s0 =	sld [smem:$0x3FA9]  }
0x30: {  	s3 =	sld [smem:$0x3FAC]  }
0x31: {  	[smem:$0x3FB5] =	sst s10  }
0x32: {  	s10 =	sld [smem:$0x3FB3];
	_ =	sdelay $0x3  }
0x33: {  	p0 =	seq.s32 s10, $0x1;
	s10 =	sld [smem:$0x3FB5];
	_ =	sdelay $0x3  }
0x34: {  	[smem:$0x3FB5] =	sst s10  }
0x35: {  	s10 =	sld [smem:$0x3FB4];
	_ =	sdelay $0x3  }
0x36: {  	p1 =	seq.s32 s10, $0x1;
	s10 =	sld [smem:$0x3FB5];
	_ =	sdelay $0x3  }
0x37: {  	[smem:$0x3FB5] =	sst s10  }
0x38: {  	s10 =	sld [smem:$0x3FB6]  }
0x39: {  	_ = 	snop;
	(pc) =	sbr.ind lr, $3  }
0x3a: {  	_ = 	snop  }
0x3b: {  	_ = 	snop  }
0x3c: {  	p2 =	seq.s32 s10, $0x1;
	s10 =	sld [smem:$0x3FB5]  }
0x3d: {  	_ =	shalt  }
0x3e: {  	_ =	shalt  }
0x3f: {  	_ =	shalt  }
0x40: {  	_ =	shalt  }
0x41: {  	_ =	shalt  }
0x42: {  	_ =	shalt  }
0x43: {  	_ =	shalt  }
0x44: {  	_ =	shalt  }
0x45: {  	_ =	shalt  }
0x46: {  	_ =	shalt  }
0x47: {  	_ =	shalt  }
0x48: {  	_ =	shalt  }
0x49: {  	_ =	shalt  }
0x4a: {  	_ =	shalt  }
0x4b: {  	_ =	shalt  }
0x4c: {  	_ =	shalt  }
0x4d: {  	_ =	shalt  }
0x4e: {  	_ =	shalt  }
0x4f: {  	_ =	shalt  }
0x50: {  	_ =	shalt  }
0x51: {  	_ =	shalt  }
0x52: {  	_ =	shalt  }
0x53: {  	_ =	shalt  }
0x54: {  	_ =	shalt  }
0x55: {  	_ =	shalt  }
0x56: {  	_ =	shalt  }
0x57: {  	_ =	shalt  }
0x58: {  	_ =	shalt  }
0x59: {  	_ =	shalt  }
0x5a: {  	_ =	shalt  }
0x5b: {  	_ =	shalt  }
0x5c: {  	_ =	shalt  }
0x5d: {  	_ =	shalt  }
0x5e: {  	_ =	shalt  }
0x5f: {  	_ =	shalt  }
0x60: {  	_ =	shalt  }
0x61: {  	_ =	shalt  }
0x62: {  	_ =	shalt  }
0x63: {  	_ =	shalt  }
0x64: {  	_ =	shalt  }
0x65: {  	_ =	shalt  }
0x66: {  	_ =	shalt  }
0x67: {  	_ =	shalt  }
0x68: {  	_ =	shalt  }
0x69: {  	_ =	shalt  }
0x6a: {  	_ =	shalt  }
0x6b: {  	_ =	shalt  }
0x6c: {  	_ =	shalt  }
0x6d: {  	_ =	shalt  }
0x6e: {  	_ =	shalt  }
0x6f: {  	_ =	shalt  }
0x70: {  	_ =	shalt  }
0x71: {  	_ =	shalt  }
0x72: {  	_ =	shalt  }
0x73: {  	_ =	shalt  }
0x74: {  	_ =	shalt  }
0x75: {  	_ =	shalt  }
0x76: {  	_ =	shalt  }
0x77: {  	_ =	shalt  }
0x78: {  	_ =	shalt  }
0x79: {  	_ =	shalt  }
0x7a: {  	_ =	shalt  }
0x7b: {  	_ =	shalt  }
0x7c: {  	_ =	shalt  }
0x7d: {  	_ =	shalt  }
0x7e: {  	_ =	shalt  }
0x7f: {  	_ =	shalt  }
0x80: {  	_ =	shalt  }
0x81: {  	_ =	shalt  }
0x82: {  	_ =	shalt  }
0x83: {  	_ =	shalt  }
0x84: {  	_ =	shalt  }
0x85: {  	_ =	shalt  }
0x86: {  	_ =	shalt  }
0x87: {  	_ =	shalt  }
.Lfunc_end0:
.L_simem_size_0:
called_computation_lowered:
.L_overlay_start_0:
0x88: {  	s2 =	sld [smem:$0x3FD9]  }
0x89: {  	s3 =	sld [smem:$0x3FFE];
	_ =	sdelay $0x1  }
0x8a: {  	s1 =	srdreg.scid  }
0x8b: {  	s0 =	sand.u32 $0x1, s1  }
0x8c: {  	s16 =	sshll.u32 s0, $0xA;
	s2 =	sadd.s32 s3, s2  }
0x8d: {  	s2 =	sadd.s32 s2, s16  }
0x8e: {  	[smem:$0x3FC1] =	sst s2  }
0x8f: {  	_ = 	snop  }
0x90: {  	(tm) =	ssettm $0x1  }
0x91: {  	s17 =	sld [smem:$0x3FFB];
	_ =	sdelay $0x3  }
0x92: {  	_ =	strace s17  }
0x93: {  	s2 =	sld [smem:$0x3FFC];
	_ =	sdelay $0x3  }
0x94: {  	_ =	strace s2  }
0x95: {  	s2 =	sld [smem:$0x3FFD];
	_ =	sdelay $0x3  }
0x96: {  	_ =	strace s2  }
0x97: {  	_ =	strace $0x8FFFFFFF  }
0x98: {  	s18 =	sld [smem:$0x3FDB];
	_ =	sdelay $0x1  }
0x99: {  	s19 =	simm.s32 $_scs_section_size  }
0x9a: {  	s4 =	simm.s32 $_size__tile_overlayer_lowered;
	s5 =	simm.s32 $_tile_overlayer_lowered  }
0x9b: {  	s22 =	simm.s32 $0x1BFF;
	s21 =	sshll.u32 s5, $0x1;
	s2 =	sadd.s32 s19, s18  }
0x9c: {  	s6 =	simm.s32 $0x0;
	s20 =	sshll.u32 s4, $0x1;
	s4 =	sadd.s32 s21, s2  }
0x9d: {  	[timem:s6], [sflag:s22] =	dma.local [hbm:s4], s20  }
0x9e: {  	_ =	swait.ge [sflag:s22], s20  }
0x9f: {  	s3 =	ssub.s32 $0x0, s20;
	[sflag:s22] =	ssyncset.done $0x0  }
0xa0: {  	[sflag:s22] =	ssyncadd.s32 s3;
	_ =	sdelay $0x1  }
0xa1: {  	s23 =	simm.s32 $0x1B8B  }
0xa2: {  	_ =	swait.ge [sflag:s23], $0x1  }
0xa3: {  	[sflag:s23] =	ssyncset.done $0x0  }
0xa4: {  	s25 =	simm.s32 $0x1B8E;
	s24 =	sld [smem:$0x3FFE];
	[sflag:s23] =	ssyncadd.s32 $0xFFFFFFFF  }
0xa5: {  	s26 =	simm.s32 $execute0_lowered;
	[smem:$0x3FD2] =	sst s25  }
0xa6: {  	s4 =	sshll.u32 s26, $0x1;
	_ =	strace $0x80000046;
	[dreg:$0x1] =	wrdreg $0xFFFFFFFF  }
0xa7: {  	s28 =	simm.s32 $_size_execute0_lowered;
	s2 =	sadd.s32 s2, s4;
	[dreg:$0x0] =	wrdreg $0x0  }
0xa8: {  	s4 =	sshll.u32 s28, $0x1;
	[dreg:$0x2] =	wrdreg s2  }
0xa9: {  	[dreg:$0x3] =	wrdreg s4  }
0xaa: {  	[dreg:$0x4] =	wrdreg $0xC0  }
0xab: {  	_ =	task [dreg:s6], $0x5FFFF  }
0xac: {  	[dreg:$0x1] =	wrdreg $0xFFFFFFFF  }
0xad: {  	[dreg:$0x0] =	wrdreg $0x60  }
0xae: {  	[dreg:$0x2] =	wrdreg s24  }
0xaf: {  	[dreg:$0x3] =	wrdreg $0x0  }
0xb0: {  	[dreg:$0x4] =	wrdreg $0x9  }
0xb1: {  	_ =	task.clear_ibuf [dreg:s6], $0x5FFFF;
	_ =	strace $0x90000046  }
0xb2: {  	s29 =	simm.s32 $0x9;
	_ =	strace $0x8000004E  }
0xb3: {  	_ =	swait.ge [sflag:s29], $0x1  }
0xb4: {  	[sflag:s29] =	ssyncadd.s32 $0xFFFFFFFF  }
0xb5: {  	_ =	strace $0x9000004E  }
0xb6: {  	_ =	sfence  }
0xb7: {  	s30 =	sld [smem:$0x0];
	_ =	sdelay $0x2  }
0xb8: {  	s31 =	sshll.u32 s1, $0xD;
	s1 =	sshrl.u32 s1, $0x2  }
0xb9: {  	s3 =	sand.u32 $0x4000, s31;
	s1 =	sadd.s32 s1, s30  }
0xba: {  	s0 =	sor.u32 s3, s0;
	s1 =	sshll.u32 s1, $0x11  }
0xbb: {  	s0 =	sor.u32 s1, s0  }
0xbc: {  	s0 =	sadd.s32 $0x8F2B, s0  }
0xbd: {  	[sflag:s0] =	ssyncadd.remote.s32 $0x1  }
0xbe: {  	_ =	sfence.sel $0xFFFF  }
0xbf: {  	[dreg:$0x0] =	wrdreg $0xFFFFFFFF;
	(pc) =	sbr.abs _section_cstart, $3  }
0xc0: {  	[dreg:$0x1] =	wrdreg $0xFFFFFFFF  }
0xc1: {  	_ =	task.clear_ibuf [dreg:s6], $0x2FFFF;
	_ =	strace $0x9FFFFFFF  }
0xc2: {  	(tm) =	ssettm $0x7FFFFFFF  }
0xc3: {  	_ =	shalt  }
tec
execute0_lowered:
.L_overlay_start_1:
0x0: {  	(tag) =	ssettag $0x1  }
0x1: {  	s0 =	rddreg [dreg:$0x0]  }
0x2: {  	s1 =	rddreg [dreg:$0x1];
	s3 =	simm.s32 $0x0;
	s2 =	srdreg.scid  }
0x3: {  	s10 =	stileid.u32;
	s29 =	simm.s32 $0x80;
	s30 =	simm.s32 $0x5  }
0x4: {  	s31 =	simm.s32 $0x0;
	[smem:$0x7FF] =	sst s3;
	s2 =	sand.u32 $0x1, s2  }
0x5: {  	s4 =	sadd.s32 $0xD400, s0;
	s5 =	sadd.s32 $0x3600, s0;
	s7 =	sadd.s32 $0x17A00, s0  }
0x6: {  	s8 =	sadd.s32 $0x17200, s0;
	s9 =	smul.u32 $0x50000, s10;
	s11 =	sshll.u32 s2, $0x4  }
0x7: {  	_ =	strace $0x80000047;
	s6 =	smul.u32 $0x28000, s2;
	s3 =	sor.u32 s10, s11  }
0x8: {  	[dreg:$0x4] =	wrdreg s7;
	s2 =	ssub.s32 $0x2, s2;
	s12 =	smul.u32 $0x2780, s3  }
0x9: {  	[dreg:$0x5] =	wrdreg s8;
	s14 =	sshrl.u32 s2, $0x1;
	s13 =	smul.u32 $0x380, s3  }
0xa: {  	s15 =	sshrl.u32 s9, $0x2;
	s3 =	smul.u32 $0x4F, s3;
	s2 =	ssub.s32 s2, s14  }
0xb: {  	s2 =	smax.u32 s2, $0x1;
	s7 =	sand.u32 $0x7FC00, s12;
	s8 =	sand.u32 $0x380, s13  }
0xc: {  	[dreg:$0x3] =	wrdreg s3;
	s7 =	sor.u32 s8, s7;
	s8 =	sadd.s32 s15, s1  }
0xd: {  	s18 =	smul.u32 $0x2800, s10;
	[dreg:$0x8] =	wrdreg s2;
	s21 =	sadd.s32 $0x2000, s8  }
0xe: {  	s0 =	sadd.s32 s6, s0;
	s22 =	sadd.s32 $0x4000, s8;
	[dreg:$0x9] =	wrdreg s21  }
0xf: {  	s0 =	sadd.s32 $0x18200, s0;
	s23 =	sadd.s32 $0x6000, s8;
	[dreg:$0xa] =	wrdreg s22  }
0x10: {  	s16 =	sshrl.u32 s7, $0x3;
	s24 =	sadd.s32 $0x8000, s8;
	[dreg:$0xb] =	wrdreg s23  }
0x11: {  	s25 =	sadd.s32 $0xA000, s8;
	s26 =	sadd.s32 $0xC000, s8;
	[dreg:$0xc] =	wrdreg s24  }
0x12: {  	s28 =	sadd.s32 $0xE000, s8;
	s19 =	sadd.s32 $0x10000, s8;
	[dreg:$0xd] =	wrdreg s25  }
0x13: {  	s20 =	sadd.s32 $0x12000, s8;
	s17 =	sadd.s32 s4, s16;
	[dreg:$0xe] =	wrdreg s26  }
0x14: {  	s3 =	sadd.s32 s5, s16;
	[dreg:$0xf] =	wrdreg s28;
	s21 =	simm.s32 $0x14000  }
0x15: {  	s22 =	simm.s32 $0x1;
	s23 =	simm.s32 $0x18000;
	[dreg:$0x6] =	wrdreg s17  }
0x16: {  	v0 =	vimm.f32 $0.0e+00;
	s24 =	sadd.s32 s18, s0;
	s25 =	simm.s32 $0x1C000;
	[dreg:$0x7] =	wrdreg s3  }
.LBB2_1:
0x17: {  	s0 =	simm.s32 $0x0;
	s2 =	rddreg [dreg:$0x4]  }
0x18: {  	[tilespmem:s21], [sflag:$0x1] =	stream.linear.gather [hbm4b:s2+s0], $0x4000, $0x38;
	[tilespmem:$0x1E200] =	vst v63  }
0x19: {  	_ =	swait.ge [sflag:s22], $0x4000  }
0x1a: {  	[sflag:s22] =	ssyncset.done $0x0  }
0x1b: {  	s28 =	rddreg [dreg:$0x5];
	[sflag:s22] =	ssyncadd.s32 $0xFFFFC000  }
0x1c: {  	[tilespmem:s23], [sflag:$0x1] =	stream.linear.gather [hbm4b:s28+s0], $0x4000, $0x38;
	[tilespmem:$0x1E200] =	vst v63  }
0x1d: {  	_ =	swait.ge [sflag:s22], $0x4000  }
0x1e: {  	[sflag:s22] =	ssyncset.done $0x0  }
0x1f: {  	s2 =	simm.s32 $0x200;
	s0 =	simm.s32 $0x0;
	[sflag:s22] =	ssyncadd.s32 $0xFFFFC000  }
.LBB2_2:
0x20: {  	p0 =	sne.s32 s2, $0x7E00;
	[tilespmem:s0+$0x1C070] =	vst v0  }
0x21: {  	[tilespmem:s0+$0x1C000] =	vst v0  }
0x22: {  	[tilespmem:s0+$0x1C010] =	vst v0  }
.Ltmp0:
0x23: {  	[tilespmem:s0+$0x1C020] =	vst v0;
	(pc) =	sbr.rel @p0 .LBB2_2-.Ltmp0, $4  }
0x24: {  	[tilespmem:s0+$0x1C030] =	vst v0  }
0x25: {  	[tilespmem:s0+$0x1C040] =	vst v0  }
0x26: {  	[tilespmem:s0+$0x1C050] =	vst v0  }
0x27: {  	[tilespmem:s0+$0x1C060] =	vst v0;
	s0 =	sshra.s32 s2, $0x2;
	s2 =	sadd.s32 $0x200, s2  }
0x28: {  	[tilespmem:s0+$0x1C070] =	vst v0  }
0x29: {  	[tilespmem:s0+$0x1C000] =	vst v0  }
0x2a: {  	[tilespmem:s0+$0x1C010] =	vst v0  }
0x2b: {  	[tilespmem:s0+$0x1C020] =	vst v0  }
0x2c: {  	[tilespmem:s0+$0x1C030] =	vst v0  }
0x2d: {  	[tilespmem:s0+$0x1C040] =	vst v0  }
0x2e: {  	[tilespmem:s0+$0x1C050] =	vst v0  }
0x2f: {  	[tilespmem:s0+$0x1C060] =	vst v0;
	s0 =	simm.s32 $0x1  }
0x30: {  	[spmem:s8] =	stream.linear.scatter [tilespmem:s25], [sflag:$0x1], $0x2000, $0x38;
	[tilespmem:$0x1E200] =	vst v63  }
0x31: {  	_ =	swait.ge [sflag:s0], $0x2000  }
0x32: {  	[sflag:s0] =	ssyncset.done $0x0  }
0x33: {  	s2 =	rddreg [dreg:$0x9];
	[sflag:s0] =	ssyncadd.s32 $0xFFFFE000  }
0x34: {  	[spmem:s2] =	stream.linear.scatter [tilespmem:s25], [sflag:$0x1], $0x2000, $0x38;
	[tilespmem:$0x1E200] =	vst v63  }
0x35: {  	_ =	swait.ge [sflag:s0], $0x2000  }
0x36: {  	[sflag:s0] =	ssyncset.done $0x0  }
0x37: {  	s12 =	rddreg [dreg:$0xa];
	[sflag:s0] =	ssyncadd.s32 $0xFFFFE000  }
0x38: {  	[spmem:s12] =	stream.linear.scatter [tilespmem:s25], [sflag:$0x1], $0x2000, $0x38;
	[tilespmem:$0x1E200] =	vst v63  }
0x39: {  	_ =	swait.ge [sflag:s0], $0x2000  }
0x3a: {  	[sflag:s0] =	ssyncset.done $0x0  }
0x3b: {  	s13 =	rddreg [dreg:$0xb];
	[sflag:s0] =	ssyncadd.s32 $0xFFFFE000  }
0x3c: {  	[spmem:s13] =	stream.linear.scatter [tilespmem:s25], [sflag:$0x1], $0x2000, $0x38;
	[tilespmem:$0x1E200] =	vst v63  }
0x3d: {  	_ =	swait.ge [sflag:s0], $0x2000  }
0x3e: {  	[sflag:s0] =	ssyncset.done $0x0  }
0x3f: {  	s14 =	rddreg [dreg:$0xc];
	[sflag:s0] =	ssyncadd.s32 $0xFFFFE000  }
0x40: {  	[spmem:s14] =	stream.linear.scatter [tilespmem:s25], [sflag:$0x1], $0x2000, $0x38;
	[tilespmem:$0x1E200] =	vst v63  }
0x41: {  	_ =	swait.ge [sflag:s0], $0x2000  }
0x42: {  	[sflag:s0] =	ssyncset.done $0x0  }
0x43: {  	s15 =	rddreg [dreg:$0xd];
	[sflag:s0] =	ssyncadd.s32 $0xFFFFE000  }
0x44: {  	[spmem:s15] =	stream.linear.scatter [tilespmem:s25], [sflag:$0x1], $0x2000, $0x38;
	[tilespmem:$0x1E200] =	vst v63  }
0x45: {  	_ =	swait.ge [sflag:s0], $0x2000  }
0x46: {  	[sflag:s0] =	ssyncset.done $0x0  }
0x47: {  	s16 =	rddreg [dreg:$0xe];
	[sflag:s0] =	ssyncadd.s32 $0xFFFFE000  }
0x48: {  	[spmem:s16] =	stream.linear.scatter [tilespmem:s25], [sflag:$0x1], $0x2000, $0x38;
	[tilespmem:$0x1E200] =	vst v63  }
0x49: {  	_ =	swait.ge [sflag:s0], $0x2000  }
0x4a: {  	[sflag:s0] =	ssyncset.done $0x0  }
0x4b: {  	s17 =	rddreg [dreg:$0xf];
	[sflag:s0] =	ssyncadd.s32 $0xFFFFE000  }
0x4c: {  	[spmem:s17] =	stream.linear.scatter [tilespmem:s25], [sflag:$0x1], $0x2000, $0x38;
	[tilespmem:$0x1E200] =	vst v63  }
0x4d: {  	_ =	swait.ge [sflag:s0], $0x2000  }
0x4e: {  	[sflag:s0] =	ssyncset.done $0x0  }
0x4f: {  	[sflag:s0] =	ssyncadd.s32 $0xFFFFE000  }
0x50: {  	[spmem:s19] =	stream.linear.scatter [tilespmem:s25], [sflag:$0x1], $0x2000, $0x38;
	[tilespmem:$0x1E200] =	vst v63  }
0x51: {  	_ =	swait.ge [sflag:s0], $0x2000  }
0x52: {  	[sflag:s0] =	ssyncset.done $0x0  }
0x53: {  	[sflag:s0] =	ssyncadd.s32 $0xFFFFE000  }
0x54: {  	[spmem:s20] =	stream.linear.scatter [tilespmem:s25], [sflag:$0x1], $0x2000, $0x38;
	[tilespmem:$0x1E200] =	vst v63  }
0x55: {  	_ =	swait.ge [sflag:s0], $0x2000  }
0x56: {  	[sflag:s0] =	ssyncset.done $0x0  }
0x57: {  	[sflag:s0] =	ssyncadd.s32 $0xFFFFE000  }
0x58: {  	[bflag:$0x0] =	sbarrier.arrive $0xFFFF  }
0x59: {  	s18 =	simm.s32 $0x0;
	_ =	strace $0x80000048  }
0x5a: {  	s6 =	simm.s32 $0x1E000;
	s26 =	simm.s32 $0x1;
	s3 =	rddreg [dreg:$0x6]  }
0x5b: {  	[tilespmem:s6], [sflag:$0x1] =	stream.linear.gather [hbm4b:s3+s18], $0x80, $0x200038;
	[tilespmem:$0x1E200] =	vst v63  }
0x5c: {  	p0 =	por $0x0, $0x0;
	s14 =	simm.s32 $0x1E100;
	s13 =	rddreg [dreg:$0x7]  }
0x5d: {  	[tilespmem:s14], [sflag:$0x3] =	stream.linear.gather [hbm4b:s13+s18], $0x80, $0x200038;
	[tilespmem:$0x1E200] =	vst v63  }
0x5e: {  	s26 =	simm.s32 @p0 $0x0;
	_ =	strace $0x90000048  }
0x5f: {  	p0 =	seq.s32 s26, $0x0;
	s3 =	rddreg [dreg:$0x3]  }
0x60: {  	s3 =	sadd.s32 @!p0 s3, s26  }
0x61: {  	s12 =	simm.s32 @!p0 $0x0;
	s6 =	sand.u32 @!p0 $0x1, s0;
	s3 =	sshll.u32 @!p0 s3, $0x4  }
0x62: {  	s7 =	sshll.u32 @!p0 s6, $0x7;
	s9 =	sadd.s32 @!p0 $0x1, s6;
	s3 =	sand.u32 @!p0 $0x1FFFFFF0, s3  }
0x63: {  	s10 =	sor.u32 @!p0 $0x1E000, s7;
	_ =	strace @!p0 $0x80000049;
	s11 =	sadd.s32 @!p0 s4, s3  }
0x64: {  	[tilespmem:s10], [sflag:s9] =	stream.linear.gather @!p0 [hbm4b:s11+s12], $0x80, $0x200038;
	[tilespmem:$0x1E200] =	vst v63  }
0x65: {  	s6 =	sadd.s32 @!p0 $0x3, s6;
	_ =	strace @!p0 $0x90000049  }
0x66: {  	s7 =	sor.u32 @!p0 $0x1E100, s7;
	s3 =	sadd.s32 @!p0 s5, s3;
	_ =	strace @!p0 $0x8000004A  }
0x67: {  	[tilespmem:s7], [sflag:s6] =	stream.linear.gather @!p0 [hbm4b:s3+s12], $0x80, $0x200038;
	[tilespmem:$0x1E200] =	vst v63  }
0x68: {  	s2 =	sand.u32 $0x1, s18;
	_ =	strace @!p0 $0x9000004A  }
0x69: {  	s15 =	sadd.s32 $0x1, s2;
	_ =	strace $0x8000004B  }
0x6a: {  	_ =	swait.ge [sflag:s15], $0x80  }
0x6b: {  	[sflag:s15] =	ssyncset.done $0x0  }
0x6c: {  	[sflag:s15] =	ssyncadd.s32 $0xFFFFFF80  }
0x6d: {  	_ =	strace $0x9000004B  }
0x6e: {  	s2 =	sadd.s32 $0x3, s2;
	_ =	strace $0x8000004C  }
0x6f: {  	s16 =	simm.s32 $0x0;
	_ =	swait.ge [sflag:s2], $0x80  }
0x70: {  	p1 =	sne.s32 s26, $0x0;
	s17 =	sand.u32 $0x80, s16;
	[sflag:s2] =	ssyncset.done $0x0  }
0x71: {  	s10 =	smov.u32 s26;
	s7 =	simm.s32 $0x4C;
	[sflag:s2] =	ssyncadd.s32 $0xFFFFFF80  }
0x72: {  	s3 =	sor.u32 $0x1E100, s17;
	s6 =	simm.s32 $0x1;
	_ =	strace $0x9000004C  }
0x73: {  	s12 =	simm.s32 @!p0 $0x2;
	s6 =	simm.s32 @!p1 $0x0;
	_ =	strace $0x8000004D  }
0x74: {  	[spmem:s1] =	stream.indirect.scatter.add.f32 [tilespmem:s21], [sflag:$0x5], $0x80, s3, s29, $0x2000b8;
	[tilespmem:$0x1E200] =	vst v63  }
0x75: {  	s12 =	smov.u32 @p0 s0;
	s28 =	sadd.s32 $0x0, s6;
	_ =	swait.ge [sflag:s30], $0x4000  }
0x76: {  	s18 =	sshll.u32 s28, $0x7;
	s6 =	sand.u32 $0x1, s28;
	[sflag:s30] =	ssyncset.done $0x0  }
0x77: {  	s0 =	smov.u32 s28;
	s2 =	sor.u32 $0x1E000, s17;
	[sflag:s30] =	ssyncadd.s32 $0xFFFFC000  }
0x78: {  	[spmem:s1] =	stream.indirect.scatter.add.f32 [tilespmem:s23], [sflag:$0x5], $0x80, s2, s29, $0x2000b8;
	[tilespmem:$0x1E200] =	vst v63  }
0x79: {  	s11 =	smov.u32 s6;
	s3 =	simm.s32 @!p0 $0x1;
	_ =	swait.ge [sflag:s30], $0x4000  }
0x7a: {  	s3 =	simm.s32 @p0 $0x0;
	s2 =	sand.u32 $0x80, s18;
	[sflag:s30] =	ssyncset.done $0x0  }
0x7b: {  	s9 =	sadd.s32 $0x1, s3;
	s3 =	smov.u32 s2;
	[sflag:s30] =	ssyncadd.s32 $0xFFFFC000  }
.LBB2_4:
0x7c: {  	s26 =	sadd.s32 $0x1, s26  }
0x7d: {  	p1 =	seq.s32 s26, $0x4F  }
0x7e: {  	s13 =	smov.u32 s12;
	_ =	strace $0x9000004D;
	s26 =	simm.s32 @p1 $0x0  }
0x7f: {  	s12 =	rddreg [dreg:$0x3];
	p1 =	seq.s32 s10, s26;
	p2 =	sne.s32 s10, s26  }
0x80: {  	s10 =	sadd.s32 $0x1, s6;
	s6 =	sadd.s32 @!p1 s12, s26;
	s12 =	sand.u32 @!p1 $0x1, s13  }
0x81: {  	s14 =	sand.u32 @!p1 $0x1, s9;
	_ =	strace @!p1 $0x80000049;
	s6 =	sshll.u32 @!p1 s6, $0x4  }
0x82: {  	s18 =	simm.s32 @!p1 $0x0;
	s15 =	sshll.u32 @!p1 s12, $0x7;
	s6 =	sand.u32 @!p1 $0x1FFFFFF0, s6  }
0x83: {  	s12 =	sadd.s32 @!p1 $0x1, s12;
	s15 =	sor.u32 @!p1 $0x1E000, s15;
	s17 =	sadd.s32 @!p1 s4, s6  }
0x84: {  	[tilespmem:s15], [sflag:s12] =	stream.linear.gather @!p1 [hbm4b:s17+s18], $0x80, $0x200038;
	[tilespmem:$0x1E200] =	vst v63  }
0x85: {  	s16 =	sshll.u32 @!p1 s14, $0x7;
	s14 =	sadd.s32 @!p1 $0x3, s14;
	_ =	strace @!p1 $0x90000049  }
0x86: {  	s6 =	sadd.s32 @!p1 s5, s6;
	s12 =	sor.u32 @!p1 $0x1E100, s16;
	_ =	strace @!p1 $0x8000004A  }
0x87: {  	[tilespmem:s12], [sflag:s14] =	stream.linear.gather @!p1 [hbm4b:s6+s18], $0x80, $0x200038;
	[tilespmem:$0x1E200] =	vst v63  }
0x88: {  	_ =	strace @!p1 $0x9000004A  }
0x89: {  	_ =	strace $0x8000004B  }
0x8a: {  	_ =	swait.ge [sflag:s10], $0x80  }
0x8b: {  	[sflag:s10] =	ssyncset.done $0x0  }
0x8c: {  	[sflag:s10] =	ssyncadd.s32 $0xFFFFFF80  }
0x8d: {  	s7 =	sadd.s32 $0xFFFFFFFF, s7;
	_ =	strace $0x9000004B  }
0x8e: {  	s3 =	sor.u32 $0x1E000, s3;
	s17 =	sadd.s32 $0x3, s11;
	_ =	strace $0x8000004C  }
0x8f: {  	p0 =	sne.s32 s7, $0x0;
	s6 =	simm.s32 $0x1;
	_ =	swait.ge [sflag:s17], $0x80  }
0x90: {  	s15 =	simm.s32 @!p1 $0x1;
	s6 =	simm.s32 @!p2 $0x0;
	[sflag:s17] =	ssyncset.done $0x0  }
0x91: {  	s15 =	simm.s32 @p1 $0x0;
	s28 =	sadd.s32 s6, s28;
	[sflag:s17] =	ssyncadd.s32 $0xFFFFFF80  }
0x92: {  	s9 =	sadd.s32 s9, s15;
	s18 =	sand.u32 $0x1, s28;
	_ =	strace $0x9000004C  }
0x93: {  	s11 =	smov.u32 s18;
	s18 =	sor.u32 $0x1E100, s2;
	_ =	strace $0x8000004D  }
0x94: {  	[spmem:s1] =	stream.indirect.scatter.add.f32 [tilespmem:s21], [sflag:$0x5], $0x80, s18, s29, $0x2000b8;
	[tilespmem:$0x1E200] =	vst v63  }
0x95: {  	s12 =	sadd.s32 @!p1 $0x1, s13;
	s0 =	sadd.s32 s6, s0;
	_ =	swait.ge [sflag:s30], $0x4000  }
0x96: {  	s12 =	smov.u32 @p1 s13;
	s6 =	sand.u32 $0x1, s0;
	[sflag:s30] =	ssyncset.done $0x0  }
.Ltmp1:
0x97: {  	s15 =	sshll.u32 s28, $0x7;
	[sflag:s30] =	ssyncadd.s32 $0xFFFFC000;
	(pc) =	sbr.rel @p0 .LBB2_4-.Ltmp1, $4  }
0x98: {  	[spmem:s1] =	stream.indirect.scatter.add.f32 [tilespmem:s23], [sflag:$0x5], $0x80, s3, s29, $0x2000b8;
	[tilespmem:$0x1E200] =	vst v63  }
0x99: {  	s16 =	sshll.u32 s0, $0x7;
	s14 =	sand.u32 $0x80, s15;
	_ =	swait.ge [sflag:s30], $0x4000  }
0x9a: {  	s15 =	sand.u32 $0x80, s16;
	s10 =	smov.u32 s26;
	[sflag:s30] =	ssyncset.done $0x0  }
0x9b: {  	s2 =	smov.u32 s14;
	s3 =	smov.u32 s15;
	[sflag:s30] =	ssyncadd.s32 $0xFFFFC000  }
0x9c: {  	s7 =	sadd.s32 $0x1, s26  }
0x9d: {  	p0 =	seq.s32 s7, $0x4F  }
0x9e: {  	_ =	strace $0x9000004D;
	s7 =	simm.s32 @p0 $0x0  }
0x9f: {  	s13 =	rddreg [dreg:$0x3];
	p0 =	seq.s32 s10, s7  }
0xa0: {  	s13 =	sadd.s32 @!p0 s13, s7;
	s12 =	sand.u32 @!p0 $0x1, s12  }
0xa1: {  	_ =	strace @!p0 $0x80000049;
	s16 =	simm.s32 @!p0 $0x0;
	s13 =	sshll.u32 @!p0 s13, $0x4  }
0xa2: {  	s9 =	sand.u32 @!p0 $0x1, s9;
	s14 =	sshll.u32 @!p0 s12, $0x7;
	s13 =	sand.u32 @!p0 $0x1FFFFFF0, s13  }
0xa3: {  	s12 =	sadd.s32 @!p0 $0x1, s12;
	s14 =	sor.u32 @!p0 $0x1E000, s14;
	s15 =	sadd.s32 @!p0 s4, s13  }
0xa4: {  	[tilespmem:s14], [sflag:s12] =	stream.linear.gather @!p0 [hbm4b:s15+s16], $0x80, $0x200038;
	[tilespmem:$0x1E200] =	vst v63  }
0xa5: {  	s13 =	sadd.s32 @!p0 s5, s13;
	s12 =	sshll.u32 @!p0 s9, $0x7;
	_ =	strace @!p0 $0x90000049  }
0xa6: {  	s9 =	sadd.s32 @!p0 $0x3, s9;
	s12 =	sor.u32 @!p0 $0x1E100, s12;
	_ =	strace @!p0 $0x8000004A  }
0xa7: {  	[tilespmem:s12], [sflag:s9] =	stream.linear.gather @!p0 [hbm4b:s13+s16], $0x80, $0x200038;
	[tilespmem:$0x1E200] =	vst v63  }
0xa8: {  	_ =	strace @!p0 $0x9000004A  }
0xa9: {  	s6 =	sadd.s32 $0x1, s6;
	_ =	strace $0x8000004B  }
0xaa: {  	_ =	swait.ge [sflag:s6], $0x80  }
0xab: {  	[sflag:s6] =	ssyncset.done $0x0  }
0xac: {  	[sflag:s6] =	ssyncadd.s32 $0xFFFFFF80  }
0xad: {  	_ =	strace $0x9000004B  }
0xae: {  	s14 =	sadd.s32 $0x3, s11;
	_ =	strace $0x8000004C  }
0xaf: {  	_ =	swait.ge [sflag:s14], $0x80  }
0xb0: {  	[sflag:s14] =	ssyncset.done $0x0  }
0xb1: {  	[sflag:s14] =	ssyncadd.s32 $0xFFFFFF80  }
0xb2: {  	_ =	strace $0x9000004C  }
0xb3: {  	s2 =	sor.u32 $0x1E100, s2;
	_ =	strace $0x8000004D  }
0xb4: {  	[spmem:s1] =	stream.indirect.scatter.add.f32 [tilespmem:s21], [sflag:$0x5], $0x80, s2, s29, $0x2000b8;
	[tilespmem:$0x1E200] =	vst v63  }
0xb5: {  	_ =	swait.ge [sflag:s30], $0x4000  }
0xb6: {  	[sflag:s30] =	ssyncset.done $0x0  }
0xb7: {  	s15 =	sor.u32 $0x1E000, s3;
	[sflag:s30] =	ssyncadd.s32 $0xFFFFC000  }
0xb8: {  	[spmem:s1] =	stream.indirect.scatter.add.f32 [tilespmem:s23], [sflag:$0x5], $0x80, s15, s29, $0x2000b8;
	[tilespmem:$0x1E200] =	vst v63  }
0xb9: {  	p0 =	sne.s32 s10, s7;
	s2 =	simm.s32 $0x1;
	_ =	swait.ge [sflag:s30], $0x4000  }
0xba: {  	s2 =	simm.s32 @!p0 $0x0;
	[sflag:s30] =	ssyncset.done $0x0  }
0xbb: {  	s0 =	sadd.s32 s2, s0;
	[sflag:s30] =	ssyncadd.s32 $0xFFFFC000  }
0xbc: {  	s16 =	sand.u32 $0x1, s0;
	_ =	strace $0x9000004D  }
0xbd: {  	s3 =	sadd.s32 $0x1, s16;
	_ =	strace $0x8000004B  }
0xbe: {  	_ =	swait.ge [sflag:s3], $0x80  }
0xbf: {  	[sflag:s3] =	ssyncset.done $0x0  }
0xc0: {  	s2 =	sadd.s32 s2, s28;
	[sflag:s3] =	ssyncadd.s32 $0xFFFFFF80  }
0xc1: {  	s17 =	sand.u32 $0x1, s2;
	_ =	strace $0x9000004B  }
0xc2: {  	s3 =	sadd.s32 $0x3, s17;
	_ =	strace $0x8000004C  }
0xc3: {  	_ =	swait.ge [sflag:s3], $0x80  }
0xc4: {  	[sflag:s3] =	ssyncset.done $0x0  }
0xc5: {  	s2 =	sshll.u32 s2, $0x7;
	[sflag:s3] =	ssyncadd.s32 $0xFFFFFF80  }
0xc6: {  	s2 =	sand.u32 $0x80, s2;
	_ =	strace $0x9000004C  }
0xc7: {  	s2 =	sor.u32 $0x1E100, s2;
	_ =	strace $0x8000004D  }
0xc8: {  	[spmem:s1] =	stream.indirect.scatter.add.f32 [tilespmem:s21], [sflag:$0x5], $0x80, s2, s29, $0x2000b8;
	[tilespmem:$0x1E200] =	vst v63  }
0xc9: {  	s0 =	sshll.u32 s0, $0x7;
	_ =	swait.ge [sflag:s30], $0x4000  }
0xca: {  	s0 =	sand.u32 $0x80, s0;
	[sflag:s30] =	ssyncset.done $0x0  }
0xcb: {  	s0 =	sor.u32 $0x1E000, s0;
	[sflag:s30] =	ssyncadd.s32 $0xFFFFC000  }
0xcc: {  	[spmem:s1] =	stream.indirect.scatter.add.f32 [tilespmem:s23], [sflag:$0x5], $0x80, s0, s29, $0x2000b8;
	[tilespmem:$0x1E200] =	vst v63  }
0xcd: {  	_ =	swait.ge [sflag:s30], $0x4000  }
0xce: {  	[sflag:s30] =	ssyncset.done $0x0  }
0xcf: {  	s18 =	stileid.u32;
	[sflag:s30] =	ssyncadd.s32 $0xFFFFC000  }
0xd0: {  	s0 =	sshll.u32 s18, $0x6;
	_ =	strace $0x9000004D  }
0xd1: {  	s26 =	sshrl.u32 s8, $0x3;
	s0 =	sor.u32 $0x1C01, s0;
	[bflag:$0x0] =	sbarrier.arrive $0xFFFF  }
0xd2: {  	[hbm:s24], [sflag:s0] =	dma.local [spmem:s26], $0x2800  }
0xd3: {  	_ =	swait.ge [sflag:s22], $0x2800  }
0xd4: {  	s31 =	sadd.s32 $0x1, s31;
	s28 =	rddreg [dreg:$0x8]  }
0xd5: {  	p0 =	sne.s32 s31, s28  }
.Ltmp2:
0xd6: {  	_ = 	snop;
	(pc) =	sbr.rel @p0 .LBB2_1-.Ltmp2, $3  }
0xd7: {  	_ =	sdelay $0x1  }
0xd8: {  	[sflag:s22] =	ssyncset.done $0x0  }
0xd9: {  	[sflag:s22] =	ssyncadd.s32 $0xFFFFD800  }
0xda: {  	_ =	sfence.sel $0x180000  }
0xdb: {  	[bflag:$0x0] =	sbarrier.arrive $0xFFFF  }
0xdc: {  	_ =	strace $0x90000047  }
0xdd: {  	s0 =	stileid.u32;
	[bflag:$0x2] =	sbarrier.arrive $0xFFFF  }
0xde: {  	p0 =	sne.s32 s0, $0x0;
	s0 =	rddreg [dreg:$0x2]  }
0xdf: {  	s0 =	sadd.s32 @!p0 $0x100000, s0  }
0xe0: {  	[sflag:s0] =	ssyncadd.tile.s32 @!p0 $0x1;
	_ =	shalt  }
.Lfunc_end2:
_tile_overlayer_lowered:
.L_overlay_start_2:
0xe1: {  	(tag) =	ssettag $0x2  }
0xe2: {  	s0 =	rddreg [dreg:$0x0];
	s2 =	stileid.u32  }
0xe3: {  	s1 =	rddreg [dreg:$0x1];
	p0 =	sne.s32 s2, $0x0  }
0xe4: {  	s3 =	rddreg [dreg:$0x2];
	[bflag:$0x3] =	sbarrier.arrive $0xFFFF;
	s2 =	simm.s32 @!p0 $0x1C01  }
0xe5: {  	[timem:s3], [sflag:s2] =	dma.local @!p0 [hbm:s0], s1  }
0xe6: {  	s0 =	simm.s32 @!p0 $0x1  }
0xe7: {  	_ =	swait.ge @!p0 [sflag:s0], s1  }
0xe8: {  	s1 =	ssub.s32 @!p0 $0x0, s1;
	[sflag:s0] =	ssyncset.done @!p0 $0x0  }
0xe9: {  	[sflag:s0] =	ssyncadd.s32 @!p0 s1  }
0xea: {  	[bflag:$0x3] =	sbarrier.arrive $0xFFFF  }
0xeb: {  	_ =	shalt  }

</sc_bundles>
